<compile_context>
chip_gen: v7x
topology: tpu7x:2x2x1
jax: 0.10.2.dev20260603
libtpu: 0.0.44.dev20260713+nightly
codegen_flags: <defaults>
</compile_context>

<pallas_src>
import functools

import jax
import jax.numpy as jnp
from jax import lax
from jax.experimental import pallas as pl
from jax.experimental.pallas import tpu as pltpu
from jax.experimental.pallas import tpu_sc as plsc

RES = 256
N = 1048576
NW = 32
P = N // NW
C = 256
G = C // 16
NCHUNK = P // C
NROW8 = RES * RES * RES * 3 // 8

_mesh = plsc.VectorSubcoreMesh(core_axis_name="c", subcore_axis_name="s")


@functools.partial(
    pl.kernel,
    mesh=_mesh,
    out_type=tuple(jax.ShapeDtypeStruct((N,), jnp.float32) for _ in range(3)),
    compiler_params=pltpu.CompilerParams(
        use_tc_tiling_on_sc=False, needs_layout_passes=False),
    scratch_types=[
        tuple(tuple(pltpu.VMEM((C,), jnp.float32) for _ in range(3))
              for _ in range(2)),
        tuple(pltpu.VMEM((24 * C,), jnp.int32) for _ in range(2)),
        pltpu.VMEM((4, C), jnp.int32),
        tuple(pltpu.VMEM((24 * C, 8), jnp.float32) for _ in range(2)),
        pltpu.VMEM((6, C), jnp.float32),
        tuple(pltpu.VMEM((C,), jnp.float32) for _ in range(3)),
        tuple(pltpu.SemaphoreType.DMA for _ in range(2)),
    ],
)
def _trilerp(xs_hbm, ys_hbm, zs_hbm, tab8_hbm, ox_hbm, oy_hbm, oz_hbm,
             pts_v, idx_v, cl_v, rows_v, t_v, out_v, sem):
    wid = lax.axis_index("s") * 2 + lax.axis_index("c")
    lanes = lax.iota(jnp.int32, 16)
    coord_hbm = (xs_hbm, ys_hbm, zs_hbm)
    o_hbm = (ox_hbm, oy_hbm, oz_hbm)

    def load_pts(i, slot):
        base = wid * P + i * C
        for ch in range(3):
            pltpu.sync_copy(coord_hbm[ch].at[pl.ds(base, C)],
                            pts_v[slot][ch])

    def do_idx(i, slot):
        def idx_body(g, _):
            g16 = g * 16
            lo = []
            for ch in range(3):
                coord = pts_v[slot][ch][pl.ds(g16, 16)]
                s = coord * jnp.float32(RES - 1)
                li = jnp.minimum(s.astype(jnp.int32), RES - 2)
                t_v[slot * 3 + ch, pl.ds(g16, 16)] = (
                    s - li.astype(jnp.float32))
                lo.append(li)
            ix, iy, iz = lo
            izc = iz * 3
            iy1 = iy + 1
            ix1 = ix + 1
            yt = (((iy >> 3) << 8) + ((iy & 7) << 4),
                  ((iy1 >> 3) << 8) + ((iy1 & 7) << 4))
            xt_lo = ((ix >> 7) << 7) + ((ix >> 3) & 15)
            xt_hi = ((ix1 >> 7) << 7) + ((ix1 >> 3) & 15)
            cl_v[slot * 2, pl.ds(g16, 16)] = ix & 7
            cl_v[slot * 2 + 1, pl.ds(g16, 16)] = ix1 & 7
            yx = ((yt[0] + xt_lo, yt[0] + xt_hi),
                  (yt[1] + xt_lo, yt[1] + xt_hi))
            for dz in range(2):
                for ch in range(3):
                    zterm = (izc + (dz * 3 + ch)) << 13
                    for dy in range(2):
                        m12 = (dz * 3 + ch) * 2 + dy
                        q = (m12 * C + g16) * 2 + lanes * 2
                        plsc.store_scatter(idx_v[slot], [q],
                                           zterm + yx[dy][0])
                        plsc.store_scatter(idx_v[slot], [q + 1],
                                           zterm + yx[dy][1])
            return 0

        lax.fori_loop(0, G, idx_body, 0)

    def fire(slot):
        pltpu.async_copy(tab8_hbm.at[idx_v[slot]], rows_v[slot], sem[slot])

    def wait_gather(slot):
        pltpu.make_async_copy(
            tab8_hbm.at[idx_v[slot]], rows_v[slot], sem[slot]).wait()

    def do_comb(i, slot):
        def comb_body(g, _):
            g16 = g * 16
            p = g16 + lanes
            cl = cl_v[slot * 2, pl.ds(g16, 16)]
            ch_ = cl_v[slot * 2 + 1, pl.ds(g16, 16)]
            tx = t_v[slot * 3, pl.ds(g16, 16)]
            ty = t_v[slot * 3 + 1, pl.ds(g16, 16)]
            tz = t_v[slot * 3 + 2, pl.ds(g16, 16)]
            one = jnp.float32(1.0)
            wy = (one - ty, ty)
            wz = (one - tz, tz)
            acc = [None, None, None]
            for dz in range(2):
                for dy in range(2):
                    wzy = wz[dz] * wy[dy]
                    for ch in range(3):
                        m12 = (dz * 3 + ch) * 2 + dy
                        q = (m12 * C + g16) * 2 + lanes * 2
                        v_lo = plsc.load_gather(rows_v[slot], [q, cl])
                        v_hi = plsc.load_gather(rows_v[slot], [q + 1, ch_])
                        xv = v_lo + tx * (v_hi - v_lo)
                        acc[ch] = (wzy * xv if acc[ch] is None
                                   else acc[ch] + wzy * xv)
            for ch in range(3):
                out_v[ch][pl.ds(g16, 16)] = acc[ch]
            return 0

        lax.fori_loop(0, G, comb_body, 0)
        base = wid * P + i * C
        for ch in range(3):
            pltpu.sync_copy(out_v[ch], o_hbm[ch].at[pl.ds(base, C)])

    load_pts(0, 0)
    do_idx(0, 0)
    fire(0)

    def pair_body(j, _):
        i0 = j * 2
        load_pts(i0 + 1, 1)
        do_idx(i0 + 1, 1)
        fire(1)
        wait_gather(0)
        do_comb(i0, 0)

        @pl.when(i0 + 2 < NCHUNK)
        def _():
            load_pts(i0 + 2, 0)
            do_idx(i0 + 2, 0)
            fire(0)

        wait_gather(1)
        do_comb(i0 + 1, 1)
        return 0

    lax.fori_loop(0, NCHUNK // 2, pair_body, 0)


def kernel(input, feature_params):
    tab8 = (feature_params.transpose(0, 3, 1, 2)
            .reshape(RES, 3, 32, 8, 2, 128)
            .transpose(0, 1, 2, 4, 3, 5)
            .reshape(NROW8, 8))
    xs = input[:, 0]
    ys = input[:, 1]
    zs = input[:, 2]
    o0, o1, o2 = _trilerp(xs, ys, zs, tab8)
    return jnp.stack([o0, o1, o2], axis=1)

# --- scband reference (transcript-rebuilt; emitter-appended) ---
"""Pipeline reference for scband-py-torch-feature-grid3-d-9466107920633 (READ-ONLY COPY).

The authoritative reference and input builder live on the scoring server;
editing this copy changes nothing except your own understanding.
"""

import jax, jax.numpy as jnp
import numpy as np

RESOLUTION = 256
N_POINTS = 1048576

def setup_inputs(seed: int = 0) -> dict:
    key = jax.random.key(seed)
    k1, k2 = jax.random.split(key)
    inp = jax.random.uniform(k1, (N_POINTS, 3), dtype=jnp.float32)
    feature_params = jax.random.normal(k2, (RESOLUTION, RESOLUTION, RESOLUTION, 3), dtype=jnp.float32) * 0.01
    return {"input": inp, "feature_params": feature_params}

def reference(input, feature_params):
    resolution = feature_params.shape[0]
    scaled = input * (resolution - 1)
    lower_idx = jnp.clip(jnp.floor(scaled).astype(jnp.int32), 0, resolution - 2)
    upper_idx = jnp.clip(lower_idx + 1, 0, resolution - 1)
    t = scaled - lower_idx.astype(jnp.float32)
    x_low, y_low, z_low = lower_idx[:, 0], lower_idx[:, 1], lower_idx[:, 2]
    x_up, y_up, z_up = upper_idx[:, 0], upper_idx[:, 1], upper_idx[:, 2]
    tx = t[:, 0][:, None]
    ty = t[:, 1][:, None]
    tz = t[:, 2][:, None]
    c000 = feature_params[z_low, y_low, x_low]
    c001 = feature_params[z_low, y_low, x_up]
    c010 = feature_params[z_low, y_up, x_low]
    c011 = feature_params[z_low, y_up, x_up]
    c100 = feature_params[z_up, y_low, x_low]
    c101 = feature_params[z_up, y_low, x_up]
    c110 = feature_params[z_up, y_up, x_low]
    c111 = feature_params[z_up, y_up, x_up]
    c00 = c000 * (1 - tx) + c001 * tx
    c01 = c010 * (1 - tx) + c011 * tx
    c10 = c100 * (1 - tx) + c101 * tx
    c11 = c110 * (1 - tx) + c111 * tx
    c0 = c00 * (1 - ty) + c01 * ty
    c1 = c10 * (1 - ty) + c11 * ty
    output = c0 * (1 - tz) + c1 * tz
    return output

if __name__ == "__main__":
    import jax
    _d = setup_inputs()
    print(jax.jit(kernel)(*tuple(_d.values())))

</pallas_src>

<mosaic_0001>
#map = affine_map<(d0, d1) -> (0)>
#map1 = affine_map<(d0, d1) -> (0, 0)>
module attributes {stable_mosaic.version = 14 : i64} {
  func.func @_trilerp(%arg0: i32, %arg1: i32, %arg2: memref<1048576xf32, #tpu.memory_space<hbm>>, %arg3: memref<1048576xf32, #tpu.memory_space<hbm>>, %arg4: memref<1048576xf32, #tpu.memory_space<hbm>>, %arg5: memref<6291456x8xf32, #tpu.memory_space<hbm>>, %arg6: memref<1048576xf32, #tpu.memory_space<hbm>>, %arg7: memref<1048576xf32, #tpu.memory_space<hbm>>, %arg8: memref<1048576xf32, #tpu.memory_space<hbm>>, %arg9: memref<256xf32, #tpu.memory_space<vmem>>, %arg10: memref<256xf32, #tpu.memory_space<vmem>>, %arg11: memref<256xf32, #tpu.memory_space<vmem>>, %arg12: memref<256xf32, #tpu.memory_space<vmem>>, %arg13: memref<256xf32, #tpu.memory_space<vmem>>, %arg14: memref<256xf32, #tpu.memory_space<vmem>>, %arg15: memref<6144xi32, #tpu.memory_space<vmem>>, %arg16: memref<6144xi32, #tpu.memory_space<vmem>>, %arg17: memref<4x256xi32, #tpu.memory_space<vmem>>, %arg18: memref<6144x8xf32, #tpu.memory_space<vmem>>, %arg19: memref<6144x8xf32, #tpu.memory_space<vmem>>, %arg20: memref<6x256xf32, #tpu.memory_space<vmem>>, %arg21: memref<256xf32, #tpu.memory_space<vmem>>, %arg22: memref<256xf32, #tpu.memory_space<vmem>>, %arg23: memref<256xf32, #tpu.memory_space<vmem>>, %arg24: memref<!tpu.dma_semaphore, #tpu.memory_space<semaphore_mem>>, %arg25: memref<!tpu.dma_semaphore, #tpu.memory_space<semaphore_mem>>) attributes {dimension_semantics = [#tpu.dimension_semantics<core_parallel>, #tpu.dimension_semantics<subcore_parallel>], iteration_bounds = array<i64: 2, 16>, scalar_prefetch = 0 : i64, scratch_operands = 17 : i64, tpu.core_type = #tpu.core_type<sc_vector_subcore>, window_params = [{transform_indices = #map}, {transform_indices = #map}, {transform_indices = #map}, {transform_indices = #map1}, {transform_indices = #map}, {transform_indices = #map}, {transform_indices = #map}]} {
    %mul3A = arith.constant 2 : i32
    %mul3A_0 = arith.muli %arg1, %mul3A : i32
    %add3A = arith.addi %mul3A_0, %arg0 : i32
    %iota3A = tpu.iota {dimensions = array<i32: 0>} : vector<16xi32>
    %mul3A_1 = arith.constant 32768 : i32
    %mul3A_2 = arith.muli %add3A, %mul3A_1 : i32
    %add3A_3 = arith.constant 0 : i32
    %add3A_4 = arith.addi %mul3A_2, %add3A_3 : i32
    "tpu.region"() ({
      %run_scoped3A = tpu.sem_alloc : memref<!tpu.dma_semaphore, #tpu.memory_space<semaphore_mem>>
      %dma_start3A_20 = tpu.memref_slice %arg2[%add3A_4] : memref<1048576xf32, #tpu.memory_space<hbm>> -> memref<256xf32, #tpu.memory_space<hbm>>
      %dma_start3A_21 = tpu.memref_slice %arg2[%add3A_4] : memref<1048576xf32, #tpu.memory_space<hbm>> -> memref<256xf32, #tpu.memory_space<hbm>>
      tpu.enqueue_dma source(%dma_start3A_21 : memref<256xf32, #tpu.memory_space<hbm>>) target(%arg9 : memref<256xf32, #tpu.memory_space<vmem>>) target_semaphore(%run_scoped3A : memref<!tpu.dma_semaphore, #tpu.memory_space<semaphore_mem>>)
      %dma_wait3A = tpu.memref_slice %arg2[%add3A_4] : memref<1048576xf32, #tpu.memory_space<hbm>> -> memref<256xf32, #tpu.memory_space<hbm>>
      %dma_wait3A_22 = tpu.memref_slice %arg2[%add3A_4] : memref<1048576xf32, #tpu.memory_space<hbm>> -> memref<256xf32, #tpu.memory_space<hbm>>
      tpu.wait_dma2 semaphore(%run_scoped3A : memref<!tpu.dma_semaphore, #tpu.memory_space<semaphore_mem>>) src(%dma_wait3A_22 : memref<256xf32, #tpu.memory_space<hbm>>) dst(%arg9 : memref<256xf32, #tpu.memory_space<vmem>>)
      tpu.yield
    }) : () -> ()
    "tpu.region"() ({
      %run_scoped3A = tpu.sem_alloc : memref<!tpu.dma_semaphore, #tpu.memory_space<semaphore_mem>>
      %dma_start3A_20 = tpu.memref_slice %arg3[%add3A_4] : memref<1048576xf32, #tpu.memory_space<hbm>> -> memref<256xf32, #tpu.memory_space<hbm>>
      %dma_start3A_21 = tpu.memref_slice %arg3[%add3A_4] : memref<1048576xf32, #tpu.memory_space<hbm>> -> memref<256xf32, #tpu.memory_space<hbm>>
      tpu.enqueue_dma source(%dma_start3A_21 : memref<256xf32, #tpu.memory_space<hbm>>) target(%arg10 : memref<256xf32, #tpu.memory_space<vmem>>) target_semaphore(%run_scoped3A : memref<!tpu.dma_semaphore, #tpu.memory_space<semaphore_mem>>)
      %dma_wait3A = tpu.memref_slice %arg3[%add3A_4] : memref<1048576xf32, #tpu.memory_space<hbm>> -> memref<256xf32, #tpu.memory_space<hbm>>
      %dma_wait3A_22 = tpu.memref_slice %arg3[%add3A_4] : memref<1048576xf32, #tpu.memory_space<hbm>> -> memref<256xf32, #tpu.memory_space<hbm>>
      tpu.wait_dma2 semaphore(%run_scoped3A : memref<!tpu.dma_semaphore, #tpu.memory_space<semaphore_mem>>) src(%dma_wait3A_22 : memref<256xf32, #tpu.memory_space<hbm>>) dst(%arg10 : memref<256xf32, #tpu.memory_space<vmem>>)
      tpu.yield
    }) : () -> ()
    "tpu.region"() ({
      %run_scoped3A = tpu.sem_alloc : memref<!tpu.dma_semaphore, #tpu.memory_space<semaphore_mem>>
      %dma_start3A_20 = tpu.memref_slice %arg4[%add3A_4] : memref<1048576xf32, #tpu.memory_space<hbm>> -> memref<256xf32, #tpu.memory_space<hbm>>
      %dma_start3A_21 = tpu.memref_slice %arg4[%add3A_4] : memref<1048576xf32, #tpu.memory_space<hbm>> -> memref<256xf32, #tpu.memory_space<hbm>>
      tpu.enqueue_dma source(%dma_start3A_21 : memref<256xf32, #tpu.memory_space<hbm>>) target(%arg11 : memref<256xf32, #tpu.memory_space<vmem>>) target_semaphore(%run_scoped3A : memref<!tpu.dma_semaphore, #tpu.memory_space<semaphore_mem>>)
      %dma_wait3A = tpu.memref_slice %arg4[%add3A_4] : memref<1048576xf32, #tpu.memory_space<hbm>> -> memref<256xf32, #tpu.memory_space<hbm>>
      %dma_wait3A_22 = tpu.memref_slice %arg4[%add3A_4] : memref<1048576xf32, #tpu.memory_space<hbm>> -> memref<256xf32, #tpu.memory_space<hbm>>
      tpu.wait_dma2 semaphore(%run_scoped3A : memref<!tpu.dma_semaphore, #tpu.memory_space<semaphore_mem>>) src(%dma_wait3A_22 : memref<256xf32, #tpu.memory_space<hbm>>) dst(%arg11 : memref<256xf32, #tpu.memory_space<vmem>>)
      tpu.yield
    }) : () -> ()
    %scan3A = arith.constant 0 : i32
    %scan3A_5 = arith.constant 0 : i32
    %scan3A_6 = arith.constant 16 : i32
    %scan3A_7 = arith.addi %scan3A_5, %scan3A_6 : i32
    %scan3A_8 = arith.constant 1 : i32
    %scan3A_9 = scf.for %scan3A_20 = %scan3A_5 to %scan3A_7 step %scan3A_8 iter_args(%scan3A_21 = %scan3A) -> (i32)  : i32 {
      %mul3A_22 = arith.constant 16 : i32
      %mul3A_23 = arith.muli %scan3A_20, %mul3A_22 : i32
      %get3A = arith.index_cast %mul3A_23 : i32 to index
      %get3A_24 = tpu.vector_load %arg9[%get3A] {strides = array<i32>} : memref<256xf32, #tpu.memory_space<vmem>>, vector<16xf32>,
      %mul3A_25 = arith.constant 2.550000e+02 : f32
      %mul3A_26 = vector.broadcast %mul3A_25 : f32 to vector<16xf32>
      %mul3A_27 = arith.mulf %get3A_24, %mul3A_26 : vector<16xf32>
      %convert_element_type3A = arith.fptosi %mul3A_27 : vector<16xf32> to vector<16xi32>
      %min3A = arith.constant 254 : i32
      %min3A_28 = vector.broadcast %min3A : i32 to vector<16xi32>
      %min3A_29 = arith.minsi %convert_element_type3A, %min3A_28 : vector<16xi32>
      %convert_element_type3A_30 = arith.sitofp %min3A_29 : vector<16xi32> to vector<16xf32>
      %sub3A = arith.subf %mul3A_27, %convert_element_type3A_30 : vector<16xf32>
      %swap3A = arith.constant 0 : i32
      %swap3A_31 = arith.index_cast %swap3A : i32 to index
      %swap3A_32 = arith.index_cast %mul3A_23 : i32 to index
      %swap3A_33 = tpu.vector_load %arg20[%swap3A_31, %swap3A_32] {strides = array<i32>} : memref<6x256xf32, #tpu.memory_space<vmem>>, vector<16xf32>,
      tpu.vector_store %arg20[%swap3A_31, %swap3A_32], %sub3A {strides = array<i32>} : memref<6x256xf32, #tpu.memory_space<vmem>>, vector<16xf32>,
      %get3A_34 = arith.index_cast %mul3A_23 : i32 to index
      %get3A_35 = tpu.vector_load %arg10[%get3A_34] {strides = array<i32>} : memref<256xf32, #tpu.memory_space<vmem>>, vector<16xf32>,
      %mul3A_36 = arith.constant 2.550000e+02 : f32
      %mul3A_37 = vector.broadcast %mul3A_36 : f32 to vector<16xf32>
      %mul3A_38 = arith.mulf %get3A_35, %mul3A_37 : vector<16xf32>
      %convert_element_type3A_39 = arith.fptosi %mul3A_38 : vector<16xf32> to vector<16xi32>
      %min3A_40 = arith.constant 254 : i32
      %min3A_41 = vector.broadcast %min3A_40 : i32 to vector<16xi32>
      %min3A_42 = arith.minsi %convert_element_type3A_39, %min3A_41 : vector<16xi32>
      %convert_element_type3A_43 = arith.sitofp %min3A_42 : vector<16xi32> to vector<16xf32>
      %sub3A_44 = arith.subf %mul3A_38, %convert_element_type3A_43 : vector<16xf32>
      %swap3A_45 = arith.constant 1 : i32
      %swap3A_46 = arith.index_cast %swap3A_45 : i32 to index
      %swap3A_47 = arith.index_cast %mul3A_23 : i32 to index
      %swap3A_48 = tpu.vector_load %arg20[%swap3A_46, %swap3A_47] {strides = array<i32>} : memref<6x256xf32, #tpu.memory_space<vmem>>, vector<16xf32>,
      tpu.vector_store %arg20[%swap3A_46, %swap3A_47], %sub3A_44 {strides = array<i32>} : memref<6x256xf32, #tpu.memory_space<vmem>>, vector<16xf32>,
      %get3A_49 = arith.index_cast %mul3A_23 : i32 to index
      %get3A_50 = tpu.vector_load %arg11[%get3A_49] {strides = array<i32>} : memref<256xf32, #tpu.memory_space<vmem>>, vector<16xf32>,
      %mul3A_51 = arith.constant 2.550000e+02 : f32
      %mul3A_52 = vector.broadcast %mul3A_51 : f32 to vector<16xf32>
      %mul3A_53 = arith.mulf %get3A_50, %mul3A_52 : vector<16xf32>
      %convert_element_type3A_54 = arith.fptosi %mul3A_53 : vector<16xf32> to vector<16xi32>
      %min3A_55 = arith.constant 254 : i32
      %min3A_56 = vector.broadcast %min3A_55 : i32 to vector<16xi32>
      %min3A_57 = arith.minsi %convert_element_type3A_54, %min3A_56 : vector<16xi32>
      %convert_element_type3A_58 = arith.sitofp %min3A_57 : vector<16xi32> to vector<16xf32>
      %sub3A_59 = arith.subf %mul3A_53, %convert_element_type3A_58 : vector<16xf32>
      %swap3A_60 = arith.constant 2 : i32
      %swap3A_61 = arith.index_cast %swap3A_60 : i32 to index
      %swap3A_62 = arith.index_cast %mul3A_23 : i32 to index
      %swap3A_63 = tpu.vector_load %arg20[%swap3A_61, %swap3A_62] {strides = array<i32>} : memref<6x256xf32, #tpu.memory_space<vmem>>, vector<16xf32>,
      tpu.vector_store %arg20[%swap3A_61, %swap3A_62], %sub3A_59 {strides = array<i32>} : memref<6x256xf32, #tpu.memory_space<vmem>>, vector<16xf32>,
      %mul3A_64 = arith.constant 3 : i32
      %mul3A_65 = vector.broadcast %mul3A_64 : i32 to vector<16xi32>
      %mul3A_66 = arith.muli %min3A_57, %mul3A_65 : vector<16xi32>
      %add3A_67 = arith.constant 1 : i32
      %add3A_68 = vector.broadcast %add3A_67 : i32 to vector<16xi32>
      %add3A_69 = arith.addi %min3A_42, %add3A_68 : vector<16xi32>
      %add3A_70 = arith.constant 1 : i32
      %add3A_71 = vector.broadcast %add3A_70 : i32 to vector<16xi32>
      %add3A_72 = arith.addi %min3A_29, %add3A_71 : vector<16xi32>
      %shift_right_arithmetic3A = arith.constant 3 : i32
      %shift_right_arithmetic3A_73 = vector.broadcast %shift_right_arithmetic3A : i32 to vector<16xi32>
      %shift_right_arithmetic3A_74 = arith.shrsi %min3A_42, %shift_right_arithmetic3A_73 : vector<16xi32>
      %shift_left3A = arith.constant 8 : i32
      %shift_left3A_75 = vector.broadcast %shift_left3A : i32 to vector<16xi32>
      %shift_left3A_76 = arith.shli %shift_right_arithmetic3A_74, %shift_left3A_75 : vector<16xi32>
      %and3A = arith.constant 7 : i32
      %and3A_77 = vector.broadcast %and3A : i32 to vector<16xi32>
      %and3A_78 = arith.andi %min3A_42, %and3A_77 : vector<16xi32>
      %shift_left3A_79 = arith.constant 4 : i32
      %shift_left3A_80 = vector.broadcast %shift_left3A_79 : i32 to vector<16xi32>
      %shift_left3A_81 = arith.shli %and3A_78, %shift_left3A_80 : vector<16xi32>
      %add3A_82 = arith.addi %shift_left3A_76, %shift_left3A_81 : vector<16xi32>
      %shift_right_arithmetic3A_83 = arith.constant 3 : i32
      %shift_right_arithmetic3A_84 = vector.broadcast %shift_right_arithmetic3A_83 : i32 to vector<16xi32>
      %shift_right_arithmetic3A_85 = arith.shrsi %add3A_69, %shift_right_arithmetic3A_84 : vector<16xi32>
      %shift_left3A_86 = arith.constant 8 : i32
      %shift_left3A_87 = vector.broadcast %shift_left3A_86 : i32 to vector<16xi32>
      %shift_left3A_88 = arith.shli %shift_right_arithmetic3A_85, %shift_left3A_87 : vector<16xi32>
      %and3A_89 = arith.constant 7 : i32
      %and3A_90 = vector.broadcast %and3A_89 : i32 to vector<16xi32>
      %and3A_91 = arith.andi %add3A_69, %and3A_90 : vector<16xi32>
      %shift_left3A_92 = arith.constant 4 : i32
      %shift_left3A_93 = vector.broadcast %shift_left3A_92 : i32 to vector<16xi32>
      %shift_left3A_94 = arith.shli %and3A_91, %shift_left3A_93 : vector<16xi32>
      %add3A_95 = arith.addi %shift_left3A_88, %shift_left3A_94 : vector<16xi32>
      %shift_right_arithmetic3A_96 = arith.constant 7 : i32
      %shift_right_arithmetic3A_97 = vector.broadcast %shift_right_arithmetic3A_96 : i32 to vector<16xi32>
      %shift_right_arithmetic3A_98 = arith.shrsi %min3A_29, %shift_right_arithmetic3A_97 : vector<16xi32>
      %shift_left3A_99 = arith.constant 7 : i32
      %shift_left3A_100 = vector.broadcast %shift_left3A_99 : i32 to vector<16xi32>
      %shift_left3A_101 = arith.shli %shift_right_arithmetic3A_98, %shift_left3A_100 : vector<16xi32>
      %shift_right_arithmetic3A_102 = arith.constant 3 : i32
      %shift_right_arithmetic3A_103 = vector.broadcast %shift_right_arithmetic3A_102 : i32 to vector<16xi32>
      %shift_right_arithmetic3A_104 = arith.shrsi %min3A_29, %shift_right_arithmetic3A_103 : vector<16xi32>
      %and3A_105 = arith.constant 15 : i32
      %and3A_106 = vector.broadcast %and3A_105 : i32 to vector<16xi32>
      %and3A_107 = arith.andi %shift_right_arithmetic3A_104, %and3A_106 : vector<16xi32>
      %add3A_108 = arith.addi %shift_left3A_101, %and3A_107 : vector<16xi32>
      %shift_right_arithmetic3A_109 = arith.constant 7 : i32
      %shift_right_arithmetic3A_110 = vector.broadcast %shift_right_arithmetic3A_109 : i32 to vector<16xi32>
      %shift_right_arithmetic3A_111 = arith.shrsi %add3A_72, %shift_right_arithmetic3A_110 : vector<16xi32>
      %shift_left3A_112 = arith.constant 7 : i32
      %shift_left3A_113 = vector.broadcast %shift_left3A_112 : i32 to vector<16xi32>
      %shift_left3A_114 = arith.shli %shift_right_arithmetic3A_111, %shift_left3A_113 : vector<16xi32>
      %shift_right_arithmetic3A_115 = arith.constant 3 : i32
      %shift_right_arithmetic3A_116 = vector.broadcast %shift_right_arithmetic3A_115 : i32 to vector<16xi32>
      %shift_right_arithmetic3A_117 = arith.shrsi %add3A_72, %shift_right_arithmetic3A_116 : vector<16xi32>
      %and3A_118 = arith.constant 15 : i32
      %and3A_119 = vector.broadcast %and3A_118 : i32 to vector<16xi32>
      %and3A_120 = arith.andi %shift_right_arithmetic3A_117, %and3A_119 : vector<16xi32>
      %add3A_121 = arith.addi %shift_left3A_114, %and3A_120 : vector<16xi32>
      %and3A_122 = arith.constant 7 : i32
      %and3A_123 = vector.broadcast %and3A_122 : i32 to vector<16xi32>
      %and3A_124 = arith.andi %min3A_29, %and3A_123 : vector<16xi32>
      %swap3A_125 = arith.constant 0 : i32
      %swap3A_126 = arith.index_cast %swap3A_125 : i32 to index
      %swap3A_127 = arith.index_cast %mul3A_23 : i32 to index
      %swap3A_128 = tpu.vector_load %arg17[%swap3A_126, %swap3A_127] {strides = array<i32>} : memref<4x256xi32, #tpu.memory_space<vmem>>, vector<16xi32>,
      tpu.vector_store %arg17[%swap3A_126, %swap3A_127], %and3A_124 {strides = array<i32>} : memref<4x256xi32, #tpu.memory_space<vmem>>, vector<16xi32>,
      %and3A_129 = arith.constant 7 : i32
      %and3A_130 = vector.broadcast %and3A_129 : i32 to vector<16xi32>
      %and3A_131 = arith.andi %add3A_72, %and3A_130 : vector<16xi32>
      %swap3A_132 = arith.constant 1 : i32
      %swap3A_133 = arith.index_cast %swap3A_132 : i32 to index
      %swap3A_134 = arith.index_cast %mul3A_23 : i32 to index
      %swap3A_135 = tpu.vector_load %arg17[%swap3A_133, %swap3A_134] {strides = array<i32>} : memref<4x256xi32, #tpu.memory_space<vmem>>, vector<16xi32>,
      tpu.vector_store %arg17[%swap3A_133, %swap3A_134], %and3A_131 {strides = array<i32>} : memref<4x256xi32, #tpu.memory_space<vmem>>, vector<16xi32>,
      %add3A_136 = arith.addi %add3A_82, %add3A_108 : vector<16xi32>
      %add3A_137 = arith.addi %add3A_82, %add3A_121 : vector<16xi32>
      %add3A_138 = arith.addi %add3A_95, %add3A_108 : vector<16xi32>
      %add3A_139 = arith.addi %add3A_95, %add3A_121 : vector<16xi32>
      %add3A_140 = arith.constant 0 : i32
      %add3A_141 = vector.broadcast %add3A_140 : i32 to vector<16xi32>
      %add3A_142 = arith.addi %mul3A_66, %add3A_141 : vector<16xi32>
      %shift_left3A_143 = arith.constant 13 : i32
      %shift_left3A_144 = vector.broadcast %shift_left3A_143 : i32 to vector<16xi32>
      %shift_left3A_145 = arith.shli %add3A_142, %shift_left3A_144 : vector<16xi32>
      %add3A_146 = arith.constant 0 : i32
      %add3A_147 = arith.addi %add3A_146, %mul3A_23 : i32
      %mul3A_148 = arith.constant 2 : i32
      %mul3A_149 = arith.muli %add3A_147, %mul3A_148 : i32
      %mul3A_150 = arith.constant 2 : i32
      %mul3A_151 = vector.broadcast %mul3A_150 : i32 to vector<16xi32>
      %mul3A_152 = arith.muli %iota3A, %mul3A_151 : vector<16xi32>
      %add3A_153 = vector.broadcast %mul3A_149 : i32 to vector<16xi32>
      %add3A_154 = arith.addi %add3A_153, %mul3A_152 : vector<16xi32>
      %add3A_155 = arith.addi %shift_left3A_145, %add3A_136 : vector<16xi32>
      tpu.vector_store_idx %arg15[%add3A_154], %add3A_155 : memref<6144xi32, #tpu.memory_space<vmem>>[vector<16xi32>], vector<16xi32>,
      %add3A_156 = arith.constant 1 : i32
      %add3A_157 = vector.broadcast %add3A_156 : i32 to vector<16xi32>
      %add3A_158 = arith.addi %add3A_154, %add3A_157 : vector<16xi32>
      %add3A_159 = arith.addi %shift_left3A_145, %add3A_137 : vector<16xi32>
      tpu.vector_store_idx %arg15[%add3A_158], %add3A_159 : memref<6144xi32, #tpu.memory_space<vmem>>[vector<16xi32>], vector<16xi32>,
      %add3A_160 = arith.constant 256 : i32
      %add3A_161 = arith.addi %add3A_160, %mul3A_23 : i32
      %mul3A_162 = arith.constant 2 : i32
      %mul3A_163 = arith.muli %add3A_161, %mul3A_162 : i32
      %mul3A_164 = arith.constant 2 : i32
      %mul3A_165 = vector.broadcast %mul3A_164 : i32 to vector<16xi32>
      %mul3A_166 = arith.muli %iota3A, %mul3A_165 : vector<16xi32>
      %add3A_167 = vector.broadcast %mul3A_163 : i32 to vector<16xi32>
      %add3A_168 = arith.addi %add3A_167, %mul3A_166 : vector<16xi32>
      %add3A_169 = arith.addi %shift_left3A_145, %add3A_138 : vector<16xi32>
      tpu.vector_store_idx %arg15[%add3A_168], %add3A_169 : memref<6144xi32, #tpu.memory_space<vmem>>[vector<16xi32>], vector<16xi32>,
      %add3A_170 = arith.constant 1 : i32
      %add3A_171 = vector.broadcast %add3A_170 : i32 to vector<16xi32>
      %add3A_172 = arith.addi %add3A_168, %add3A_171 : vector<16xi32>
      %add3A_173 = arith.addi %shift_left3A_145, %add3A_139 : vector<16xi32>
      tpu.vector_store_idx %arg15[%add3A_172], %add3A_173 : memref<6144xi32, #tpu.memory_space<vmem>>[vector<16xi32>], vector<16xi32>,
      %add3A_174 = arith.constant 1 : i32
      %add3A_175 = vector.broadcast %add3A_174 : i32 to vector<16xi32>
      %add3A_176 = arith.addi %mul3A_66, %add3A_175 : vector<16xi32>
      %shift_left3A_177 = arith.constant 13 : i32
      %shift_left3A_178 = vector.broadcast %shift_left3A_177 : i32 to vector<16xi32>
      %shift_left3A_179 = arith.shli %add3A_176, %shift_left3A_178 : vector<16xi32>
      %add3A_180 = arith.constant 512 : i32
      %add3A_181 = arith.addi %add3A_180, %mul3A_23 : i32
      %mul3A_182 = arith.constant 2 : i32
      %mul3A_183 = arith.muli %add3A_181, %mul3A_182 : i32
      %mul3A_184 = arith.constant 2 : i32
      %mul3A_185 = vector.broadcast %mul3A_184 : i32 to vector<16xi32>
      %mul3A_186 = arith.muli %iota3A, %mul3A_185 : vector<16xi32>
      %add3A_187 = vector.broadcast %mul3A_183 : i32 to vector<16xi32>
      %add3A_188 = arith.addi %add3A_187, %mul3A_186 : vector<16xi32>
      %add3A_189 = arith.addi %shift_left3A_179, %add3A_136 : vector<16xi32>
      tpu.vector_store_idx %arg15[%add3A_188], %add3A_189 : memref<6144xi32, #tpu.memory_space<vmem>>[vector<16xi32>], vector<16xi32>,
      %add3A_190 = arith.constant 1 : i32
      %add3A_191 = vector.broadcast %add3A_190 : i32 to vector<16xi32>
      %add3A_192 = arith.addi %add3A_188, %add3A_191 : vector<16xi32>
      %add3A_193 = arith.addi %shift_left3A_179, %add3A_137 : vector<16xi32>
      tpu.vector_store_idx %arg15[%add3A_192], %add3A_193 : memref<6144xi32, #tpu.memory_space<vmem>>[vector<16xi32>], vector<16xi32>,
      %add3A_194 = arith.constant 768 : i32
      %add3A_195 = arith.addi %add3A_194, %mul3A_23 : i32
      %mul3A_196 = arith.constant 2 : i32
      %mul3A_197 = arith.muli %add3A_195, %mul3A_196 : i32
      %mul3A_198 = arith.constant 2 : i32
      %mul3A_199 = vector.broadcast %mul3A_198 : i32 to vector<16xi32>
      %mul3A_200 = arith.muli %iota3A, %mul3A_199 : vector<16xi32>
      %add3A_201 = vector.broadcast %mul3A_197 : i32 to vector<16xi32>
      %add3A_202 = arith.addi %add3A_201, %mul3A_200 : vector<16xi32>
      %add3A_203 = arith.addi %shift_left3A_179, %add3A_138 : vector<16xi32>
      tpu.vector_store_idx %arg15[%add3A_202], %add3A_203 : memref<6144xi32, #tpu.memory_space<vmem>>[vector<16xi32>], vector<16xi32>,
      %add3A_204 = arith.constant 1 : i32
      %add3A_205 = vector.broadcast %add3A_204 : i32 to vector<16xi32>
      %add3A_206 = arith.addi %add3A_202, %add3A_205 : vector<16xi32>
      %add3A_207 = arith.addi %shift_left3A_179, %add3A_139 : vector<16xi32>
      tpu.vector_store_idx %arg15[%add3A_206], %add3A_207 : memref<6144xi32, #tpu.memory_space<vmem>>[vector<16xi32>], vector<16xi32>,
      %add3A_208 = arith.constant 2 : i32
      %add3A_209 = vector.broadcast %add3A_208 : i32 to vector<16xi32>
      %add3A_210 = arith.addi %mul3A_66, %add3A_209 : vector<16xi32>
      %shift_left3A_211 = arith.constant 13 : i32
      %shift_left3A_212 = vector.broadcast %shift_left3A_211 : i32 to vector<16xi32>
      %shift_left3A_213 = arith.shli %add3A_210, %shift_left3A_212 : vector<16xi32>
      %add3A_214 = arith.constant 1024 : i32
      %add3A_215 = arith.addi %add3A_214, %mul3A_23 : i32
      %mul3A_216 = arith.constant 2 : i32
      %mul3A_217 = arith.muli %add3A_215, %mul3A_216 : i32
      %mul3A_218 = arith.constant 2 : i32
      %mul3A_219 = vector.broadcast %mul3A_218 : i32 to vector<16xi32>
      %mul3A_220 = arith.muli %iota3A, %mul3A_219 : vector<16xi32>
      %add3A_221 = vector.broadcast %mul3A_217 : i32 to vector<16xi32>
      %add3A_222 = arith.addi %add3A_221, %mul3A_220 : vector<16xi32>
      %add3A_223 = arith.addi %shift_left3A_213, %add3A_136 : vector<16xi32>
      tpu.vector_store_idx %arg15[%add3A_222], %add3A_223 : memref<6144xi32, #tpu.memory_space<vmem>>[vector<16xi32>], vector<16xi32>,
      %add3A_224 = arith.constant 1 : i32
      %add3A_225 = vector.broadcast %add3A_224 : i32 to vector<16xi32>
      %add3A_226 = arith.addi %add3A_222, %add3A_225 : vector<16xi32>
      %add3A_227 = arith.addi %shift_left3A_213, %add3A_137 : vector<16xi32>
      tpu.vector_store_idx %arg15[%add3A_226], %add3A_227 : memref<6144xi32, #tpu.memory_space<vmem>>[vector<16xi32>], vector<16xi32>,
      %add3A_228 = arith.constant 1280 : i32
      %add3A_229 = arith.addi %add3A_228, %mul3A_23 : i32
      %mul3A_230 = arith.constant 2 : i32
      %mul3A_231 = arith.muli %add3A_229, %mul3A_230 : i32
      %mul3A_232 = arith.constant 2 : i32
      %mul3A_233 = vector.broadcast %mul3A_232 : i32 to vector<16xi32>
      %mul3A_234 = arith.muli %iota3A, %mul3A_233 : vector<16xi32>
      %add3A_235 = vector.broadcast %mul3A_231 : i32 to vector<16xi32>
      %add3A_236 = arith.addi %add3A_235, %mul3A_234 : vector<16xi32>
      %add3A_237 = arith.addi %shift_left3A_213, %add3A_138 : vector<16xi32>
      tpu.vector_store_idx %arg15[%add3A_236], %add3A_237 : memref<6144xi32, #tpu.memory_space<vmem>>[vector<16xi32>], vector<16xi32>,
      %add3A_238 = arith.constant 1 : i32
      %add3A_239 = vector.broadcast %add3A_238 : i32 to vector<16xi32>
      %add3A_240 = arith.addi %add3A_236, %add3A_239 : vector<16xi32>
      %add3A_241 = arith.addi %shift_left3A_213, %add3A_139 : vector<16xi32>
      tpu.vector_store_idx %arg15[%add3A_240], %add3A_241 : memref<6144xi32, #tpu.memory_space<vmem>>[vector<16xi32>], vector<16xi32>,
      %add3A_242 = arith.constant 3 : i32
      %add3A_243 = vector.broadcast %add3A_242 : i32 to vector<16xi32>
      %add3A_244 = arith.addi %mul3A_66, %add3A_243 : vector<16xi32>
      %shift_left3A_245 = arith.constant 13 : i32
      %shift_left3A_246 = vector.broadcast %shift_left3A_245 : i32 to vector<16xi32>
      %shift_left3A_247 = arith.shli %add3A_244, %shift_left3A_246 : vector<16xi32>
      %add3A_248 = arith.constant 1536 : i32
      %add3A_249 = arith.addi %add3A_248, %mul3A_23 : i32
      %mul3A_250 = arith.constant 2 : i32
      %mul3A_251 = arith.muli %add3A_249, %mul3A_250 : i32
      %mul3A_252 = arith.constant 2 : i32
      %mul3A_253 = vector.broadcast %mul3A_252 : i32 to vector<16xi32>
      %mul3A_254 = arith.muli %iota3A, %mul3A_253 : vector<16xi32>
      %add3A_255 = vector.broadcast %mul3A_251 : i32 to vector<16xi32>
      %add3A_256 = arith.addi %add3A_255, %mul3A_254 : vector<16xi32>
      %add3A_257 = arith.addi %shift_left3A_247, %add3A_136 : vector<16xi32>
      tpu.vector_store_idx %arg15[%add3A_256], %add3A_257 : memref<6144xi32, #tpu.memory_space<vmem>>[vector<16xi32>], vector<16xi32>,
      %add3A_258 = arith.constant 1 : i32
      %add3A_259 = vector.broadcast %add3A_258 : i32 to vector<16xi32>
      %add3A_260 = arith.addi %add3A_256, %add3A_259 : vector<16xi32>
      %add3A_261 = arith.addi %shift_left3A_247, %add3A_137 : vector<16xi32>
      tpu.vector_store_idx %arg15[%add3A_260], %add3A_261 : memref<6144xi32, #tpu.memory_space<vmem>>[vector<16xi32>], vector<16xi32>,
      %add3A_262 = arith.constant 1792 : i32
      %add3A_263 = arith.addi %add3A_262, %mul3A_23 : i32
      %mul3A_264 = arith.constant 2 : i32
      %mul3A_265 = arith.muli %add3A_263, %mul3A_264 : i32
      %mul3A_266 = arith.constant 2 : i32
      %mul3A_267 = vector.broadcast %mul3A_266 : i32 to vector<16xi32>
      %mul3A_268 = arith.muli %iota3A, %mul3A_267 : vector<16xi32>
      %add3A_269 = vector.broadcast %mul3A_265 : i32 to vector<16xi32>
      %add3A_270 = arith.addi %add3A_269, %mul3A_268 : vector<16xi32>
      %add3A_271 = arith.addi %shift_left3A_247, %add3A_138 : vector<16xi32>
      tpu.vector_store_idx %arg15[%add3A_270], %add3A_271 : memref<6144xi32, #tpu.memory_space<vmem>>[vector<16xi32>], vector<16xi32>,
      %add3A_272 = arith.constant 1 : i32
      %add3A_273 = vector.broadcast %add3A_272 : i32 to vector<16xi32>
      %add3A_274 = arith.addi %add3A_270, %add3A_273 : vector<16xi32>
      %add3A_275 = arith.addi %shift_left3A_247, %add3A_139 : vector<16xi32>
      tpu.vector_store_idx %arg15[%add3A_274], %add3A_275 : memref<6144xi32, #tpu.memory_space<vmem>>[vector<16xi32>], vector<16xi32>,
      %add3A_276 = arith.constant 4 : i32
      %add3A_277 = vector.broadcast %add3A_276 : i32 to vector<16xi32>
      %add3A_278 = arith.addi %mul3A_66, %add3A_277 : vector<16xi32>
      %shift_left3A_279 = arith.constant 13 : i32
      %shift_left3A_280 = vector.broadcast %shift_left3A_279 : i32 to vector<16xi32>
      %shift_left3A_281 = arith.shli %add3A_278, %shift_left3A_280 : vector<16xi32>
      %add3A_282 = arith.constant 2048 : i32
      %add3A_283 = arith.addi %add3A_282, %mul3A_23 : i32
      %mul3A_284 = arith.constant 2 : i32
      %mul3A_285 = arith.muli %add3A_283, %mul3A_284 : i32
      %mul3A_286 = arith.constant 2 : i32
      %mul3A_287 = vector.broadcast %mul3A_286 : i32 to vector<16xi32>
      %mul3A_288 = arith.muli %iota3A, %mul3A_287 : vector<16xi32>
      %add3A_289 = vector.broadcast %mul3A_285 : i32 to vector<16xi32>
      %add3A_290 = arith.addi %add3A_289, %mul3A_288 : vector<16xi32>
      %add3A_291 = arith.addi %shift_left3A_281, %add3A_136 : vector<16xi32>
      tpu.vector_store_idx %arg15[%add3A_290], %add3A_291 : memref<6144xi32, #tpu.memory_space<vmem>>[vector<16xi32>], vector<16xi32>,
      %add3A_292 = arith.constant 1 : i32
      %add3A_293 = vector.broadcast %add3A_292 : i32 to vector<16xi32>
      %add3A_294 = arith.addi %add3A_290, %add3A_293 : vector<16xi32>
      %add3A_295 = arith.addi %shift_left3A_281, %add3A_137 : vector<16xi32>
      tpu.vector_store_idx %arg15[%add3A_294], %add3A_295 : memref<6144xi32, #tpu.memory_space<vmem>>[vector<16xi32>], vector<16xi32>,
      %add3A_296 = arith.constant 2304 : i32
      %add3A_297 = arith.addi %add3A_296, %mul3A_23 : i32
      %mul3A_298 = arith.constant 2 : i32
      %mul3A_299 = arith.muli %add3A_297, %mul3A_298 : i32
      %mul3A_300 = arith.constant 2 : i32
      %mul3A_301 = vector.broadcast %mul3A_300 : i32 to vector<16xi32>
      %mul3A_302 = arith.muli %iota3A, %mul3A_301 : vector<16xi32>
      %add3A_303 = vector.broadcast %mul3A_299 : i32 to vector<16xi32>
      %add3A_304 = arith.addi %add3A_303, %mul3A_302 : vector<16xi32>
      %add3A_305 = arith.addi %shift_left3A_281, %add3A_138 : vector<16xi32>
      tpu.vector_store_idx %arg15[%add3A_304], %add3A_305 : memref<6144xi32, #tpu.memory_space<vmem>>[vector<16xi32>], vector<16xi32>,
      %add3A_306 = arith.constant 1 : i32
      %add3A_307 = vector.broadcast %add3A_306 : i32 to vector<16xi32>
      %add3A_308 = arith.addi %add3A_304, %add3A_307 : vector<16xi32>
      %add3A_309 = arith.addi %shift_left3A_281, %add3A_139 : vector<16xi32>
      tpu.vector_store_idx %arg15[%add3A_308], %add3A_309 : memref<6144xi32, #tpu.memory_space<vmem>>[vector<16xi32>], vector<16xi32>,
      %add3A_310 = arith.constant 5 : i32
      %add3A_311 = vector.broadcast %add3A_310 : i32 to vector<16xi32>
      %add3A_312 = arith.addi %mul3A_66, %add3A_311 : vector<16xi32>
      %shift_left3A_313 = arith.constant 13 : i32
      %shift_left3A_314 = vector.broadcast %shift_left3A_313 : i32 to vector<16xi32>
      %shift_left3A_315 = arith.shli %add3A_312, %shift_left3A_314 : vector<16xi32>
      %add3A_316 = arith.constant 2560 : i32
      %add3A_317 = arith.addi %add3A_316, %mul3A_23 : i32
      %mul3A_318 = arith.constant 2 : i32
      %mul3A_319 = arith.muli %add3A_317, %mul3A_318 : i32
      %mul3A_320 = arith.constant 2 : i32
      %mul3A_321 = vector.broadcast %mul3A_320 : i32 to vector<16xi32>
      %mul3A_322 = arith.muli %iota3A, %mul3A_321 : vector<16xi32>
      %add3A_323 = vector.broadcast %mul3A_319 : i32 to vector<16xi32>
      %add3A_324 = arith.addi %add3A_323, %mul3A_322 : vector<16xi32>
      %add3A_325 = arith.addi %shift_left3A_315, %add3A_136 : vector<16xi32>
      tpu.vector_store_idx %arg15[%add3A_324], %add3A_325 : memref<6144xi32, #tpu.memory_space<vmem>>[vector<16xi32>], vector<16xi32>,
      %add3A_326 = arith.constant 1 : i32
      %add3A_327 = vector.broadcast %add3A_326 : i32 to vector<16xi32>
      %add3A_328 = arith.addi %add3A_324, %add3A_327 : vector<16xi32>
      %add3A_329 = arith.addi %shift_left3A_315, %add3A_137 : vector<16xi32>
      tpu.vector_store_idx %arg15[%add3A_328], %add3A_329 : memref<6144xi32, #tpu.memory_space<vmem>>[vector<16xi32>], vector<16xi32>,
      %add3A_330 = arith.constant 2816 : i32
      %add3A_331 = arith.addi %add3A_330, %mul3A_23 : i32
      %mul3A_332 = arith.constant 2 : i32
      %mul3A_333 = arith.muli %add3A_331, %mul3A_332 : i32
      %mul3A_334 = arith.constant 2 : i32
      %mul3A_335 = vector.broadcast %mul3A_334 : i32 to vector<16xi32>
      %mul3A_336 = arith.muli %iota3A, %mul3A_335 : vector<16xi32>
      %add3A_337 = vector.broadcast %mul3A_333 : i32 to vector<16xi32>
      %add3A_338 = arith.addi %add3A_337, %mul3A_336 : vector<16xi32>
      %add3A_339 = arith.addi %shift_left3A_315, %add3A_138 : vector<16xi32>
      tpu.vector_store_idx %arg15[%add3A_338], %add3A_339 : memref<6144xi32, #tpu.memory_space<vmem>>[vector<16xi32>], vector<16xi32>,
      %add3A_340 = arith.constant 1 : i32
      %add3A_341 = vector.broadcast %add3A_340 : i32 to vector<16xi32>
      %add3A_342 = arith.addi %add3A_338, %add3A_341 : vector<16xi32>
      %add3A_343 = arith.addi %shift_left3A_315, %add3A_139 : vector<16xi32>
      tpu.vector_store_idx %arg15[%add3A_342], %add3A_343 : memref<6144xi32, #tpu.memory_space<vmem>>[vector<16xi32>], vector<16xi32>,
      %scan3A_344 = arith.constant 0 : i32
      scf.yield %scan3A_344 : i32
    }
    %scan3A_10 = arith.constant 16 : i32
    %dma_start3A = arith.constant 0 : i32
    %dma_start3A_11 = arith.constant 0 : i32
    %dma_start3A_12 = tpu.memref_slice %arg5[%dma_start3A, %dma_start3A_11] : memref<6291456x8xf32, #tpu.memory_space<hbm>> -> memref<6291456x8xf32, #tpu.memory_space<hbm>>
    tpu.enqueue_indirect_dma source(%dma_start3A_12 : memref<6291456x8xf32, #tpu.memory_space<hbm>>) target(%arg18 : memref<6144x8xf32, #tpu.memory_space<vmem>>) offsets(%arg15 : memref<6144xi32, #tpu.memory_space<vmem>>) semaphore(%arg24 : memref<!tpu.dma_semaphore, #tpu.memory_space<semaphore_mem>>)
    %scan3A_13 = arith.constant 0 : i32
    %scan3A_14 = arith.constant 0 : i32
    %scan3A_15 = arith.constant 64 : i32
    %scan3A_16 = arith.addi %scan3A_14, %scan3A_15 : i32
    %scan3A_17 = arith.constant 1 : i32
    %scan3A_18 = scf.for %scan3A_20 = %scan3A_14 to %scan3A_16 step %scan3A_17 iter_args(%scan3A_21 = %scan3A_13) -> (i32)  : i32 {
      %mul3A_22 = arith.constant 2 : i32
      %mul3A_23 = arith.muli %scan3A_20, %mul3A_22 : i32
      %add3A_24 = arith.constant 1 : i32
      %add3A_25 = arith.addi %mul3A_23, %add3A_24 : i32
      %mul3A_26 = arith.constant 32768 : i32
      %mul3A_27 = arith.muli %add3A, %mul3A_26 : i32
      %mul3A_28 = arith.constant 256 : i32
      %mul3A_29 = arith.muli %add3A_25, %mul3A_28 : i32
      %add3A_30 = arith.addi %mul3A_27, %mul3A_29 : i32
      "tpu.region"() ({
        %run_scoped3A = tpu.sem_alloc : memref<!tpu.dma_semaphore, #tpu.memory_space<semaphore_mem>>
        %dma_start3A_79 = tpu.memref_slice %arg2[%add3A_30] : memref<1048576xf32, #tpu.memory_space<hbm>> -> memref<256xf32, #tpu.memory_space<hbm>>
        %dma_start3A_80 = tpu.memref_slice %arg2[%add3A_30] : memref<1048576xf32, #tpu.memory_space<hbm>> -> memref<256xf32, #tpu.memory_space<hbm>>
        tpu.enqueue_dma source(%dma_start3A_80 : memref<256xf32, #tpu.memory_space<hbm>>) target(%arg12 : memref<256xf32, #tpu.memory_space<vmem>>) target_semaphore(%run_scoped3A : memref<!tpu.dma_semaphore, #tpu.memory_space<semaphore_mem>>)
        %dma_wait3A_81 = tpu.memref_slice %arg2[%add3A_30] : memref<1048576xf32, #tpu.memory_space<hbm>> -> memref<256xf32, #tpu.memory_space<hbm>>
        %dma_wait3A_82 = tpu.memref_slice %arg2[%add3A_30] : memref<1048576xf32, #tpu.memory_space<hbm>> -> memref<256xf32, #tpu.memory_space<hbm>>
        tpu.wait_dma2 semaphore(%run_scoped3A : memref<!tpu.dma_semaphore, #tpu.memory_space<semaphore_mem>>) src(%dma_wait3A_82 : memref<256xf32, #tpu.memory_space<hbm>>) dst(%arg12 : memref<256xf32, #tpu.memory_space<vmem>>)
        tpu.yield
      }) : () -> ()
      "tpu.region"() ({
        %run_scoped3A = tpu.sem_alloc : memref<!tpu.dma_semaphore, #tpu.memory_space<semaphore_mem>>
        %dma_start3A_79 = tpu.memref_slice %arg3[%add3A_30] : memref<1048576xf32, #tpu.memory_space<hbm>> -> memref<256xf32, #tpu.memory_space<hbm>>
        %dma_start3A_80 = tpu.memref_slice %arg3[%add3A_30] : memref<1048576xf32, #tpu.memory_space<hbm>> -> memref<256xf32, #tpu.memory_space<hbm>>
        tpu.enqueue_dma source(%dma_start3A_80 : memref<256xf32, #tpu.memory_space<hbm>>) target(%arg13 : memref<256xf32, #tpu.memory_space<vmem>>) target_semaphore(%run_scoped3A : memref<!tpu.dma_semaphore, #tpu.memory_space<semaphore_mem>>)
        %dma_wait3A_81 = tpu.memref_slice %arg3[%add3A_30] : memref<1048576xf32, #tpu.memory_space<hbm>> -> memref<256xf32, #tpu.memory_space<hbm>>
        %dma_wait3A_82 = tpu.memref_slice %arg3[%add3A_30] : memref<1048576xf32, #tpu.memory_space<hbm>> -> memref<256xf32, #tpu.memory_space<hbm>>
        tpu.wait_dma2 semaphore(%run_scoped3A : memref<!tpu.dma_semaphore, #tpu.memory_space<semaphore_mem>>) src(%dma_wait3A_82 : memref<256xf32, #tpu.memory_space<hbm>>) dst(%arg13 : memref<256xf32, #tpu.memory_space<vmem>>)
        tpu.yield
      }) : () -> ()
      "tpu.region"() ({
        %run_scoped3A = tpu.sem_alloc : memref<!tpu.dma_semaphore, #tpu.memory_space<semaphore_mem>>
        %dma_start3A_79 = tpu.memref_slice %arg4[%add3A_30] : memref<1048576xf32, #tpu.memory_space<hbm>> -> memref<256xf32, #tpu.memory_space<hbm>>
        %dma_start3A_80 = tpu.memref_slice %arg4[%add3A_30] : memref<1048576xf32, #tpu.memory_space<hbm>> -> memref<256xf32, #tpu.memory_space<hbm>>
        tpu.enqueue_dma source(%dma_start3A_80 : memref<256xf32, #tpu.memory_space<hbm>>) target(%arg14 : memref<256xf32, #tpu.memory_space<vmem>>) target_semaphore(%run_scoped3A : memref<!tpu.dma_semaphore, #tpu.memory_space<semaphore_mem>>)
        %dma_wait3A_81 = tpu.memref_slice %arg4[%add3A_30] : memref<1048576xf32, #tpu.memory_space<hbm>> -> memref<256xf32, #tpu.memory_space<hbm>>
        %dma_wait3A_82 = tpu.memref_slice %arg4[%add3A_30] : memref<1048576xf32, #tpu.memory_space<hbm>> -> memref<256xf32, #tpu.memory_space<hbm>>
        tpu.wait_dma2 semaphore(%run_scoped3A : memref<!tpu.dma_semaphore, #tpu.memory_space<semaphore_mem>>) src(%dma_wait3A_82 : memref<256xf32, #tpu.memory_space<hbm>>) dst(%arg14 : memref<256xf32, #tpu.memory_space<vmem>>)
        tpu.yield
      }) : () -> ()
      %add3A_31 = arith.constant 1 : i32
      %add3A_32 = arith.addi %mul3A_23, %add3A_31 : i32
      %scan3A_33 = arith.constant 0 : i32
      %scan3A_34 = arith.constant 0 : i32
      %scan3A_35 = arith.constant 16 : i32
      %scan3A_36 = arith.addi %scan3A_34, %scan3A_35 : i32
      %scan3A_37 = arith.constant 1 : i32
      %scan3A_38 = scf.for %scan3A_79 = %scan3A_34 to %scan3A_36 step %scan3A_37 iter_args(%scan3A_80 = %scan3A_33) -> (i32)  : i32 {
        %mul3A_81 = arith.constant 16 : i32
        %mul3A_82 = arith.muli %scan3A_79, %mul3A_81 : i32
        %get3A = arith.index_cast %mul3A_82 : i32 to index
        %get3A_83 = tpu.vector_load %arg12[%get3A] {strides = array<i32>} : memref<256xf32, #tpu.memory_space<vmem>>, vector<16xf32>,
        %mul3A_84 = arith.constant 2.550000e+02 : f32
        %mul3A_85 = vector.broadcast %mul3A_84 : f32 to vector<16xf32>
        %mul3A_86 = arith.mulf %get3A_83, %mul3A_85 : vector<16xf32>
        %convert_element_type3A_87 = arith.fptosi %mul3A_86 : vector<16xf32> to vector<16xi32>
        %min3A = arith.constant 254 : i32
        %min3A_88 = vector.broadcast %min3A : i32 to vector<16xi32>
        %min3A_89 = arith.minsi %convert_element_type3A_87, %min3A_88 : vector<16xi32>
        %convert_element_type3A_90 = arith.sitofp %min3A_89 : vector<16xi32> to vector<16xf32>
        %sub3A = arith.subf %mul3A_86, %convert_element_type3A_90 : vector<16xf32>
        %swap3A = arith.constant 3 : i32
        %swap3A_91 = arith.index_cast %swap3A : i32 to index
        %swap3A_92 = arith.index_cast %mul3A_82 : i32 to index
        %swap3A_93 = tpu.vector_load %arg20[%swap3A_91, %swap3A_92] {strides = array<i32>} : memref<6x256xf32, #tpu.memory_space<vmem>>, vector<16xf32>,
        tpu.vector_store %arg20[%swap3A_91, %swap3A_92], %sub3A {strides = array<i32>} : memref<6x256xf32, #tpu.memory_space<vmem>>, vector<16xf32>,
        %get3A_94 = arith.index_cast %mul3A_82 : i32 to index
        %get3A_95 = tpu.vector_load %arg13[%get3A_94] {strides = array<i32>} : memref<256xf32, #tpu.memory_space<vmem>>, vector<16xf32>,
        %mul3A_96 = arith.constant 2.550000e+02 : f32
        %mul3A_97 = vector.broadcast %mul3A_96 : f32 to vector<16xf32>
        %mul3A_98 = arith.mulf %get3A_95, %mul3A_97 : vector<16xf32>
        %convert_element_type3A_99 = arith.fptosi %mul3A_98 : vector<16xf32> to vector<16xi32>
        %min3A_100 = arith.constant 254 : i32
        %min3A_101 = vector.broadcast %min3A_100 : i32 to vector<16xi32>
        %min3A_102 = arith.minsi %convert_element_type3A_99, %min3A_101 : vector<16xi32>
        %convert_element_type3A_103 = arith.sitofp %min3A_102 : vector<16xi32> to vector<16xf32>
        %sub3A_104 = arith.subf %mul3A_98, %convert_element_type3A_103 : vector<16xf32>
        %swap3A_105 = arith.constant 4 : i32
        %swap3A_106 = arith.index_cast %swap3A_105 : i32 to index
        %swap3A_107 = arith.index_cast %mul3A_82 : i32 to index
        %swap3A_108 = tpu.vector_load %arg20[%swap3A_106, %swap3A_107] {strides = array<i32>} : memref<6x256xf32, #tpu.memory_space<vmem>>, vector<16xf32>,
        tpu.vector_store %arg20[%swap3A_106, %swap3A_107], %sub3A_104 {strides = array<i32>} : memref<6x256xf32, #tpu.memory_space<vmem>>, vector<16xf32>,
        %get3A_109 = arith.index_cast %mul3A_82 : i32 to index
        %get3A_110 = tpu.vector_load %arg14[%get3A_109] {strides = array<i32>} : memref<256xf32, #tpu.memory_space<vmem>>, vector<16xf32>,
        %mul3A_111 = arith.constant 2.550000e+02 : f32
        %mul3A_112 = vector.broadcast %mul3A_111 : f32 to vector<16xf32>
        %mul3A_113 = arith.mulf %get3A_110, %mul3A_112 : vector<16xf32>
        %convert_element_type3A_114 = arith.fptosi %mul3A_113 : vector<16xf32> to vector<16xi32>
        %min3A_115 = arith.constant 254 : i32
        %min3A_116 = vector.broadcast %min3A_115 : i32 to vector<16xi32>
        %min3A_117 = arith.minsi %convert_element_type3A_114, %min3A_116 : vector<16xi32>
        %convert_element_type3A_118 = arith.sitofp %min3A_117 : vector<16xi32> to vector<16xf32>
        %sub3A_119 = arith.subf %mul3A_113, %convert_element_type3A_118 : vector<16xf32>
        %swap3A_120 = arith.constant 5 : i32
        %swap3A_121 = arith.index_cast %swap3A_120 : i32 to index
        %swap3A_122 = arith.index_cast %mul3A_82 : i32 to index
        %swap3A_123 = tpu.vector_load %arg20[%swap3A_121, %swap3A_122] {strides = array<i32>} : memref<6x256xf32, #tpu.memory_space<vmem>>, vector<16xf32>,
        tpu.vector_store %arg20[%swap3A_121, %swap3A_122], %sub3A_119 {strides = array<i32>} : memref<6x256xf32, #tpu.memory_space<vmem>>, vector<16xf32>,
        %mul3A_124 = arith.constant 3 : i32
        %mul3A_125 = vector.broadcast %mul3A_124 : i32 to vector<16xi32>
        %mul3A_126 = arith.muli %min3A_117, %mul3A_125 : vector<16xi32>
        %add3A_127 = arith.constant 1 : i32
        %add3A_128 = vector.broadcast %add3A_127 : i32 to vector<16xi32>
        %add3A_129 = arith.addi %min3A_102, %add3A_128 : vector<16xi32>
        %add3A_130 = arith.constant 1 : i32
        %add3A_131 = vector.broadcast %add3A_130 : i32 to vector<16xi32>
        %add3A_132 = arith.addi %min3A_89, %add3A_131 : vector<16xi32>
        %shift_right_arithmetic3A = arith.constant 3 : i32
        %shift_right_arithmetic3A_133 = vector.broadcast %shift_right_arithmetic3A : i32 to vector<16xi32>
        %shift_right_arithmetic3A_134 = arith.shrsi %min3A_102, %shift_right_arithmetic3A_133 : vector<16xi32>
        %shift_left3A = arith.constant 8 : i32
        %shift_left3A_135 = vector.broadcast %shift_left3A : i32 to vector<16xi32>
        %shift_left3A_136 = arith.shli %shift_right_arithmetic3A_134, %shift_left3A_135 : vector<16xi32>
        %and3A = arith.constant 7 : i32
        %and3A_137 = vector.broadcast %and3A : i32 to vector<16xi32>
        %and3A_138 = arith.andi %min3A_102, %and3A_137 : vector<16xi32>
        %shift_left3A_139 = arith.constant 4 : i32
        %shift_left3A_140 = vector.broadcast %shift_left3A_139 : i32 to vector<16xi32>
        %shift_left3A_141 = arith.shli %and3A_138, %shift_left3A_140 : vector<16xi32>
        %add3A_142 = arith.addi %shift_left3A_136, %shift_left3A_141 : vector<16xi32>
        %shift_right_arithmetic3A_143 = arith.constant 3 : i32
        %shift_right_arithmetic3A_144 = vector.broadcast %shift_right_arithmetic3A_143 : i32 to vector<16xi32>
        %shift_right_arithmetic3A_145 = arith.shrsi %add3A_129, %shift_right_arithmetic3A_144 : vector<16xi32>
        %shift_left3A_146 = arith.constant 8 : i32
        %shift_left3A_147 = vector.broadcast %shift_left3A_146 : i32 to vector<16xi32>
        %shift_left3A_148 = arith.shli %shift_right_arithmetic3A_145, %shift_left3A_147 : vector<16xi32>
        %and3A_149 = arith.constant 7 : i32
        %and3A_150 = vector.broadcast %and3A_149 : i32 to vector<16xi32>
        %and3A_151 = arith.andi %add3A_129, %and3A_150 : vector<16xi32>
        %shift_left3A_152 = arith.constant 4 : i32
        %shift_left3A_153 = vector.broadcast %shift_left3A_152 : i32 to vector<16xi32>
        %shift_left3A_154 = arith.shli %and3A_151, %shift_left3A_153 : vector<16xi32>
        %add3A_155 = arith.addi %shift_left3A_148, %shift_left3A_154 : vector<16xi32>
        %shift_right_arithmetic3A_156 = arith.constant 7 : i32
        %shift_right_arithmetic3A_157 = vector.broadcast %shift_right_arithmetic3A_156 : i32 to vector<16xi32>
        %shift_right_arithmetic3A_158 = arith.shrsi %min3A_89, %shift_right_arithmetic3A_157 : vector<16xi32>
        %shift_left3A_159 = arith.constant 7 : i32
        %shift_left3A_160 = vector.broadcast %shift_left3A_159 : i32 to vector<16xi32>
        %shift_left3A_161 = arith.shli %shift_right_arithmetic3A_158, %shift_left3A_160 : vector<16xi32>
        %shift_right_arithmetic3A_162 = arith.constant 3 : i32
        %shift_right_arithmetic3A_163 = vector.broadcast %shift_right_arithmetic3A_162 : i32 to vector<16xi32>
        %shift_right_arithmetic3A_164 = arith.shrsi %min3A_89, %shift_right_arithmetic3A_163 : vector<16xi32>
        %and3A_165 = arith.constant 15 : i32
        %and3A_166 = vector.broadcast %and3A_165 : i32 to vector<16xi32>
        %and3A_167 = arith.andi %shift_right_arithmetic3A_164, %and3A_166 : vector<16xi32>
        %add3A_168 = arith.addi %shift_left3A_161, %and3A_167 : vector<16xi32>
        %shift_right_arithmetic3A_169 = arith.constant 7 : i32
        %shift_right_arithmetic3A_170 = vector.broadcast %shift_right_arithmetic3A_169 : i32 to vector<16xi32>
        %shift_right_arithmetic3A_171 = arith.shrsi %add3A_132, %shift_right_arithmetic3A_170 : vector<16xi32>
        %shift_left3A_172 = arith.constant 7 : i32
        %shift_left3A_173 = vector.broadcast %shift_left3A_172 : i32 to vector<16xi32>
        %shift_left3A_174 = arith.shli %shift_right_arithmetic3A_171, %shift_left3A_173 : vector<16xi32>
        %shift_right_arithmetic3A_175 = arith.constant 3 : i32
        %shift_right_arithmetic3A_176 = vector.broadcast %shift_right_arithmetic3A_175 : i32 to vector<16xi32>
        %shift_right_arithmetic3A_177 = arith.shrsi %add3A_132, %shift_right_arithmetic3A_176 : vector<16xi32>
        %and3A_178 = arith.constant 15 : i32
        %and3A_179 = vector.broadcast %and3A_178 : i32 to vector<16xi32>
        %and3A_180 = arith.andi %shift_right_arithmetic3A_177, %and3A_179 : vector<16xi32>
        %add3A_181 = arith.addi %shift_left3A_174, %and3A_180 : vector<16xi32>
        %and3A_182 = arith.constant 7 : i32
        %and3A_183 = vector.broadcast %and3A_182 : i32 to vector<16xi32>
        %and3A_184 = arith.andi %min3A_89, %and3A_183 : vector<16xi32>
        %swap3A_185 = arith.constant 2 : i32
        %swap3A_186 = arith.index_cast %swap3A_185 : i32 to index
        %swap3A_187 = arith.index_cast %mul3A_82 : i32 to index
        %swap3A_188 = tpu.vector_load %arg17[%swap3A_186, %swap3A_187] {strides = array<i32>} : memref<4x256xi32, #tpu.memory_space<vmem>>, vector<16xi32>,
        tpu.vector_store %arg17[%swap3A_186, %swap3A_187], %and3A_184 {strides = array<i32>} : memref<4x256xi32, #tpu.memory_space<vmem>>, vector<16xi32>,
        %and3A_189 = arith.constant 7 : i32
        %and3A_190 = vector.broadcast %and3A_189 : i32 to vector<16xi32>
        %and3A_191 = arith.andi %add3A_132, %and3A_190 : vector<16xi32>
        %swap3A_192 = arith.constant 3 : i32
        %swap3A_193 = arith.index_cast %swap3A_192 : i32 to index
        %swap3A_194 = arith.index_cast %mul3A_82 : i32 to index
        %swap3A_195 = tpu.vector_load %arg17[%swap3A_193, %swap3A_194] {strides = array<i32>} : memref<4x256xi32, #tpu.memory_space<vmem>>, vector<16xi32>,
        tpu.vector_store %arg17[%swap3A_193, %swap3A_194], %and3A_191 {strides = array<i32>} : memref<4x256xi32, #tpu.memory_space<vmem>>, vector<16xi32>,
        %add3A_196 = arith.addi %add3A_142, %add3A_168 : vector<16xi32>
        %add3A_197 = arith.addi %add3A_142, %add3A_181 : vector<16xi32>
        %add3A_198 = arith.addi %add3A_155, %add3A_168 : vector<16xi32>
        %add3A_199 = arith.addi %add3A_155, %add3A_181 : vector<16xi32>
        %add3A_200 = arith.constant 0 : i32
        %add3A_201 = vector.broadcast %add3A_200 : i32 to vector<16xi32>
        %add3A_202 = arith.addi %mul3A_126, %add3A_201 : vector<16xi32>
        %shift_left3A_203 = arith.constant 13 : i32
        %shift_left3A_204 = vector.broadcast %shift_left3A_203 : i32 to vector<16xi32>
        %shift_left3A_205 = arith.shli %add3A_202, %shift_left3A_204 : vector<16xi32>
        %add3A_206 = arith.constant 0 : i32
        %add3A_207 = arith.addi %add3A_206, %mul3A_82 : i32
        %mul3A_208 = arith.constant 2 : i32
        %mul3A_209 = arith.muli %add3A_207, %mul3A_208 : i32
        %mul3A_210 = arith.constant 2 : i32
        %mul3A_211 = vector.broadcast %mul3A_210 : i32 to vector<16xi32>
        %mul3A_212 = arith.muli %iota3A, %mul3A_211 : vector<16xi32>
        %add3A_213 = vector.broadcast %mul3A_209 : i32 to vector<16xi32>
        %add3A_214 = arith.addi %add3A_213, %mul3A_212 : vector<16xi32>
        %add3A_215 = arith.addi %shift_left3A_205, %add3A_196 : vector<16xi32>
        tpu.vector_store_idx %arg16[%add3A_214], %add3A_215 : memref<6144xi32, #tpu.memory_space<vmem>>[vector<16xi32>], vector<16xi32>,
        %add3A_216 = arith.constant 1 : i32
        %add3A_217 = vector.broadcast %add3A_216 : i32 to vector<16xi32>
        %add3A_218 = arith.addi %add3A_214, %add3A_217 : vector<16xi32>
        %add3A_219 = arith.addi %shift_left3A_205, %add3A_197 : vector<16xi32>
        tpu.vector_store_idx %arg16[%add3A_218], %add3A_219 : memref<6144xi32, #tpu.memory_space<vmem>>[vector<16xi32>], vector<16xi32>,
        %add3A_220 = arith.constant 256 : i32
        %add3A_221 = arith.addi %add3A_220, %mul3A_82 : i32
        %mul3A_222 = arith.constant 2 : i32
        %mul3A_223 = arith.muli %add3A_221, %mul3A_222 : i32
        %mul3A_224 = arith.constant 2 : i32
        %mul3A_225 = vector.broadcast %mul3A_224 : i32 to vector<16xi32>
        %mul3A_226 = arith.muli %iota3A, %mul3A_225 : vector<16xi32>
        %add3A_227 = vector.broadcast %mul3A_223 : i32 to vector<16xi32>
        %add3A_228 = arith.addi %add3A_227, %mul3A_226 : vector<16xi32>
        %add3A_229 = arith.addi %shift_left3A_205, %add3A_198 : vector<16xi32>
        tpu.vector_store_idx %arg16[%add3A_228], %add3A_229 : memref<6144xi32, #tpu.memory_space<vmem>>[vector<16xi32>], vector<16xi32>,
        %add3A_230 = arith.constant 1 : i32
        %add3A_231 = vector.broadcast %add3A_230 : i32 to vector<16xi32>
        %add3A_232 = arith.addi %add3A_228, %add3A_231 : vector<16xi32>
        %add3A_233 = arith.addi %shift_left3A_205, %add3A_199 : vector<16xi32>
        tpu.vector_store_idx %arg16[%add3A_232], %add3A_233 : memref<6144xi32, #tpu.memory_space<vmem>>[vector<16xi32>], vector<16xi32>,
        %add3A_234 = arith.constant 1 : i32
        %add3A_235 = vector.broadcast %add3A_234 : i32 to vector<16xi32>
        %add3A_236 = arith.addi %mul3A_126, %add3A_235 : vector<16xi32>
        %shift_left3A_237 = arith.constant 13 : i32
        %shift_left3A_238 = vector.broadcast %shift_left3A_237 : i32 to vector<16xi32>
        %shift_left3A_239 = arith.shli %add3A_236, %shift_left3A_238 : vector<16xi32>
        %add3A_240 = arith.constant 512 : i32
        %add3A_241 = arith.addi %add3A_240, %mul3A_82 : i32
        %mul3A_242 = arith.constant 2 : i32
        %mul3A_243 = arith.muli %add3A_241, %mul3A_242 : i32
        %mul3A_244 = arith.constant 2 : i32
        %mul3A_245 = vector.broadcast %mul3A_244 : i32 to vector<16xi32>
        %mul3A_246 = arith.muli %iota3A, %mul3A_245 : vector<16xi32>
        %add3A_247 = vector.broadcast %mul3A_243 : i32 to vector<16xi32>
        %add3A_248 = arith.addi %add3A_247, %mul3A_246 : vector<16xi32>
        %add3A_249 = arith.addi %shift_left3A_239, %add3A_196 : vector<16xi32>
        tpu.vector_store_idx %arg16[%add3A_248], %add3A_249 : memref<6144xi32, #tpu.memory_space<vmem>>[vector<16xi32>], vector<16xi32>,
        %add3A_250 = arith.constant 1 : i32
        %add3A_251 = vector.broadcast %add3A_250 : i32 to vector<16xi32>
        %add3A_252 = arith.addi %add3A_248, %add3A_251 : vector<16xi32>
        %add3A_253 = arith.addi %shift_left3A_239, %add3A_197 : vector<16xi32>
        tpu.vector_store_idx %arg16[%add3A_252], %add3A_253 : memref<6144xi32, #tpu.memory_space<vmem>>[vector<16xi32>], vector<16xi32>,
        %add3A_254 = arith.constant 768 : i32
        %add3A_255 = arith.addi %add3A_254, %mul3A_82 : i32
        %mul3A_256 = arith.constant 2 : i32
        %mul3A_257 = arith.muli %add3A_255, %mul3A_256 : i32
        %mul3A_258 = arith.constant 2 : i32
        %mul3A_259 = vector.broadcast %mul3A_258 : i32 to vector<16xi32>
        %mul3A_260 = arith.muli %iota3A, %mul3A_259 : vector<16xi32>
        %add3A_261 = vector.broadcast %mul3A_257 : i32 to vector<16xi32>
        %add3A_262 = arith.addi %add3A_261, %mul3A_260 : vector<16xi32>
        %add3A_263 = arith.addi %shift_left3A_239, %add3A_198 : vector<16xi32>
        tpu.vector_store_idx %arg16[%add3A_262], %add3A_263 : memref<6144xi32, #tpu.memory_space<vmem>>[vector<16xi32>], vector<16xi32>,
        %add3A_264 = arith.constant 1 : i32
        %add3A_265 = vector.broadcast %add3A_264 : i32 to vector<16xi32>
        %add3A_266 = arith.addi %add3A_262, %add3A_265 : vector<16xi32>
        %add3A_267 = arith.addi %shift_left3A_239, %add3A_199 : vector<16xi32>
        tpu.vector_store_idx %arg16[%add3A_266], %add3A_267 : memref<6144xi32, #tpu.memory_space<vmem>>[vector<16xi32>], vector<16xi32>,
        %add3A_268 = arith.constant 2 : i32
        %add3A_269 = vector.broadcast %add3A_268 : i32 to vector<16xi32>
        %add3A_270 = arith.addi %mul3A_126, %add3A_269 : vector<16xi32>
        %shift_left3A_271 = arith.constant 13 : i32
        %shift_left3A_272 = vector.broadcast %shift_left3A_271 : i32 to vector<16xi32>
        %shift_left3A_273 = arith.shli %add3A_270, %shift_left3A_272 : vector<16xi32>
        %add3A_274 = arith.constant 1024 : i32
        %add3A_275 = arith.addi %add3A_274, %mul3A_82 : i32
        %mul3A_276 = arith.constant 2 : i32
        %mul3A_277 = arith.muli %add3A_275, %mul3A_276 : i32
        %mul3A_278 = arith.constant 2 : i32
        %mul3A_279 = vector.broadcast %mul3A_278 : i32 to vector<16xi32>
        %mul3A_280 = arith.muli %iota3A, %mul3A_279 : vector<16xi32>
        %add3A_281 = vector.broadcast %mul3A_277 : i32 to vector<16xi32>
        %add3A_282 = arith.addi %add3A_281, %mul3A_280 : vector<16xi32>
        %add3A_283 = arith.addi %shift_left3A_273, %add3A_196 : vector<16xi32>
        tpu.vector_store_idx %arg16[%add3A_282], %add3A_283 : memref<6144xi32, #tpu.memory_space<vmem>>[vector<16xi32>], vector<16xi32>,
        %add3A_284 = arith.constant 1 : i32
        %add3A_285 = vector.broadcast %add3A_284 : i32 to vector<16xi32>
        %add3A_286 = arith.addi %add3A_282, %add3A_285 : vector<16xi32>
        %add3A_287 = arith.addi %shift_left3A_273, %add3A_197 : vector<16xi32>
        tpu.vector_store_idx %arg16[%add3A_286], %add3A_287 : memref<6144xi32, #tpu.memory_space<vmem>>[vector<16xi32>], vector<16xi32>,
        %add3A_288 = arith.constant 1280 : i32
        %add3A_289 = arith.addi %add3A_288, %mul3A_82 : i32
        %mul3A_290 = arith.constant 2 : i32
        %mul3A_291 = arith.muli %add3A_289, %mul3A_290 : i32
        %mul3A_292 = arith.constant 2 : i32
        %mul3A_293 = vector.broadcast %mul3A_292 : i32 to vector<16xi32>
        %mul3A_294 = arith.muli %iota3A, %mul3A_293 : vector<16xi32>
        %add3A_295 = vector.broadcast %mul3A_291 : i32 to vector<16xi32>
        %add3A_296 = arith.addi %add3A_295, %mul3A_294 : vector<16xi32>
        %add3A_297 = arith.addi %shift_left3A_273, %add3A_198 : vector<16xi32>
        tpu.vector_store_idx %arg16[%add3A_296], %add3A_297 : memref<6144xi32, #tpu.memory_space<vmem>>[vector<16xi32>], vector<16xi32>,
        %add3A_298 = arith.constant 1 : i32
        %add3A_299 = vector.broadcast %add3A_298 : i32 to vector<16xi32>
        %add3A_300 = arith.addi %add3A_296, %add3A_299 : vector<16xi32>
        %add3A_301 = arith.addi %shift_left3A_273, %add3A_199 : vector<16xi32>
        tpu.vector_store_idx %arg16[%add3A_300], %add3A_301 : memref<6144xi32, #tpu.memory_space<vmem>>[vector<16xi32>], vector<16xi32>,
        %add3A_302 = arith.constant 3 : i32
        %add3A_303 = vector.broadcast %add3A_302 : i32 to vector<16xi32>
        %add3A_304 = arith.addi %mul3A_126, %add3A_303 : vector<16xi32>
        %shift_left3A_305 = arith.constant 13 : i32
        %shift_left3A_306 = vector.broadcast %shift_left3A_305 : i32 to vector<16xi32>
        %shift_left3A_307 = arith.shli %add3A_304, %shift_left3A_306 : vector<16xi32>
        %add3A_308 = arith.constant 1536 : i32
        %add3A_309 = arith.addi %add3A_308, %mul3A_82 : i32
        %mul3A_310 = arith.constant 2 : i32
        %mul3A_311 = arith.muli %add3A_309, %mul3A_310 : i32
        %mul3A_312 = arith.constant 2 : i32
        %mul3A_313 = vector.broadcast %mul3A_312 : i32 to vector<16xi32>
        %mul3A_314 = arith.muli %iota3A, %mul3A_313 : vector<16xi32>
        %add3A_315 = vector.broadcast %mul3A_311 : i32 to vector<16xi32>
        %add3A_316 = arith.addi %add3A_315, %mul3A_314 : vector<16xi32>
        %add3A_317 = arith.addi %shift_left3A_307, %add3A_196 : vector<16xi32>
        tpu.vector_store_idx %arg16[%add3A_316], %add3A_317 : memref<6144xi32, #tpu.memory_space<vmem>>[vector<16xi32>], vector<16xi32>,
        %add3A_318 = arith.constant 1 : i32
        %add3A_319 = vector.broadcast %add3A_318 : i32 to vector<16xi32>
        %add3A_320 = arith.addi %add3A_316, %add3A_319 : vector<16xi32>
        %add3A_321 = arith.addi %shift_left3A_307, %add3A_197 : vector<16xi32>
        tpu.vector_store_idx %arg16[%add3A_320], %add3A_321 : memref<6144xi32, #tpu.memory_space<vmem>>[vector<16xi32>], vector<16xi32>,
        %add3A_322 = arith.constant 1792 : i32
        %add3A_323 = arith.addi %add3A_322, %mul3A_82 : i32
        %mul3A_324 = arith.constant 2 : i32
        %mul3A_325 = arith.muli %add3A_323, %mul3A_324 : i32
        %mul3A_326 = arith.constant 2 : i32
        %mul3A_327 = vector.broadcast %mul3A_326 : i32 to vector<16xi32>
        %mul3A_328 = arith.muli %iota3A, %mul3A_327 : vector<16xi32>
        %add3A_329 = vector.broadcast %mul3A_325 : i32 to vector<16xi32>
        %add3A_330 = arith.addi %add3A_329, %mul3A_328 : vector<16xi32>
        %add3A_331 = arith.addi %shift_left3A_307, %add3A_198 : vector<16xi32>
        tpu.vector_store_idx %arg16[%add3A_330], %add3A_331 : memref<6144xi32, #tpu.memory_space<vmem>>[vector<16xi32>], vector<16xi32>,
        %add3A_332 = arith.constant 1 : i32
        %add3A_333 = vector.broadcast %add3A_332 : i32 to vector<16xi32>
        %add3A_334 = arith.addi %add3A_330, %add3A_333 : vector<16xi32>
        %add3A_335 = arith.addi %shift_left3A_307, %add3A_199 : vector<16xi32>
        tpu.vector_store_idx %arg16[%add3A_334], %add3A_335 : memref<6144xi32, #tpu.memory_space<vmem>>[vector<16xi32>], vector<16xi32>,
        %add3A_336 = arith.constant 4 : i32
        %add3A_337 = vector.broadcast %add3A_336 : i32 to vector<16xi32>
        %add3A_338 = arith.addi %mul3A_126, %add3A_337 : vector<16xi32>
        %shift_left3A_339 = arith.constant 13 : i32
        %shift_left3A_340 = vector.broadcast %shift_left3A_339 : i32 to vector<16xi32>
        %shift_left3A_341 = arith.shli %add3A_338, %shift_left3A_340 : vector<16xi32>
        %add3A_342 = arith.constant 2048 : i32
        %add3A_343 = arith.addi %add3A_342, %mul3A_82 : i32
        %mul3A_344 = arith.constant 2 : i32
        %mul3A_345 = arith.muli %add3A_343, %mul3A_344 : i32
        %mul3A_346 = arith.constant 2 : i32
        %mul3A_347 = vector.broadcast %mul3A_346 : i32 to vector<16xi32>
        %mul3A_348 = arith.muli %iota3A, %mul3A_347 : vector<16xi32>
        %add3A_349 = vector.broadcast %mul3A_345 : i32 to vector<16xi32>
        %add3A_350 = arith.addi %add3A_349, %mul3A_348 : vector<16xi32>
        %add3A_351 = arith.addi %shift_left3A_341, %add3A_196 : vector<16xi32>
        tpu.vector_store_idx %arg16[%add3A_350], %add3A_351 : memref<6144xi32, #tpu.memory_space<vmem>>[vector<16xi32>], vector<16xi32>,
        %add3A_352 = arith.constant 1 : i32
        %add3A_353 = vector.broadcast %add3A_352 : i32 to vector<16xi32>
        %add3A_354 = arith.addi %add3A_350, %add3A_353 : vector<16xi32>
        %add3A_355 = arith.addi %shift_left3A_341, %add3A_197 : vector<16xi32>
        tpu.vector_store_idx %arg16[%add3A_354], %add3A_355 : memref<6144xi32, #tpu.memory_space<vmem>>[vector<16xi32>], vector<16xi32>,
        %add3A_356 = arith.constant 2304 : i32
        %add3A_357 = arith.addi %add3A_356, %mul3A_82 : i32
        %mul3A_358 = arith.constant 2 : i32
        %mul3A_359 = arith.muli %add3A_357, %mul3A_358 : i32
        %mul3A_360 = arith.constant 2 : i32
        %mul3A_361 = vector.broadcast %mul3A_360 : i32 to vector<16xi32>
        %mul3A_362 = arith.muli %iota3A, %mul3A_361 : vector<16xi32>
        %add3A_363 = vector.broadcast %mul3A_359 : i32 to vector<16xi32>
        %add3A_364 = arith.addi %add3A_363, %mul3A_362 : vector<16xi32>
        %add3A_365 = arith.addi %shift_left3A_341, %add3A_198 : vector<16xi32>
        tpu.vector_store_idx %arg16[%add3A_364], %add3A_365 : memref<6144xi32, #tpu.memory_space<vmem>>[vector<16xi32>], vector<16xi32>,
        %add3A_366 = arith.constant 1 : i32
        %add3A_367 = vector.broadcast %add3A_366 : i32 to vector<16xi32>
        %add3A_368 = arith.addi %add3A_364, %add3A_367 : vector<16xi32>
        %add3A_369 = arith.addi %shift_left3A_341, %add3A_199 : vector<16xi32>
        tpu.vector_store_idx %arg16[%add3A_368], %add3A_369 : memref<6144xi32, #tpu.memory_space<vmem>>[vector<16xi32>], vector<16xi32>,
        %add3A_370 = arith.constant 5 : i32
        %add3A_371 = vector.broadcast %add3A_370 : i32 to vector<16xi32>
        %add3A_372 = arith.addi %mul3A_126, %add3A_371 : vector<16xi32>
        %shift_left3A_373 = arith.constant 13 : i32
        %shift_left3A_374 = vector.broadcast %shift_left3A_373 : i32 to vector<16xi32>
        %shift_left3A_375 = arith.shli %add3A_372, %shift_left3A_374 : vector<16xi32>
        %add3A_376 = arith.constant 2560 : i32
        %add3A_377 = arith.addi %add3A_376, %mul3A_82 : i32
        %mul3A_378 = arith.constant 2 : i32
        %mul3A_379 = arith.muli %add3A_377, %mul3A_378 : i32
        %mul3A_380 = arith.constant 2 : i32
        %mul3A_381 = vector.broadcast %mul3A_380 : i32 to vector<16xi32>
        %mul3A_382 = arith.muli %iota3A, %mul3A_381 : vector<16xi32>
        %add3A_383 = vector.broadcast %mul3A_379 : i32 to vector<16xi32>
        %add3A_384 = arith.addi %add3A_383, %mul3A_382 : vector<16xi32>
        %add3A_385 = arith.addi %shift_left3A_375, %add3A_196 : vector<16xi32>
        tpu.vector_store_idx %arg16[%add3A_384], %add3A_385 : memref<6144xi32, #tpu.memory_space<vmem>>[vector<16xi32>], vector<16xi32>,
        %add3A_386 = arith.constant 1 : i32
        %add3A_387 = vector.broadcast %add3A_386 : i32 to vector<16xi32>
        %add3A_388 = arith.addi %add3A_384, %add3A_387 : vector<16xi32>
        %add3A_389 = arith.addi %shift_left3A_375, %add3A_197 : vector<16xi32>
        tpu.vector_store_idx %arg16[%add3A_388], %add3A_389 : memref<6144xi32, #tpu.memory_space<vmem>>[vector<16xi32>], vector<16xi32>,
        %add3A_390 = arith.constant 2816 : i32
        %add3A_391 = arith.addi %add3A_390, %mul3A_82 : i32
        %mul3A_392 = arith.constant 2 : i32
        %mul3A_393 = arith.muli %add3A_391, %mul3A_392 : i32
        %mul3A_394 = arith.constant 2 : i32
        %mul3A_395 = vector.broadcast %mul3A_394 : i32 to vector<16xi32>
        %mul3A_396 = arith.muli %iota3A, %mul3A_395 : vector<16xi32>
        %add3A_397 = vector.broadcast %mul3A_393 : i32 to vector<16xi32>
        %add3A_398 = arith.addi %add3A_397, %mul3A_396 : vector<16xi32>
        %add3A_399 = arith.addi %shift_left3A_375, %add3A_198 : vector<16xi32>
        tpu.vector_store_idx %arg16[%add3A_398], %add3A_399 : memref<6144xi32, #tpu.memory_space<vmem>>[vector<16xi32>], vector<16xi32>,
        %add3A_400 = arith.constant 1 : i32
        %add3A_401 = vector.broadcast %add3A_400 : i32 to vector<16xi32>
        %add3A_402 = arith.addi %add3A_398, %add3A_401 : vector<16xi32>
        %add3A_403 = arith.addi %shift_left3A_375, %add3A_199 : vector<16xi32>
        tpu.vector_store_idx %arg16[%add3A_402], %add3A_403 : memref<6144xi32, #tpu.memory_space<vmem>>[vector<16xi32>], vector<16xi32>,
        %scan3A_404 = arith.constant 0 : i32
        scf.yield %scan3A_404 : i32
      }
      %scan3A_39 = arith.constant 16 : i32
      %dma_start3A_40 = arith.constant 0 : i32
      %dma_start3A_41 = arith.constant 0 : i32
      %dma_start3A_42 = tpu.memref_slice %arg5[%dma_start3A_40, %dma_start3A_41] : memref<6291456x8xf32, #tpu.memory_space<hbm>> -> memref<6291456x8xf32, #tpu.memory_space<hbm>>
      tpu.enqueue_indirect_dma source(%dma_start3A_42 : memref<6291456x8xf32, #tpu.memory_space<hbm>>) target(%arg19 : memref<6144x8xf32, #tpu.memory_space<vmem>>) offsets(%arg16 : memref<6144xi32, #tpu.memory_space<vmem>>) semaphore(%arg25 : memref<!tpu.dma_semaphore, #tpu.memory_space<semaphore_mem>>)
      %dma_wait3A = arith.constant 0 : i32
      %dma_wait3A_43 = arith.constant 0 : i32
      %dma_wait3A_44 = tpu.memref_slice %arg5[%dma_wait3A, %dma_wait3A_43] : memref<6291456x8xf32, #tpu.memory_space<hbm>> -> memref<6291456x8xf32, #tpu.memory_space<hbm>>
      tpu.wait_indirect_dma semaphore(%arg24 : memref<!tpu.dma_semaphore, #tpu.memory_space<semaphore_mem>>) src(%dma_wait3A_44 : memref<6291456x8xf32, #tpu.memory_space<hbm>>) dst(%arg18 : memref<6144x8xf32, #tpu.memory_space<vmem>>)
      %scan3A_45 = arith.constant 0 : i32
      %scan3A_46 = arith.constant 0 : i32
      %scan3A_47 = arith.constant 16 : i32
      %scan3A_48 = arith.addi %scan3A_46, %scan3A_47 : i32
      %scan3A_49 = arith.constant 1 : i32
      %scan3A_50 = scf.for %scan3A_79 = %scan3A_46 to %scan3A_48 step %scan3A_49 iter_args(%scan3A_80 = %scan3A_45) -> (i32)  : i32 {
        %mul3A_81 = arith.constant 16 : i32
        %mul3A_82 = arith.muli %scan3A_79, %mul3A_81 : i32
        %add3A_83 = vector.broadcast %mul3A_82 : i32 to vector<16xi32>
        %add3A_84 = arith.addi %add3A_83, %iota3A : vector<16xi32>
        %get3A = arith.constant 0 : i32
        %get3A_85 = arith.index_cast %get3A : i32 to index
        %get3A_86 = arith.index_cast %mul3A_82 : i32 to index
        %get3A_87 = tpu.vector_load %arg17[%get3A_85, %get3A_86] {strides = array<i32>} : memref<4x256xi32, #tpu.memory_space<vmem>>, vector<16xi32>,
        %get3A_88 = arith.constant 1 : i32
        %get3A_89 = arith.index_cast %get3A_88 : i32 to index
        %get3A_90 = arith.index_cast %mul3A_82 : i32 to index
        %get3A_91 = tpu.vector_load %arg17[%get3A_89, %get3A_90] {strides = array<i32>} : memref<4x256xi32, #tpu.memory_space<vmem>>, vector<16xi32>,
        %get3A_92 = arith.constant 0 : i32
        %get3A_93 = arith.index_cast %get3A_92 : i32 to index
        %get3A_94 = arith.index_cast %mul3A_82 : i32 to index
        %get3A_95 = tpu.vector_load %arg20[%get3A_93, %get3A_94] {strides = array<i32>} : memref<6x256xf32, #tpu.memory_space<vmem>>, vector<16xf32>,
        %get3A_96 = arith.constant 1 : i32
        %get3A_97 = arith.index_cast %get3A_96 : i32 to index
        %get3A_98 = arith.index_cast %mul3A_82 : i32 to index
        %get3A_99 = tpu.vector_load %arg20[%get3A_97, %get3A_98] {strides = array<i32>} : memref<6x256xf32, #tpu.memory_space<vmem>>, vector<16xf32>,
        %get3A_100 = arith.constant 2 : i32
        %get3A_101 = arith.index_cast %get3A_100 : i32 to index
        %get3A_102 = arith.index_cast %mul3A_82 : i32 to index
        %get3A_103 = tpu.vector_load %arg20[%get3A_101, %get3A_102] {strides = array<i32>} : memref<6x256xf32, #tpu.memory_space<vmem>>, vector<16xf32>,
        %sub3A = arith.constant 1.000000e+00 : f32
        %sub3A_104 = vector.broadcast %sub3A : f32 to vector<16xf32>
        %sub3A_105 = arith.subf %sub3A_104, %get3A_99 : vector<16xf32>
        %sub3A_106 = arith.constant 1.000000e+00 : f32
        %sub3A_107 = vector.broadcast %sub3A_106 : f32 to vector<16xf32>
        %sub3A_108 = arith.subf %sub3A_107, %get3A_103 : vector<16xf32>
        %mul3A_109 = arith.mulf %sub3A_108, %sub3A_105 : vector<16xf32>
        %add3A_110 = arith.constant 0 : i32
        %add3A_111 = arith.addi %add3A_110, %mul3A_82 : i32
        %mul3A_112 = arith.constant 2 : i32
        %mul3A_113 = arith.muli %add3A_111, %mul3A_112 : i32
        %mul3A_114 = arith.constant 2 : i32
        %mul3A_115 = vector.broadcast %mul3A_114 : i32 to vector<16xi32>
        %mul3A_116 = arith.muli %iota3A, %mul3A_115 : vector<16xi32>
        %add3A_117 = vector.broadcast %mul3A_113 : i32 to vector<16xi32>
        %add3A_118 = arith.addi %add3A_117, %mul3A_116 : vector<16xi32>
        %gather3A = tpu.vector_load_idx %arg18[%add3A_118, %get3A_87] : memref<6144x8xf32, #tpu.memory_space<vmem>>[vector<16xi32>, vector<16xi32>], vector<16xf32>,
        %add3A_119 = arith.constant 1 : i32
        %add3A_120 = vector.broadcast %add3A_119 : i32 to vector<16xi32>
        %add3A_121 = arith.addi %add3A_118, %add3A_120 : vector<16xi32>
        %gather3A_122 = tpu.vector_load_idx %arg18[%add3A_121, %get3A_91] : memref<6144x8xf32, #tpu.memory_space<vmem>>[vector<16xi32>, vector<16xi32>], vector<16xf32>,
        %sub3A_123 = arith.subf %gather3A_122, %gather3A : vector<16xf32>
        %mul3A_124 = arith.mulf %get3A_95, %sub3A_123 : vector<16xf32>
        %add3A_125 = arith.addf %gather3A, %mul3A_124 : vector<16xf32>
        %mul3A_126 = arith.mulf %mul3A_109, %add3A_125 : vector<16xf32>
        %add3A_127 = arith.constant 512 : i32
        %add3A_128 = arith.addi %add3A_127, %mul3A_82 : i32
        %mul3A_129 = arith.constant 2 : i32
        %mul3A_130 = arith.muli %add3A_128, %mul3A_129 : i32
        %mul3A_131 = arith.constant 2 : i32
        %mul3A_132 = vector.broadcast %mul3A_131 : i32 to vector<16xi32>
        %mul3A_133 = arith.muli %iota3A, %mul3A_132 : vector<16xi32>
        %add3A_134 = vector.broadcast %mul3A_130 : i32 to vector<16xi32>
        %add3A_135 = arith.addi %add3A_134, %mul3A_133 : vector<16xi32>
        %gather3A_136 = tpu.vector_load_idx %arg18[%add3A_135, %get3A_87] : memref<6144x8xf32, #tpu.memory_space<vmem>>[vector<16xi32>, vector<16xi32>], vector<16xf32>,
        %add3A_137 = arith.constant 1 : i32
        %add3A_138 = vector.broadcast %add3A_137 : i32 to vector<16xi32>
        %add3A_139 = arith.addi %add3A_135, %add3A_138 : vector<16xi32>
        %gather3A_140 = tpu.vector_load_idx %arg18[%add3A_139, %get3A_91] : memref<6144x8xf32, #tpu.memory_space<vmem>>[vector<16xi32>, vector<16xi32>], vector<16xf32>,
        %sub3A_141 = arith.subf %gather3A_140, %gather3A_136 : vector<16xf32>
        %mul3A_142 = arith.mulf %get3A_95, %sub3A_141 : vector<16xf32>
        %add3A_143 = arith.addf %gather3A_136, %mul3A_142 : vector<16xf32>
        %mul3A_144 = arith.mulf %mul3A_109, %add3A_143 : vector<16xf32>
        %add3A_145 = arith.constant 1024 : i32
        %add3A_146 = arith.addi %add3A_145, %mul3A_82 : i32
        %mul3A_147 = arith.constant 2 : i32
        %mul3A_148 = arith.muli %add3A_146, %mul3A_147 : i32
        %mul3A_149 = arith.constant 2 : i32
        %mul3A_150 = vector.broadcast %mul3A_149 : i32 to vector<16xi32>
        %mul3A_151 = arith.muli %iota3A, %mul3A_150 : vector<16xi32>
        %add3A_152 = vector.broadcast %mul3A_148 : i32 to vector<16xi32>
        %add3A_153 = arith.addi %add3A_152, %mul3A_151 : vector<16xi32>
        %gather3A_154 = tpu.vector_load_idx %arg18[%add3A_153, %get3A_87] : memref<6144x8xf32, #tpu.memory_space<vmem>>[vector<16xi32>, vector<16xi32>], vector<16xf32>,
        %add3A_155 = arith.constant 1 : i32
        %add3A_156 = vector.broadcast %add3A_155 : i32 to vector<16xi32>
        %add3A_157 = arith.addi %add3A_153, %add3A_156 : vector<16xi32>
        %gather3A_158 = tpu.vector_load_idx %arg18[%add3A_157, %get3A_91] : memref<6144x8xf32, #tpu.memory_space<vmem>>[vector<16xi32>, vector<16xi32>], vector<16xf32>,
        %sub3A_159 = arith.subf %gather3A_158, %gather3A_154 : vector<16xf32>
        %mul3A_160 = arith.mulf %get3A_95, %sub3A_159 : vector<16xf32>
        %add3A_161 = arith.addf %gather3A_154, %mul3A_160 : vector<16xf32>
        %mul3A_162 = arith.mulf %mul3A_109, %add3A_161 : vector<16xf32>
        %mul3A_163 = arith.mulf %sub3A_108, %get3A_99 : vector<16xf32>
        %add3A_164 = arith.constant 256 : i32
        %add3A_165 = arith.addi %add3A_164, %mul3A_82 : i32
        %mul3A_166 = arith.constant 2 : i32
        %mul3A_167 = arith.muli %add3A_165, %mul3A_166 : i32
        %mul3A_168 = arith.constant 2 : i32
        %mul3A_169 = vector.broadcast %mul3A_168 : i32 to vector<16xi32>
        %mul3A_170 = arith.muli %iota3A, %mul3A_169 : vector<16xi32>
        %add3A_171 = vector.broadcast %mul3A_167 : i32 to vector<16xi32>
        %add3A_172 = arith.addi %add3A_171, %mul3A_170 : vector<16xi32>
        %gather3A_173 = tpu.vector_load_idx %arg18[%add3A_172, %get3A_87] : memref<6144x8xf32, #tpu.memory_space<vmem>>[vector<16xi32>, vector<16xi32>], vector<16xf32>,
        %add3A_174 = arith.constant 1 : i32
        %add3A_175 = vector.broadcast %add3A_174 : i32 to vector<16xi32>
        %add3A_176 = arith.addi %add3A_172, %add3A_175 : vector<16xi32>
        %gather3A_177 = tpu.vector_load_idx %arg18[%add3A_176, %get3A_91] : memref<6144x8xf32, #tpu.memory_space<vmem>>[vector<16xi32>, vector<16xi32>], vector<16xf32>,
        %sub3A_178 = arith.subf %gather3A_177, %gather3A_173 : vector<16xf32>
        %mul3A_179 = arith.mulf %get3A_95, %sub3A_178 : vector<16xf32>
        %add3A_180 = arith.addf %gather3A_173, %mul3A_179 : vector<16xf32>
        %mul3A_181 = arith.mulf %mul3A_163, %add3A_180 : vector<16xf32>
        %add3A_182 = arith.addf %mul3A_126, %mul3A_181 : vector<16xf32>
        %add3A_183 = arith.constant 768 : i32
        %add3A_184 = arith.addi %add3A_183, %mul3A_82 : i32
        %mul3A_185 = arith.constant 2 : i32
        %mul3A_186 = arith.muli %add3A_184, %mul3A_185 : i32
        %mul3A_187 = arith.constant 2 : i32
        %mul3A_188 = vector.broadcast %mul3A_187 : i32 to vector<16xi32>
        %mul3A_189 = arith.muli %iota3A, %mul3A_188 : vector<16xi32>
        %add3A_190 = vector.broadcast %mul3A_186 : i32 to vector<16xi32>
        %add3A_191 = arith.addi %add3A_190, %mul3A_189 : vector<16xi32>
        %gather3A_192 = tpu.vector_load_idx %arg18[%add3A_191, %get3A_87] : memref<6144x8xf32, #tpu.memory_space<vmem>>[vector<16xi32>, vector<16xi32>], vector<16xf32>,
        %add3A_193 = arith.constant 1 : i32
        %add3A_194 = vector.broadcast %add3A_193 : i32 to vector<16xi32>
        %add3A_195 = arith.addi %add3A_191, %add3A_194 : vector<16xi32>
        %gather3A_196 = tpu.vector_load_idx %arg18[%add3A_195, %get3A_91] : memref<6144x8xf32, #tpu.memory_space<vmem>>[vector<16xi32>, vector<16xi32>], vector<16xf32>,
        %sub3A_197 = arith.subf %gather3A_196, %gather3A_192 : vector<16xf32>
        %mul3A_198 = arith.mulf %get3A_95, %sub3A_197 : vector<16xf32>
        %add3A_199 = arith.addf %gather3A_192, %mul3A_198 : vector<16xf32>
        %mul3A_200 = arith.mulf %mul3A_163, %add3A_199 : vector<16xf32>
        %add3A_201 = arith.addf %mul3A_144, %mul3A_200 : vector<16xf32>
        %add3A_202 = arith.constant 1280 : i32
        %add3A_203 = arith.addi %add3A_202, %mul3A_82 : i32
        %mul3A_204 = arith.constant 2 : i32
        %mul3A_205 = arith.muli %add3A_203, %mul3A_204 : i32
        %mul3A_206 = arith.constant 2 : i32
        %mul3A_207 = vector.broadcast %mul3A_206 : i32 to vector<16xi32>
        %mul3A_208 = arith.muli %iota3A, %mul3A_207 : vector<16xi32>
        %add3A_209 = vector.broadcast %mul3A_205 : i32 to vector<16xi32>
        %add3A_210 = arith.addi %add3A_209, %mul3A_208 : vector<16xi32>
        %gather3A_211 = tpu.vector_load_idx %arg18[%add3A_210, %get3A_87] : memref<6144x8xf32, #tpu.memory_space<vmem>>[vector<16xi32>, vector<16xi32>], vector<16xf32>,
        %add3A_212 = arith.constant 1 : i32
        %add3A_213 = vector.broadcast %add3A_212 : i32 to vector<16xi32>
        %add3A_214 = arith.addi %add3A_210, %add3A_213 : vector<16xi32>
        %gather3A_215 = tpu.vector_load_idx %arg18[%add3A_214, %get3A_91] : memref<6144x8xf32, #tpu.memory_space<vmem>>[vector<16xi32>, vector<16xi32>], vector<16xf32>,
        %sub3A_216 = arith.subf %gather3A_215, %gather3A_211 : vector<16xf32>
        %mul3A_217 = arith.mulf %get3A_95, %sub3A_216 : vector<16xf32>
        %add3A_218 = arith.addf %gather3A_211, %mul3A_217 : vector<16xf32>
        %mul3A_219 = arith.mulf %mul3A_163, %add3A_218 : vector<16xf32>
        %add3A_220 = arith.addf %mul3A_162, %mul3A_219 : vector<16xf32>
        %mul3A_221 = arith.mulf %get3A_103, %sub3A_105 : vector<16xf32>
        %add3A_222 = arith.constant 1536 : i32
        %add3A_223 = arith.addi %add3A_222, %mul3A_82 : i32
        %mul3A_224 = arith.constant 2 : i32
        %mul3A_225 = arith.muli %add3A_223, %mul3A_224 : i32
        %mul3A_226 = arith.constant 2 : i32
        %mul3A_227 = vector.broadcast %mul3A_226 : i32 to vector<16xi32>
        %mul3A_228 = arith.muli %iota3A, %mul3A_227 : vector<16xi32>
        %add3A_229 = vector.broadcast %mul3A_225 : i32 to vector<16xi32>
        %add3A_230 = arith.addi %add3A_229, %mul3A_228 : vector<16xi32>
        %gather3A_231 = tpu.vector_load_idx %arg18[%add3A_230, %get3A_87] : memref<6144x8xf32, #tpu.memory_space<vmem>>[vector<16xi32>, vector<16xi32>], vector<16xf32>,
        %add3A_232 = arith.constant 1 : i32
        %add3A_233 = vector.broadcast %add3A_232 : i32 to vector<16xi32>
        %add3A_234 = arith.addi %add3A_230, %add3A_233 : vector<16xi32>
        %gather3A_235 = tpu.vector_load_idx %arg18[%add3A_234, %get3A_91] : memref<6144x8xf32, #tpu.memory_space<vmem>>[vector<16xi32>, vector<16xi32>], vector<16xf32>,
        %sub3A_236 = arith.subf %gather3A_235, %gather3A_231 : vector<16xf32>
        %mul3A_237 = arith.mulf %get3A_95, %sub3A_236 : vector<16xf32>
        %add3A_238 = arith.addf %gather3A_231, %mul3A_237 : vector<16xf32>
        %mul3A_239 = arith.mulf %mul3A_221, %add3A_238 : vector<16xf32>
        %add3A_240 = arith.addf %add3A_182, %mul3A_239 : vector<16xf32>
        %add3A_241 = arith.constant 2048 : i32
        %add3A_242 = arith.addi %add3A_241, %mul3A_82 : i32
        %mul3A_243 = arith.constant 2 : i32
        %mul3A_244 = arith.muli %add3A_242, %mul3A_243 : i32
        %mul3A_245 = arith.constant 2 : i32
        %mul3A_246 = vector.broadcast %mul3A_245 : i32 to vector<16xi32>
        %mul3A_247 = arith.muli %iota3A, %mul3A_246 : vector<16xi32>
        %add3A_248 = vector.broadcast %mul3A_244 : i32 to vector<16xi32>
        %add3A_249 = arith.addi %add3A_248, %mul3A_247 : vector<16xi32>
        %gather3A_250 = tpu.vector_load_idx %arg18[%add3A_249, %get3A_87] : memref<6144x8xf32, #tpu.memory_space<vmem>>[vector<16xi32>, vector<16xi32>], vector<16xf32>,
        %add3A_251 = arith.constant 1 : i32
        %add3A_252 = vector.broadcast %add3A_251 : i32 to vector<16xi32>
        %add3A_253 = arith.addi %add3A_249, %add3A_252 : vector<16xi32>
        %gather3A_254 = tpu.vector_load_idx %arg18[%add3A_253, %get3A_91] : memref<6144x8xf32, #tpu.memory_space<vmem>>[vector<16xi32>, vector<16xi32>], vector<16xf32>,
        %sub3A_255 = arith.subf %gather3A_254, %gather3A_250 : vector<16xf32>
        %mul3A_256 = arith.mulf %get3A_95, %sub3A_255 : vector<16xf32>
        %add3A_257 = arith.addf %gather3A_250, %mul3A_256 : vector<16xf32>
        %mul3A_258 = arith.mulf %mul3A_221, %add3A_257 : vector<16xf32>
        %add3A_259 = arith.addf %add3A_201, %mul3A_258 : vector<16xf32>
        %add3A_260 = arith.constant 2560 : i32
        %add3A_261 = arith.addi %add3A_260, %mul3A_82 : i32
        %mul3A_262 = arith.constant 2 : i32
        %mul3A_263 = arith.muli %add3A_261, %mul3A_262 : i32
        %mul3A_264 = arith.constant 2 : i32
        %mul3A_265 = vector.broadcast %mul3A_264 : i32 to vector<16xi32>
        %mul3A_266 = arith.muli %iota3A, %mul3A_265 : vector<16xi32>
        %add3A_267 = vector.broadcast %mul3A_263 : i32 to vector<16xi32>
        %add3A_268 = arith.addi %add3A_267, %mul3A_266 : vector<16xi32>
        %gather3A_269 = tpu.vector_load_idx %arg18[%add3A_268, %get3A_87] : memref<6144x8xf32, #tpu.memory_space<vmem>>[vector<16xi32>, vector<16xi32>], vector<16xf32>,
        %add3A_270 = arith.constant 1 : i32
        %add3A_271 = vector.broadcast %add3A_270 : i32 to vector<16xi32>
        %add3A_272 = arith.addi %add3A_268, %add3A_271 : vector<16xi32>
        %gather3A_273 = tpu.vector_load_idx %arg18[%add3A_272, %get3A_91] : memref<6144x8xf32, #tpu.memory_space<vmem>>[vector<16xi32>, vector<16xi32>], vector<16xf32>,
        %sub3A_274 = arith.subf %gather3A_273, %gather3A_269 : vector<16xf32>
        %mul3A_275 = arith.mulf %get3A_95, %sub3A_274 : vector<16xf32>
        %add3A_276 = arith.addf %gather3A_269, %mul3A_275 : vector<16xf32>
        %mul3A_277 = arith.mulf %mul3A_221, %add3A_276 : vector<16xf32>
        %add3A_278 = arith.addf %add3A_220, %mul3A_277 : vector<16xf32>
        %mul3A_279 = arith.mulf %get3A_103, %get3A_99 : vector<16xf32>
        %add3A_280 = arith.constant 1792 : i32
        %add3A_281 = arith.addi %add3A_280, %mul3A_82 : i32
        %mul3A_282 = arith.constant 2 : i32
        %mul3A_283 = arith.muli %add3A_281, %mul3A_282 : i32
        %mul3A_284 = arith.constant 2 : i32
        %mul3A_285 = vector.broadcast %mul3A_284 : i32 to vector<16xi32>
        %mul3A_286 = arith.muli %iota3A, %mul3A_285 : vector<16xi32>
        %add3A_287 = vector.broadcast %mul3A_283 : i32 to vector<16xi32>
        %add3A_288 = arith.addi %add3A_287, %mul3A_286 : vector<16xi32>
        %gather3A_289 = tpu.vector_load_idx %arg18[%add3A_288, %get3A_87] : memref<6144x8xf32, #tpu.memory_space<vmem>>[vector<16xi32>, vector<16xi32>], vector<16xf32>,
        %add3A_290 = arith.constant 1 : i32
        %add3A_291 = vector.broadcast %add3A_290 : i32 to vector<16xi32>
        %add3A_292 = arith.addi %add3A_288, %add3A_291 : vector<16xi32>
        %gather3A_293 = tpu.vector_load_idx %arg18[%add3A_292, %get3A_91] : memref<6144x8xf32, #tpu.memory_space<vmem>>[vector<16xi32>, vector<16xi32>], vector<16xf32>,
        %sub3A_294 = arith.subf %gather3A_293, %gather3A_289 : vector<16xf32>
        %mul3A_295 = arith.mulf %get3A_95, %sub3A_294 : vector<16xf32>
        %add3A_296 = arith.addf %gather3A_289, %mul3A_295 : vector<16xf32>
        %mul3A_297 = arith.mulf %mul3A_279, %add3A_296 : vector<16xf32>
        %add3A_298 = arith.addf %add3A_240, %mul3A_297 : vector<16xf32>
        %add3A_299 = arith.constant 2304 : i32
        %add3A_300 = arith.addi %add3A_299, %mul3A_82 : i32
        %mul3A_301 = arith.constant 2 : i32
        %mul3A_302 = arith.muli %add3A_300, %mul3A_301 : i32
        %mul3A_303 = arith.constant 2 : i32
        %mul3A_304 = vector.broadcast %mul3A_303 : i32 to vector<16xi32>
        %mul3A_305 = arith.muli %iota3A, %mul3A_304 : vector<16xi32>
        %add3A_306 = vector.broadcast %mul3A_302 : i32 to vector<16xi32>
        %add3A_307 = arith.addi %add3A_306, %mul3A_305 : vector<16xi32>
        %gather3A_308 = tpu.vector_load_idx %arg18[%add3A_307, %get3A_87] : memref<6144x8xf32, #tpu.memory_space<vmem>>[vector<16xi32>, vector<16xi32>], vector<16xf32>,
        %add3A_309 = arith.constant 1 : i32
        %add3A_310 = vector.broadcast %add3A_309 : i32 to vector<16xi32>
        %add3A_311 = arith.addi %add3A_307, %add3A_310 : vector<16xi32>
        %gather3A_312 = tpu.vector_load_idx %arg18[%add3A_311, %get3A_91] : memref<6144x8xf32, #tpu.memory_space<vmem>>[vector<16xi32>, vector<16xi32>], vector<16xf32>,
        %sub3A_313 = arith.subf %gather3A_312, %gather3A_308 : vector<16xf32>
        %mul3A_314 = arith.mulf %get3A_95, %sub3A_313 : vector<16xf32>
        %add3A_315 = arith.addf %gather3A_308, %mul3A_314 : vector<16xf32>
        %mul3A_316 = arith.mulf %mul3A_279, %add3A_315 : vector<16xf32>
        %add3A_317 = arith.addf %add3A_259, %mul3A_316 : vector<16xf32>
        %add3A_318 = arith.constant 2816 : i32
        %add3A_319 = arith.addi %add3A_318, %mul3A_82 : i32
        %mul3A_320 = arith.constant 2 : i32
        %mul3A_321 = arith.muli %add3A_319, %mul3A_320 : i32
        %mul3A_322 = arith.constant 2 : i32
        %mul3A_323 = vector.broadcast %mul3A_322 : i32 to vector<16xi32>
        %mul3A_324 = arith.muli %iota3A, %mul3A_323 : vector<16xi32>
        %add3A_325 = vector.broadcast %mul3A_321 : i32 to vector<16xi32>
        %add3A_326 = arith.addi %add3A_325, %mul3A_324 : vector<16xi32>
        %gather3A_327 = tpu.vector_load_idx %arg18[%add3A_326, %get3A_87] : memref<6144x8xf32, #tpu.memory_space<vmem>>[vector<16xi32>, vector<16xi32>], vector<16xf32>,
        %add3A_328 = arith.constant 1 : i32
        %add3A_329 = vector.broadcast %add3A_328 : i32 to vector<16xi32>
        %add3A_330 = arith.addi %add3A_326, %add3A_329 : vector<16xi32>
        %gather3A_331 = tpu.vector_load_idx %arg18[%add3A_330, %get3A_91] : memref<6144x8xf32, #tpu.memory_space<vmem>>[vector<16xi32>, vector<16xi32>], vector<16xf32>,
        %sub3A_332 = arith.subf %gather3A_331, %gather3A_327 : vector<16xf32>
        %mul3A_333 = arith.mulf %get3A_95, %sub3A_332 : vector<16xf32>
        %add3A_334 = arith.addf %gather3A_327, %mul3A_333 : vector<16xf32>
        %mul3A_335 = arith.mulf %mul3A_279, %add3A_334 : vector<16xf32>
        %add3A_336 = arith.addf %add3A_278, %mul3A_335 : vector<16xf32>
        %swap3A = arith.index_cast %mul3A_82 : i32 to index
        %swap3A_337 = tpu.vector_load %arg21[%swap3A] {strides = array<i32>} : memref<256xf32, #tpu.memory_space<vmem>>, vector<16xf32>,
        tpu.vector_store %arg21[%swap3A], %add3A_298 {strides = array<i32>} : memref<256xf32, #tpu.memory_space<vmem>>, vector<16xf32>,
        %swap3A_338 = arith.index_cast %mul3A_82 : i32 to index
        %swap3A_339 = tpu.vector_load %arg22[%swap3A_338] {strides = array<i32>} : memref<256xf32, #tpu.memory_space<vmem>>, vector<16xf32>,
        tpu.vector_store %arg22[%swap3A_338], %add3A_317 {strides = array<i32>} : memref<256xf32, #tpu.memory_space<vmem>>, vector<16xf32>,
        %swap3A_340 = arith.index_cast %mul3A_82 : i32 to index
        %swap3A_341 = tpu.vector_load %arg23[%swap3A_340] {strides = array<i32>} : memref<256xf32, #tpu.memory_space<vmem>>, vector<16xf32>,
        tpu.vector_store %arg23[%swap3A_340], %add3A_336 {strides = array<i32>} : memref<256xf32, #tpu.memory_space<vmem>>, vector<16xf32>,
        %scan3A_342 = arith.constant 0 : i32
        scf.yield %scan3A_342 : i32
      }
      %scan3A_51 = arith.constant 16 : i32
      %mul3A_52 = arith.constant 32768 : i32
      %mul3A_53 = arith.muli %add3A, %mul3A_52 : i32
      %mul3A_54 = arith.constant 256 : i32
      %mul3A_55 = arith.muli %mul3A_23, %mul3A_54 : i32
      %add3A_56 = arith.addi %mul3A_53, %mul3A_55 : i32
      "tpu.region"() ({
        %run_scoped3A = tpu.sem_alloc : memref<!tpu.dma_semaphore, #tpu.memory_space<semaphore_mem>>
        %dma_start3A_79 = tpu.memref_slice %arg6[%add3A_56] : memref<1048576xf32, #tpu.memory_space<hbm>> -> memref<256xf32, #tpu.memory_space<hbm>>
        %dma_start3A_80 = tpu.memref_slice %arg6[%add3A_56] : memref<1048576xf32, #tpu.memory_space<hbm>> -> memref<256xf32, #tpu.memory_space<hbm>>
        tpu.enqueue_dma source(%arg21 : memref<256xf32, #tpu.memory_space<vmem>>) target(%dma_start3A_80 : memref<256xf32, #tpu.memory_space<hbm>>) target_semaphore(%run_scoped3A : memref<!tpu.dma_semaphore, #tpu.memory_space<semaphore_mem>>)
        %dma_wait3A_81 = tpu.memref_slice %arg6[%add3A_56] : memref<1048576xf32, #tpu.memory_space<hbm>> -> memref<256xf32, #tpu.memory_space<hbm>>
        %dma_wait3A_82 = tpu.memref_slice %arg6[%add3A_56] : memref<1048576xf32, #tpu.memory_space<hbm>> -> memref<256xf32, #tpu.memory_space<hbm>>
        tpu.wait_dma2 semaphore(%run_scoped3A : memref<!tpu.dma_semaphore, #tpu.memory_space<semaphore_mem>>) src(%arg21 : memref<256xf32, #tpu.memory_space<vmem>>) dst(%dma_wait3A_82 : memref<256xf32, #tpu.memory_space<hbm>>)
        tpu.yield
      }) : () -> ()
      "tpu.region"() ({
        %run_scoped3A = tpu.sem_alloc : memref<!tpu.dma_semaphore, #tpu.memory_space<semaphore_mem>>
        %dma_start3A_79 = tpu.memref_slice %arg7[%add3A_56] : memref<1048576xf32, #tpu.memory_space<hbm>> -> memref<256xf32, #tpu.memory_space<hbm>>
        %dma_start3A_80 = tpu.memref_slice %arg7[%add3A_56] : memref<1048576xf32, #tpu.memory_space<hbm>> -> memref<256xf32, #tpu.memory_space<hbm>>
        tpu.enqueue_dma source(%arg22 : memref<256xf32, #tpu.memory_space<vmem>>) target(%dma_start3A_80 : memref<256xf32, #tpu.memory_space<hbm>>) target_semaphore(%run_scoped3A : memref<!tpu.dma_semaphore, #tpu.memory_space<semaphore_mem>>)
        %dma_wait3A_81 = tpu.memref_slice %arg7[%add3A_56] : memref<1048576xf32, #tpu.memory_space<hbm>> -> memref<256xf32, #tpu.memory_space<hbm>>
        %dma_wait3A_82 = tpu.memref_slice %arg7[%add3A_56] : memref<1048576xf32, #tpu.memory_space<hbm>> -> memref<256xf32, #tpu.memory_space<hbm>>
        tpu.wait_dma2 semaphore(%run_scoped3A : memref<!tpu.dma_semaphore, #tpu.memory_space<semaphore_mem>>) src(%arg22 : memref<256xf32, #tpu.memory_space<vmem>>) dst(%dma_wait3A_82 : memref<256xf32, #tpu.memory_space<hbm>>)
        tpu.yield
      }) : () -> ()
      "tpu.region"() ({
        %run_scoped3A = tpu.sem_alloc : memref<!tpu.dma_semaphore, #tpu.memory_space<semaphore_mem>>
        %dma_start3A_79 = tpu.memref_slice %arg8[%add3A_56] : memref<1048576xf32, #tpu.memory_space<hbm>> -> memref<256xf32, #tpu.memory_space<hbm>>
        %dma_start3A_80 = tpu.memref_slice %arg8[%add3A_56] : memref<1048576xf32, #tpu.memory_space<hbm>> -> memref<256xf32, #tpu.memory_space<hbm>>
        tpu.enqueue_dma source(%arg23 : memref<256xf32, #tpu.memory_space<vmem>>) target(%dma_start3A_80 : memref<256xf32, #tpu.memory_space<hbm>>) target_semaphore(%run_scoped3A : memref<!tpu.dma_semaphore, #tpu.memory_space<semaphore_mem>>)
        %dma_wait3A_81 = tpu.memref_slice %arg8[%add3A_56] : memref<1048576xf32, #tpu.memory_space<hbm>> -> memref<256xf32, #tpu.memory_space<hbm>>
        %dma_wait3A_82 = tpu.memref_slice %arg8[%add3A_56] : memref<1048576xf32, #tpu.memory_space<hbm>> -> memref<256xf32, #tpu.memory_space<hbm>>
        tpu.wait_dma2 semaphore(%run_scoped3A : memref<!tpu.dma_semaphore, #tpu.memory_space<semaphore_mem>>) src(%arg23 : memref<256xf32, #tpu.memory_space<vmem>>) dst(%dma_wait3A_82 : memref<256xf32, #tpu.memory_space<hbm>>)
        tpu.yield
      }) : () -> ()
      %add3A_57 = arith.constant 2 : i32
      %add3A_58 = arith.addi %mul3A_23, %add3A_57 : i32
      %lt3A = arith.constant 128 : i32
      %lt3A_59 = arith.cmpi slt, %add3A_58, %lt3A : i32
      %convert_element_type3A = arith.extui %lt3A_59 : i1 to i32
      %cond3A = arith.constant 0 : i32
      %cond3A_60 = arith.cmpi ne, %convert_element_type3A, %cond3A : i32
      scf.if %cond3A_60 {
        %add3A_79 = arith.constant 2 : i32
        %add3A_80 = arith.addi %mul3A_23, %add3A_79 : i32
        %mul3A_81 = arith.constant 32768 : i32
        %mul3A_82 = arith.muli %add3A, %mul3A_81 : i32
        %mul3A_83 = arith.constant 256 : i32
        %mul3A_84 = arith.muli %add3A_80, %mul3A_83 : i32
        %add3A_85 = arith.addi %mul3A_82, %mul3A_84 : i32
        "tpu.region"() ({
          %run_scoped3A = tpu.sem_alloc : memref<!tpu.dma_semaphore, #tpu.memory_space<semaphore_mem>>
          %dma_start3A_98 = tpu.memref_slice %arg2[%add3A_85] : memref<1048576xf32, #tpu.memory_space<hbm>> -> memref<256xf32, #tpu.memory_space<hbm>>
          %dma_start3A_99 = tpu.memref_slice %arg2[%add3A_85] : memref<1048576xf32, #tpu.memory_space<hbm>> -> memref<256xf32, #tpu.memory_space<hbm>>
          tpu.enqueue_dma source(%dma_start3A_99 : memref<256xf32, #tpu.memory_space<hbm>>) target(%arg9 : memref<256xf32, #tpu.memory_space<vmem>>) target_semaphore(%run_scoped3A : memref<!tpu.dma_semaphore, #tpu.memory_space<semaphore_mem>>)
          %dma_wait3A_100 = tpu.memref_slice %arg2[%add3A_85] : memref<1048576xf32, #tpu.memory_space<hbm>> -> memref<256xf32, #tpu.memory_space<hbm>>
          %dma_wait3A_101 = tpu.memref_slice %arg2[%add3A_85] : memref<1048576xf32, #tpu.memory_space<hbm>> -> memref<256xf32, #tpu.memory_space<hbm>>
          tpu.wait_dma2 semaphore(%run_scoped3A : memref<!tpu.dma_semaphore, #tpu.memory_space<semaphore_mem>>) src(%dma_wait3A_101 : memref<256xf32, #tpu.memory_space<hbm>>) dst(%arg9 : memref<256xf32, #tpu.memory_space<vmem>>)
          tpu.yield
        }) : () -> ()
        "tpu.region"() ({
          %run_scoped3A = tpu.sem_alloc : memref<!tpu.dma_semaphore, #tpu.memory_space<semaphore_mem>>
          %dma_start3A_98 = tpu.memref_slice %arg3[%add3A_85] : memref<1048576xf32, #tpu.memory_space<hbm>> -> memref<256xf32, #tpu.memory_space<hbm>>
          %dma_start3A_99 = tpu.memref_slice %arg3[%add3A_85] : memref<1048576xf32, #tpu.memory_space<hbm>> -> memref<256xf32, #tpu.memory_space<hbm>>
          tpu.enqueue_dma source(%dma_start3A_99 : memref<256xf32, #tpu.memory_space<hbm>>) target(%arg10 : memref<256xf32, #tpu.memory_space<vmem>>) target_semaphore(%run_scoped3A : memref<!tpu.dma_semaphore, #tpu.memory_space<semaphore_mem>>)
          %dma_wait3A_100 = tpu.memref_slice %arg3[%add3A_85] : memref<1048576xf32, #tpu.memory_space<hbm>> -> memref<256xf32, #tpu.memory_space<hbm>>
          %dma_wait3A_101 = tpu.memref_slice %arg3[%add3A_85] : memref<1048576xf32, #tpu.memory_space<hbm>> -> memref<256xf32, #tpu.memory_space<hbm>>
          tpu.wait_dma2 semaphore(%run_scoped3A : memref<!tpu.dma_semaphore, #tpu.memory_space<semaphore_mem>>) src(%dma_wait3A_101 : memref<256xf32, #tpu.memory_space<hbm>>) dst(%arg10 : memref<256xf32, #tpu.memory_space<vmem>>)
          tpu.yield
        }) : () -> ()
        "tpu.region"() ({
          %run_scoped3A = tpu.sem_alloc : memref<!tpu.dma_semaphore, #tpu.memory_space<semaphore_mem>>
          %dma_start3A_98 = tpu.memref_slice %arg4[%add3A_85] : memref<1048576xf32, #tpu.memory_space<hbm>> -> memref<256xf32, #tpu.memory_space<hbm>>
          %dma_start3A_99 = tpu.memref_slice %arg4[%add3A_85] : memref<1048576xf32, #tpu.memory_space<hbm>> -> memref<256xf32, #tpu.memory_space<hbm>>
          tpu.enqueue_dma source(%dma_start3A_99 : memref<256xf32, #tpu.memory_space<hbm>>) target(%arg11 : memref<256xf32, #tpu.memory_space<vmem>>) target_semaphore(%run_scoped3A : memref<!tpu.dma_semaphore, #tpu.memory_space<semaphore_mem>>)
          %dma_wait3A_100 = tpu.memref_slice %arg4[%add3A_85] : memref<1048576xf32, #tpu.memory_space<hbm>> -> memref<256xf32, #tpu.memory_space<hbm>>
          %dma_wait3A_101 = tpu.memref_slice %arg4[%add3A_85] : memref<1048576xf32, #tpu.memory_space<hbm>> -> memref<256xf32, #tpu.memory_space<hbm>>
          tpu.wait_dma2 semaphore(%run_scoped3A : memref<!tpu.dma_semaphore, #tpu.memory_space<semaphore_mem>>) src(%dma_wait3A_101 : memref<256xf32, #tpu.memory_space<hbm>>) dst(%arg11 : memref<256xf32, #tpu.memory_space<vmem>>)
          tpu.yield
        }) : () -> ()
        %add3A_86 = arith.constant 2 : i32
        %add3A_87 = arith.addi %mul3A_23, %add3A_86 : i32
        %scan3A_88 = arith.constant 0 : i32
        %scan3A_89 = arith.constant 0 : i32
        %scan3A_90 = arith.constant 16 : i32
        %scan3A_91 = arith.addi %scan3A_89, %scan3A_90 : i32
        %scan3A_92 = arith.constant 1 : i32
        %scan3A_93 = scf.for %scan3A_98 = %scan3A_89 to %scan3A_91 step %scan3A_92 iter_args(%scan3A_99 = %scan3A_88) -> (i32)  : i32 {
          %mul3A_100 = arith.constant 16 : i32
          %mul3A_101 = arith.muli %scan3A_98, %mul3A_100 : i32
          %get3A = arith.index_cast %mul3A_101 : i32 to index
          %get3A_102 = tpu.vector_load %arg9[%get3A] {strides = array<i32>} : memref<256xf32, #tpu.memory_space<vmem>>, vector<16xf32>,
          %mul3A_103 = arith.constant 2.550000e+02 : f32
          %mul3A_104 = vector.broadcast %mul3A_103 : f32 to vector<16xf32>
          %mul3A_105 = arith.mulf %get3A_102, %mul3A_104 : vector<16xf32>
          %convert_element_type3A_106 = arith.fptosi %mul3A_105 : vector<16xf32> to vector<16xi32>
          %min3A = arith.constant 254 : i32
          %min3A_107 = vector.broadcast %min3A : i32 to vector<16xi32>
          %min3A_108 = arith.minsi %convert_element_type3A_106, %min3A_107 : vector<16xi32>
          %convert_element_type3A_109 = arith.sitofp %min3A_108 : vector<16xi32> to vector<16xf32>
          %sub3A = arith.subf %mul3A_105, %convert_element_type3A_109 : vector<16xf32>
          %swap3A = arith.constant 0 : i32
          %swap3A_110 = arith.index_cast %swap3A : i32 to index
          %swap3A_111 = arith.index_cast %mul3A_101 : i32 to index
          %swap3A_112 = tpu.vector_load %arg20[%swap3A_110, %swap3A_111] {strides = array<i32>} : memref<6x256xf32, #tpu.memory_space<vmem>>, vector<16xf32>,
          tpu.vector_store %arg20[%swap3A_110, %swap3A_111], %sub3A {strides = array<i32>} : memref<6x256xf32, #tpu.memory_space<vmem>>, vector<16xf32>,
          %get3A_113 = arith.index_cast %mul3A_101 : i32 to index
          %get3A_114 = tpu.vector_load %arg10[%get3A_113] {strides = array<i32>} : memref<256xf32, #tpu.memory_space<vmem>>, vector<16xf32>,
          %mul3A_115 = arith.constant 2.550000e+02 : f32
          %mul3A_116 = vector.broadcast %mul3A_115 : f32 to vector<16xf32>
          %mul3A_117 = arith.mulf %get3A_114, %mul3A_116 : vector<16xf32>
          %convert_element_type3A_118 = arith.fptosi %mul3A_117 : vector<16xf32> to vector<16xi32>
          %min3A_119 = arith.constant 254 : i32
          %min3A_120 = vector.broadcast %min3A_119 : i32 to vector<16xi32>
          %min3A_121 = arith.minsi %convert_element_type3A_118, %min3A_120 : vector<16xi32>
          %convert_element_type3A_122 = arith.sitofp %min3A_121 : vector<16xi32> to vector<16xf32>
          %sub3A_123 = arith.subf %mul3A_117, %convert_element_type3A_122 : vector<16xf32>
          %swap3A_124 = arith.constant 1 : i32
          %swap3A_125 = arith.index_cast %swap3A_124 : i32 to index
          %swap3A_126 = arith.index_cast %mul3A_101 : i32 to index
          %swap3A_127 = tpu.vector_load %arg20[%swap3A_125, %swap3A_126] {strides = array<i32>} : memref<6x256xf32, #tpu.memory_space<vmem>>, vector<16xf32>,
          tpu.vector_store %arg20[%swap3A_125, %swap3A_126], %sub3A_123 {strides = array<i32>} : memref<6x256xf32, #tpu.memory_space<vmem>>, vector<16xf32>,
          %get3A_128 = arith.index_cast %mul3A_101 : i32 to index
          %get3A_129 = tpu.vector_load %arg11[%get3A_128] {strides = array<i32>} : memref<256xf32, #tpu.memory_space<vmem>>, vector<16xf32>,
          %mul3A_130 = arith.constant 2.550000e+02 : f32
          %mul3A_131 = vector.broadcast %mul3A_130 : f32 to vector<16xf32>
          %mul3A_132 = arith.mulf %get3A_129, %mul3A_131 : vector<16xf32>
          %convert_element_type3A_133 = arith.fptosi %mul3A_132 : vector<16xf32> to vector<16xi32>
          %min3A_134 = arith.constant 254 : i32
          %min3A_135 = vector.broadcast %min3A_134 : i32 to vector<16xi32>
          %min3A_136 = arith.minsi %convert_element_type3A_133, %min3A_135 : vector<16xi32>
          %convert_element_type3A_137 = arith.sitofp %min3A_136 : vector<16xi32> to vector<16xf32>
          %sub3A_138 = arith.subf %mul3A_132, %convert_element_type3A_137 : vector<16xf32>
          %swap3A_139 = arith.constant 2 : i32
          %swap3A_140 = arith.index_cast %swap3A_139 : i32 to index
          %swap3A_141 = arith.index_cast %mul3A_101 : i32 to index
          %swap3A_142 = tpu.vector_load %arg20[%swap3A_140, %swap3A_141] {strides = array<i32>} : memref<6x256xf32, #tpu.memory_space<vmem>>, vector<16xf32>,
          tpu.vector_store %arg20[%swap3A_140, %swap3A_141], %sub3A_138 {strides = array<i32>} : memref<6x256xf32, #tpu.memory_space<vmem>>, vector<16xf32>,
          %mul3A_143 = arith.constant 3 : i32
          %mul3A_144 = vector.broadcast %mul3A_143 : i32 to vector<16xi32>
          %mul3A_145 = arith.muli %min3A_136, %mul3A_144 : vector<16xi32>
          %add3A_146 = arith.constant 1 : i32
          %add3A_147 = vector.broadcast %add3A_146 : i32 to vector<16xi32>
          %add3A_148 = arith.addi %min3A_121, %add3A_147 : vector<16xi32>
          %add3A_149 = arith.constant 1 : i32
          %add3A_150 = vector.broadcast %add3A_149 : i32 to vector<16xi32>
          %add3A_151 = arith.addi %min3A_108, %add3A_150 : vector<16xi32>
          %shift_right_arithmetic3A = arith.constant 3 : i32
          %shift_right_arithmetic3A_152 = vector.broadcast %shift_right_arithmetic3A : i32 to vector<16xi32>
          %shift_right_arithmetic3A_153 = arith.shrsi %min3A_121, %shift_right_arithmetic3A_152 : vector<16xi32>
          %shift_left3A = arith.constant 8 : i32
          %shift_left3A_154 = vector.broadcast %shift_left3A : i32 to vector<16xi32>
          %shift_left3A_155 = arith.shli %shift_right_arithmetic3A_153, %shift_left3A_154 : vector<16xi32>
          %and3A = arith.constant 7 : i32
          %and3A_156 = vector.broadcast %and3A : i32 to vector<16xi32>
          %and3A_157 = arith.andi %min3A_121, %and3A_156 : vector<16xi32>
          %shift_left3A_158 = arith.constant 4 : i32
          %shift_left3A_159 = vector.broadcast %shift_left3A_158 : i32 to vector<16xi32>
          %shift_left3A_160 = arith.shli %and3A_157, %shift_left3A_159 : vector<16xi32>
          %add3A_161 = arith.addi %shift_left3A_155, %shift_left3A_160 : vector<16xi32>
          %shift_right_arithmetic3A_162 = arith.constant 3 : i32
          %shift_right_arithmetic3A_163 = vector.broadcast %shift_right_arithmetic3A_162 : i32 to vector<16xi32>
          %shift_right_arithmetic3A_164 = arith.shrsi %add3A_148, %shift_right_arithmetic3A_163 : vector<16xi32>
          %shift_left3A_165 = arith.constant 8 : i32
          %shift_left3A_166 = vector.broadcast %shift_left3A_165 : i32 to vector<16xi32>
          %shift_left3A_167 = arith.shli %shift_right_arithmetic3A_164, %shift_left3A_166 : vector<16xi32>
          %and3A_168 = arith.constant 7 : i32
          %and3A_169 = vector.broadcast %and3A_168 : i32 to vector<16xi32>
          %and3A_170 = arith.andi %add3A_148, %and3A_169 : vector<16xi32>
          %shift_left3A_171 = arith.constant 4 : i32
          %shift_left3A_172 = vector.broadcast %shift_left3A_171 : i32 to vector<16xi32>
          %shift_left3A_173 = arith.shli %and3A_170, %shift_left3A_172 : vector<16xi32>
          %add3A_174 = arith.addi %shift_left3A_167, %shift_left3A_173 : vector<16xi32>
          %shift_right_arithmetic3A_175 = arith.constant 7 : i32
          %shift_right_arithmetic3A_176 = vector.broadcast %shift_right_arithmetic3A_175 : i32 to vector<16xi32>
          %shift_right_arithmetic3A_177 = arith.shrsi %min3A_108, %shift_right_arithmetic3A_176 : vector<16xi32>
          %shift_left3A_178 = arith.constant 7 : i32
          %shift_left3A_179 = vector.broadcast %shift_left3A_178 : i32 to vector<16xi32>
          %shift_left3A_180 = arith.shli %shift_right_arithmetic3A_177, %shift_left3A_179 : vector<16xi32>
          %shift_right_arithmetic3A_181 = arith.constant 3 : i32
          %shift_right_arithmetic3A_182 = vector.broadcast %shift_right_arithmetic3A_181 : i32 to vector<16xi32>
          %shift_right_arithmetic3A_183 = arith.shrsi %min3A_108, %shift_right_arithmetic3A_182 : vector<16xi32>
          %and3A_184 = arith.constant 15 : i32
          %and3A_185 = vector.broadcast %and3A_184 : i32 to vector<16xi32>
          %and3A_186 = arith.andi %shift_right_arithmetic3A_183, %and3A_185 : vector<16xi32>
          %add3A_187 = arith.addi %shift_left3A_180, %and3A_186 : vector<16xi32>
          %shift_right_arithmetic3A_188 = arith.constant 7 : i32
          %shift_right_arithmetic3A_189 = vector.broadcast %shift_right_arithmetic3A_188 : i32 to vector<16xi32>
          %shift_right_arithmetic3A_190 = arith.shrsi %add3A_151, %shift_right_arithmetic3A_189 : vector<16xi32>
          %shift_left3A_191 = arith.constant 7 : i32
          %shift_left3A_192 = vector.broadcast %shift_left3A_191 : i32 to vector<16xi32>
          %shift_left3A_193 = arith.shli %shift_right_arithmetic3A_190, %shift_left3A_192 : vector<16xi32>
          %shift_right_arithmetic3A_194 = arith.constant 3 : i32
          %shift_right_arithmetic3A_195 = vector.broadcast %shift_right_arithmetic3A_194 : i32 to vector<16xi32>
          %shift_right_arithmetic3A_196 = arith.shrsi %add3A_151, %shift_right_arithmetic3A_195 : vector<16xi32>
          %and3A_197 = arith.constant 15 : i32
          %and3A_198 = vector.broadcast %and3A_197 : i32 to vector<16xi32>
          %and3A_199 = arith.andi %shift_right_arithmetic3A_196, %and3A_198 : vector<16xi32>
          %add3A_200 = arith.addi %shift_left3A_193, %and3A_199 : vector<16xi32>
          %and3A_201 = arith.constant 7 : i32
          %and3A_202 = vector.broadcast %and3A_201 : i32 to vector<16xi32>
          %and3A_203 = arith.andi %min3A_108, %and3A_202 : vector<16xi32>
          %swap3A_204 = arith.constant 0 : i32
          %swap3A_205 = arith.index_cast %swap3A_204 : i32 to index
          %swap3A_206 = arith.index_cast %mul3A_101 : i32 to index
          %swap3A_207 = tpu.vector_load %arg17[%swap3A_205, %swap3A_206] {strides = array<i32>} : memref<4x256xi32, #tpu.memory_space<vmem>>, vector<16xi32>,
          tpu.vector_store %arg17[%swap3A_205, %swap3A_206], %and3A_203 {strides = array<i32>} : memref<4x256xi32, #tpu.memory_space<vmem>>, vector<16xi32>,
          %and3A_208 = arith.constant 7 : i32
          %and3A_209 = vector.broadcast %and3A_208 : i32 to vector<16xi32>
          %and3A_210 = arith.andi %add3A_151, %and3A_209 : vector<16xi32>
          %swap3A_211 = arith.constant 1 : i32
          %swap3A_212 = arith.index_cast %swap3A_211 : i32 to index
          %swap3A_213 = arith.index_cast %mul3A_101 : i32 to index
          %swap3A_214 = tpu.vector_load %arg17[%swap3A_212, %swap3A_213] {strides = array<i32>} : memref<4x256xi32, #tpu.memory_space<vmem>>, vector<16xi32>,
          tpu.vector_store %arg17[%swap3A_212, %swap3A_213], %and3A_210 {strides = array<i32>} : memref<4x256xi32, #tpu.memory_space<vmem>>, vector<16xi32>,
          %add3A_215 = arith.addi %add3A_161, %add3A_187 : vector<16xi32>
          %add3A_216 = arith.addi %add3A_161, %add3A_200 : vector<16xi32>
          %add3A_217 = arith.addi %add3A_174, %add3A_187 : vector<16xi32>
          %add3A_218 = arith.addi %add3A_174, %add3A_200 : vector<16xi32>
          %add3A_219 = arith.constant 0 : i32
          %add3A_220 = vector.broadcast %add3A_219 : i32 to vector<16xi32>
          %add3A_221 = arith.addi %mul3A_145, %add3A_220 : vector<16xi32>
          %shift_left3A_222 = arith.constant 13 : i32
          %shift_left3A_223 = vector.broadcast %shift_left3A_222 : i32 to vector<16xi32>
          %shift_left3A_224 = arith.shli %add3A_221, %shift_left3A_223 : vector<16xi32>
          %add3A_225 = arith.constant 0 : i32
          %add3A_226 = arith.addi %add3A_225, %mul3A_101 : i32
          %mul3A_227 = arith.constant 2 : i32
          %mul3A_228 = arith.muli %add3A_226, %mul3A_227 : i32
          %mul3A_229 = arith.constant 2 : i32
          %mul3A_230 = vector.broadcast %mul3A_229 : i32 to vector<16xi32>
          %mul3A_231 = arith.muli %iota3A, %mul3A_230 : vector<16xi32>
          %add3A_232 = vector.broadcast %mul3A_228 : i32 to vector<16xi32>
          %add3A_233 = arith.addi %add3A_232, %mul3A_231 : vector<16xi32>
          %add3A_234 = arith.addi %shift_left3A_224, %add3A_215 : vector<16xi32>
          tpu.vector_store_idx %arg15[%add3A_233], %add3A_234 : memref<6144xi32, #tpu.memory_space<vmem>>[vector<16xi32>], vector<16xi32>,
          %add3A_235 = arith.constant 1 : i32
          %add3A_236 = vector.broadcast %add3A_235 : i32 to vector<16xi32>
          %add3A_237 = arith.addi %add3A_233, %add3A_236 : vector<16xi32>
          %add3A_238 = arith.addi %shift_left3A_224, %add3A_216 : vector<16xi32>
          tpu.vector_store_idx %arg15[%add3A_237], %add3A_238 : memref<6144xi32, #tpu.memory_space<vmem>>[vector<16xi32>], vector<16xi32>,
          %add3A_239 = arith.constant 256 : i32
          %add3A_240 = arith.addi %add3A_239, %mul3A_101 : i32
          %mul3A_241 = arith.constant 2 : i32
          %mul3A_242 = arith.muli %add3A_240, %mul3A_241 : i32
          %mul3A_243 = arith.constant 2 : i32
          %mul3A_244 = vector.broadcast %mul3A_243 : i32 to vector<16xi32>
          %mul3A_245 = arith.muli %iota3A, %mul3A_244 : vector<16xi32>
          %add3A_246 = vector.broadcast %mul3A_242 : i32 to vector<16xi32>
          %add3A_247 = arith.addi %add3A_246, %mul3A_245 : vector<16xi32>
          %add3A_248 = arith.addi %shift_left3A_224, %add3A_217 : vector<16xi32>
          tpu.vector_store_idx %arg15[%add3A_247], %add3A_248 : memref<6144xi32, #tpu.memory_space<vmem>>[vector<16xi32>], vector<16xi32>,
          %add3A_249 = arith.constant 1 : i32
          %add3A_250 = vector.broadcast %add3A_249 : i32 to vector<16xi32>
          %add3A_251 = arith.addi %add3A_247, %add3A_250 : vector<16xi32>
          %add3A_252 = arith.addi %shift_left3A_224, %add3A_218 : vector<16xi32>
          tpu.vector_store_idx %arg15[%add3A_251], %add3A_252 : memref<6144xi32, #tpu.memory_space<vmem>>[vector<16xi32>], vector<16xi32>,
          %add3A_253 = arith.constant 1 : i32
          %add3A_254 = vector.broadcast %add3A_253 : i32 to vector<16xi32>
          %add3A_255 = arith.addi %mul3A_145, %add3A_254 : vector<16xi32>
          %shift_left3A_256 = arith.constant 13 : i32
          %shift_left3A_257 = vector.broadcast %shift_left3A_256 : i32 to vector<16xi32>
          %shift_left3A_258 = arith.shli %add3A_255, %shift_left3A_257 : vector<16xi32>
          %add3A_259 = arith.constant 512 : i32
          %add3A_260 = arith.addi %add3A_259, %mul3A_101 : i32
          %mul3A_261 = arith.constant 2 : i32
          %mul3A_262 = arith.muli %add3A_260, %mul3A_261 : i32
          %mul3A_263 = arith.constant 2 : i32
          %mul3A_264 = vector.broadcast %mul3A_263 : i32 to vector<16xi32>
          %mul3A_265 = arith.muli %iota3A, %mul3A_264 : vector<16xi32>
          %add3A_266 = vector.broadcast %mul3A_262 : i32 to vector<16xi32>
          %add3A_267 = arith.addi %add3A_266, %mul3A_265 : vector<16xi32>
          %add3A_268 = arith.addi %shift_left3A_258, %add3A_215 : vector<16xi32>
          tpu.vector_store_idx %arg15[%add3A_267], %add3A_268 : memref<6144xi32, #tpu.memory_space<vmem>>[vector<16xi32>], vector<16xi32>,
          %add3A_269 = arith.constant 1 : i32
          %add3A_270 = vector.broadcast %add3A_269 : i32 to vector<16xi32>
          %add3A_271 = arith.addi %add3A_267, %add3A_270 : vector<16xi32>
          %add3A_272 = arith.addi %shift_left3A_258, %add3A_216 : vector<16xi32>
          tpu.vector_store_idx %arg15[%add3A_271], %add3A_272 : memref<6144xi32, #tpu.memory_space<vmem>>[vector<16xi32>], vector<16xi32>,
          %add3A_273 = arith.constant 768 : i32
          %add3A_274 = arith.addi %add3A_273, %mul3A_101 : i32
          %mul3A_275 = arith.constant 2 : i32
          %mul3A_276 = arith.muli %add3A_274, %mul3A_275 : i32
          %mul3A_277 = arith.constant 2 : i32
          %mul3A_278 = vector.broadcast %mul3A_277 : i32 to vector<16xi32>
          %mul3A_279 = arith.muli %iota3A, %mul3A_278 : vector<16xi32>
          %add3A_280 = vector.broadcast %mul3A_276 : i32 to vector<16xi32>
          %add3A_281 = arith.addi %add3A_280, %mul3A_279 : vector<16xi32>
          %add3A_282 = arith.addi %shift_left3A_258, %add3A_217 : vector<16xi32>
          tpu.vector_store_idx %arg15[%add3A_281], %add3A_282 : memref<6144xi32, #tpu.memory_space<vmem>>[vector<16xi32>], vector<16xi32>,
          %add3A_283 = arith.constant 1 : i32
          %add3A_284 = vector.broadcast %add3A_283 : i32 to vector<16xi32>
          %add3A_285 = arith.addi %add3A_281, %add3A_284 : vector<16xi32>
          %add3A_286 = arith.addi %shift_left3A_258, %add3A_218 : vector<16xi32>
          tpu.vector_store_idx %arg15[%add3A_285], %add3A_286 : memref<6144xi32, #tpu.memory_space<vmem>>[vector<16xi32>], vector<16xi32>,
          %add3A_287 = arith.constant 2 : i32
          %add3A_288 = vector.broadcast %add3A_287 : i32 to vector<16xi32>
          %add3A_289 = arith.addi %mul3A_145, %add3A_288 : vector<16xi32>
          %shift_left3A_290 = arith.constant 13 : i32
          %shift_left3A_291 = vector.broadcast %shift_left3A_290 : i32 to vector<16xi32>
          %shift_left3A_292 = arith.shli %add3A_289, %shift_left3A_291 : vector<16xi32>
          %add3A_293 = arith.constant 1024 : i32
          %add3A_294 = arith.addi %add3A_293, %mul3A_101 : i32
          %mul3A_295 = arith.constant 2 : i32
          %mul3A_296 = arith.muli %add3A_294, %mul3A_295 : i32
          %mul3A_297 = arith.constant 2 : i32
          %mul3A_298 = vector.broadcast %mul3A_297 : i32 to vector<16xi32>
          %mul3A_299 = arith.muli %iota3A, %mul3A_298 : vector<16xi32>
          %add3A_300 = vector.broadcast %mul3A_296 : i32 to vector<16xi32>
          %add3A_301 = arith.addi %add3A_300, %mul3A_299 : vector<16xi32>
          %add3A_302 = arith.addi %shift_left3A_292, %add3A_215 : vector<16xi32>
          tpu.vector_store_idx %arg15[%add3A_301], %add3A_302 : memref<6144xi32, #tpu.memory_space<vmem>>[vector<16xi32>], vector<16xi32>,
          %add3A_303 = arith.constant 1 : i32
          %add3A_304 = vector.broadcast %add3A_303 : i32 to vector<16xi32>
          %add3A_305 = arith.addi %add3A_301, %add3A_304 : vector<16xi32>
          %add3A_306 = arith.addi %shift_left3A_292, %add3A_216 : vector<16xi32>
          tpu.vector_store_idx %arg15[%add3A_305], %add3A_306 : memref<6144xi32, #tpu.memory_space<vmem>>[vector<16xi32>], vector<16xi32>,
          %add3A_307 = arith.constant 1280 : i32
          %add3A_308 = arith.addi %add3A_307, %mul3A_101 : i32
          %mul3A_309 = arith.constant 2 : i32
          %mul3A_310 = arith.muli %add3A_308, %mul3A_309 : i32
          %mul3A_311 = arith.constant 2 : i32
          %mul3A_312 = vector.broadcast %mul3A_311 : i32 to vector<16xi32>
          %mul3A_313 = arith.muli %iota3A, %mul3A_312 : vector<16xi32>
          %add3A_314 = vector.broadcast %mul3A_310 : i32 to vector<16xi32>
          %add3A_315 = arith.addi %add3A_314, %mul3A_313 : vector<16xi32>
          %add3A_316 = arith.addi %shift_left3A_292, %add3A_217 : vector<16xi32>
          tpu.vector_store_idx %arg15[%add3A_315], %add3A_316 : memref<6144xi32, #tpu.memory_space<vmem>>[vector<16xi32>], vector<16xi32>,
          %add3A_317 = arith.constant 1 : i32
          %add3A_318 = vector.broadcast %add3A_317 : i32 to vector<16xi32>
          %add3A_319 = arith.addi %add3A_315, %add3A_318 : vector<16xi32>
          %add3A_320 = arith.addi %shift_left3A_292, %add3A_218 : vector<16xi32>
          tpu.vector_store_idx %arg15[%add3A_319], %add3A_320 : memref<6144xi32, #tpu.memory_space<vmem>>[vector<16xi32>], vector<16xi32>,
          %add3A_321 = arith.constant 3 : i32
          %add3A_322 = vector.broadcast %add3A_321 : i32 to vector<16xi32>
          %add3A_323 = arith.addi %mul3A_145, %add3A_322 : vector<16xi32>
          %shift_left3A_324 = arith.constant 13 : i32
          %shift_left3A_325 = vector.broadcast %shift_left3A_324 : i32 to vector<16xi32>
          %shift_left3A_326 = arith.shli %add3A_323, %shift_left3A_325 : vector<16xi32>
          %add3A_327 = arith.constant 1536 : i32
          %add3A_328 = arith.addi %add3A_327, %mul3A_101 : i32
          %mul3A_329 = arith.constant 2 : i32
          %mul3A_330 = arith.muli %add3A_328, %mul3A_329 : i32
          %mul3A_331 = arith.constant 2 : i32
          %mul3A_332 = vector.broadcast %mul3A_331 : i32 to vector<16xi32>
          %mul3A_333 = arith.muli %iota3A, %mul3A_332 : vector<16xi32>
          %add3A_334 = vector.broadcast %mul3A_330 : i32 to vector<16xi32>
          %add3A_335 = arith.addi %add3A_334, %mul3A_333 : vector<16xi32>
          %add3A_336 = arith.addi %shift_left3A_326, %add3A_215 : vector<16xi32>
          tpu.vector_store_idx %arg15[%add3A_335], %add3A_336 : memref<6144xi32, #tpu.memory_space<vmem>>[vector<16xi32>], vector<16xi32>,
          %add3A_337 = arith.constant 1 : i32
          %add3A_338 = vector.broadcast %add3A_337 : i32 to vector<16xi32>
          %add3A_339 = arith.addi %add3A_335, %add3A_338 : vector<16xi32>
          %add3A_340 = arith.addi %shift_left3A_326, %add3A_216 : vector<16xi32>
          tpu.vector_store_idx %arg15[%add3A_339], %add3A_340 : memref<6144xi32, #tpu.memory_space<vmem>>[vector<16xi32>], vector<16xi32>,
          %add3A_341 = arith.constant 1792 : i32
          %add3A_342 = arith.addi %add3A_341, %mul3A_101 : i32
          %mul3A_343 = arith.constant 2 : i32
          %mul3A_344 = arith.muli %add3A_342, %mul3A_343 : i32
          %mul3A_345 = arith.constant 2 : i32
          %mul3A_346 = vector.broadcast %mul3A_345 : i32 to vector<16xi32>
          %mul3A_347 = arith.muli %iota3A, %mul3A_346 : vector<16xi32>
          %add3A_348 = vector.broadcast %mul3A_344 : i32 to vector<16xi32>
          %add3A_349 = arith.addi %add3A_348, %mul3A_347 : vector<16xi32>
          %add3A_350 = arith.addi %shift_left3A_326, %add3A_217 : vector<16xi32>
          tpu.vector_store_idx %arg15[%add3A_349], %add3A_350 : memref<6144xi32, #tpu.memory_space<vmem>>[vector<16xi32>], vector<16xi32>,
          %add3A_351 = arith.constant 1 : i32
          %add3A_352 = vector.broadcast %add3A_351 : i32 to vector<16xi32>
          %add3A_353 = arith.addi %add3A_349, %add3A_352 : vector<16xi32>
          %add3A_354 = arith.addi %shift_left3A_326, %add3A_218 : vector<16xi32>
          tpu.vector_store_idx %arg15[%add3A_353], %add3A_354 : memref<6144xi32, #tpu.memory_space<vmem>>[vector<16xi32>], vector<16xi32>,
          %add3A_355 = arith.constant 4 : i32
          %add3A_356 = vector.broadcast %add3A_355 : i32 to vector<16xi32>
          %add3A_357 = arith.addi %mul3A_145, %add3A_356 : vector<16xi32>
          %shift_left3A_358 = arith.constant 13 : i32
          %shift_left3A_359 = vector.broadcast %shift_left3A_358 : i32 to vector<16xi32>
          %shift_left3A_360 = arith.shli %add3A_357, %shift_left3A_359 : vector<16xi32>
          %add3A_361 = arith.constant 2048 : i32
          %add3A_362 = arith.addi %add3A_361, %mul3A_101 : i32
          %mul3A_363 = arith.constant 2 : i32
          %mul3A_364 = arith.muli %add3A_362, %mul3A_363 : i32
          %mul3A_365 = arith.constant 2 : i32
          %mul3A_366 = vector.broadcast %mul3A_365 : i32 to vector<16xi32>
          %mul3A_367 = arith.muli %iota3A, %mul3A_366 : vector<16xi32>
          %add3A_368 = vector.broadcast %mul3A_364 : i32 to vector<16xi32>
          %add3A_369 = arith.addi %add3A_368, %mul3A_367 : vector<16xi32>
          %add3A_370 = arith.addi %shift_left3A_360, %add3A_215 : vector<16xi32>
          tpu.vector_store_idx %arg15[%add3A_369], %add3A_370 : memref<6144xi32, #tpu.memory_space<vmem>>[vector<16xi32>], vector<16xi32>,
          %add3A_371 = arith.constant 1 : i32
          %add3A_372 = vector.broadcast %add3A_371 : i32 to vector<16xi32>
          %add3A_373 = arith.addi %add3A_369, %add3A_372 : vector<16xi32>
          %add3A_374 = arith.addi %shift_left3A_360, %add3A_216 : vector<16xi32>
          tpu.vector_store_idx %arg15[%add3A_373], %add3A_374 : memref<6144xi32, #tpu.memory_space<vmem>>[vector<16xi32>], vector<16xi32>,
          %add3A_375 = arith.constant 2304 : i32
          %add3A_376 = arith.addi %add3A_375, %mul3A_101 : i32
          %mul3A_377 = arith.constant 2 : i32
          %mul3A_378 = arith.muli %add3A_376, %mul3A_377 : i32
          %mul3A_379 = arith.constant 2 : i32
          %mul3A_380 = vector.broadcast %mul3A_379 : i32 to vector<16xi32>
          %mul3A_381 = arith.muli %iota3A, %mul3A_380 : vector<16xi32>
          %add3A_382 = vector.broadcast %mul3A_378 : i32 to vector<16xi32>
          %add3A_383 = arith.addi %add3A_382, %mul3A_381 : vector<16xi32>
          %add3A_384 = arith.addi %shift_left3A_360, %add3A_217 : vector<16xi32>
          tpu.vector_store_idx %arg15[%add3A_383], %add3A_384 : memref<6144xi32, #tpu.memory_space<vmem>>[vector<16xi32>], vector<16xi32>,
          %add3A_385 = arith.constant 1 : i32
          %add3A_386 = vector.broadcast %add3A_385 : i32 to vector<16xi32>
          %add3A_387 = arith.addi %add3A_383, %add3A_386 : vector<16xi32>
          %add3A_388 = arith.addi %shift_left3A_360, %add3A_218 : vector<16xi32>
          tpu.vector_store_idx %arg15[%add3A_387], %add3A_388 : memref<6144xi32, #tpu.memory_space<vmem>>[vector<16xi32>], vector<16xi32>,
          %add3A_389 = arith.constant 5 : i32
          %add3A_390 = vector.broadcast %add3A_389 : i32 to vector<16xi32>
          %add3A_391 = arith.addi %mul3A_145, %add3A_390 : vector<16xi32>
          %shift_left3A_392 = arith.constant 13 : i32
          %shift_left3A_393 = vector.broadcast %shift_left3A_392 : i32 to vector<16xi32>
          %shift_left3A_394 = arith.shli %add3A_391, %shift_left3A_393 : vector<16xi32>
          %add3A_395 = arith.constant 2560 : i32
          %add3A_396 = arith.addi %add3A_395, %mul3A_101 : i32
          %mul3A_397 = arith.constant 2 : i32
          %mul3A_398 = arith.muli %add3A_396, %mul3A_397 : i32
          %mul3A_399 = arith.constant 2 : i32
          %mul3A_400 = vector.broadcast %mul3A_399 : i32 to vector<16xi32>
          %mul3A_401 = arith.muli %iota3A, %mul3A_400 : vector<16xi32>
          %add3A_402 = vector.broadcast %mul3A_398 : i32 to vector<16xi32>
          %add3A_403 = arith.addi %add3A_402, %mul3A_401 : vector<16xi32>
          %add3A_404 = arith.addi %shift_left3A_394, %add3A_215 : vector<16xi32>
          tpu.vector_store_idx %arg15[%add3A_403], %add3A_404 : memref<6144xi32, #tpu.memory_space<vmem>>[vector<16xi32>], vector<16xi32>,
          %add3A_405 = arith.constant 1 : i32
          %add3A_406 = vector.broadcast %add3A_405 : i32 to vector<16xi32>
          %add3A_407 = arith.addi %add3A_403, %add3A_406 : vector<16xi32>
          %add3A_408 = arith.addi %shift_left3A_394, %add3A_216 : vector<16xi32>
          tpu.vector_store_idx %arg15[%add3A_407], %add3A_408 : memref<6144xi32, #tpu.memory_space<vmem>>[vector<16xi32>], vector<16xi32>,
          %add3A_409 = arith.constant 2816 : i32
          %add3A_410 = arith.addi %add3A_409, %mul3A_101 : i32
          %mul3A_411 = arith.constant 2 : i32
          %mul3A_412 = arith.muli %add3A_410, %mul3A_411 : i32
          %mul3A_413 = arith.constant 2 : i32
          %mul3A_414 = vector.broadcast %mul3A_413 : i32 to vector<16xi32>
          %mul3A_415 = arith.muli %iota3A, %mul3A_414 : vector<16xi32>
          %add3A_416 = vector.broadcast %mul3A_412 : i32 to vector<16xi32>
          %add3A_417 = arith.addi %add3A_416, %mul3A_415 : vector<16xi32>
          %add3A_418 = arith.addi %shift_left3A_394, %add3A_217 : vector<16xi32>
          tpu.vector_store_idx %arg15[%add3A_417], %add3A_418 : memref<6144xi32, #tpu.memory_space<vmem>>[vector<16xi32>], vector<16xi32>,
          %add3A_419 = arith.constant 1 : i32
          %add3A_420 = vector.broadcast %add3A_419 : i32 to vector<16xi32>
          %add3A_421 = arith.addi %add3A_417, %add3A_420 : vector<16xi32>
          %add3A_422 = arith.addi %shift_left3A_394, %add3A_218 : vector<16xi32>
          tpu.vector_store_idx %arg15[%add3A_421], %add3A_422 : memref<6144xi32, #tpu.memory_space<vmem>>[vector<16xi32>], vector<16xi32>,
          %scan3A_423 = arith.constant 0 : i32
          scf.yield %scan3A_423 : i32
        }
        %scan3A_94 = arith.constant 16 : i32
        %dma_start3A_95 = arith.constant 0 : i32
        %dma_start3A_96 = arith.constant 0 : i32
        %dma_start3A_97 = tpu.memref_slice %arg5[%dma_start3A_95, %dma_start3A_96] : memref<6291456x8xf32, #tpu.memory_space<hbm>> -> memref<6291456x8xf32, #tpu.memory_space<hbm>>
        tpu.enqueue_indirect_dma source(%dma_start3A_97 : memref<6291456x8xf32, #tpu.memory_space<hbm>>) target(%arg18 : memref<6144x8xf32, #tpu.memory_space<vmem>>) offsets(%arg15 : memref<6144xi32, #tpu.memory_space<vmem>>) semaphore(%arg24 : memref<!tpu.dma_semaphore, #tpu.memory_space<semaphore_mem>>)
      } else {
      }
      %dma_wait3A_61 = arith.constant 0 : i32
      %dma_wait3A_62 = arith.constant 0 : i32
      %dma_wait3A_63 = tpu.memref_slice %arg5[%dma_wait3A_61, %dma_wait3A_62] : memref<6291456x8xf32, #tpu.memory_space<hbm>> -> memref<6291456x8xf32, #tpu.memory_space<hbm>>
      tpu.wait_indirect_dma semaphore(%arg25 : memref<!tpu.dma_semaphore, #tpu.memory_space<semaphore_mem>>) src(%dma_wait3A_63 : memref<6291456x8xf32, #tpu.memory_space<hbm>>) dst(%arg19 : memref<6144x8xf32, #tpu.memory_space<vmem>>)
      %add3A_64 = arith.constant 1 : i32
      %add3A_65 = arith.addi %mul3A_23, %add3A_64 : i32
      %scan3A_66 = arith.constant 0 : i32
      %scan3A_67 = arith.constant 0 : i32
      %scan3A_68 = arith.constant 16 : i32
      %scan3A_69 = arith.addi %scan3A_67, %scan3A_68 : i32
      %scan3A_70 = arith.constant 1 : i32
      %scan3A_71 = scf.for %scan3A_79 = %scan3A_67 to %scan3A_69 step %scan3A_70 iter_args(%scan3A_80 = %scan3A_66) -> (i32)  : i32 {
        %mul3A_81 = arith.constant 16 : i32
        %mul3A_82 = arith.muli %scan3A_79, %mul3A_81 : i32
        %add3A_83 = vector.broadcast %mul3A_82 : i32 to vector<16xi32>
        %add3A_84 = arith.addi %add3A_83, %iota3A : vector<16xi32>
        %get3A = arith.constant 2 : i32
        %get3A_85 = arith.index_cast %get3A : i32 to index
        %get3A_86 = arith.index_cast %mul3A_82 : i32 to index
        %get3A_87 = tpu.vector_load %arg17[%get3A_85, %get3A_86] {strides = array<i32>} : memref<4x256xi32, #tpu.memory_space<vmem>>, vector<16xi32>,
        %get3A_88 = arith.constant 3 : i32
        %get3A_89 = arith.index_cast %get3A_88 : i32 to index
        %get3A_90 = arith.index_cast %mul3A_82 : i32 to index
        %get3A_91 = tpu.vector_load %arg17[%get3A_89, %get3A_90] {strides = array<i32>} : memref<4x256xi32, #tpu.memory_space<vmem>>, vector<16xi32>,
        %get3A_92 = arith.constant 3 : i32
        %get3A_93 = arith.index_cast %get3A_92 : i32 to index
        %get3A_94 = arith.index_cast %mul3A_82 : i32 to index
        %get3A_95 = tpu.vector_load %arg20[%get3A_93, %get3A_94] {strides = array<i32>} : memref<6x256xf32, #tpu.memory_space<vmem>>, vector<16xf32>,
        %get3A_96 = arith.constant 4 : i32
        %get3A_97 = arith.index_cast %get3A_96 : i32 to index
        %get3A_98 = arith.index_cast %mul3A_82 : i32 to index
        %get3A_99 = tpu.vector_load %arg20[%get3A_97, %get3A_98] {strides = array<i32>} : memref<6x256xf32, #tpu.memory_space<vmem>>, vector<16xf32>,
        %get3A_100 = arith.constant 5 : i32
        %get3A_101 = arith.index_cast %get3A_100 : i32 to index
        %get3A_102 = arith.index_cast %mul3A_82 : i32 to index
        %get3A_103 = tpu.vector_load %arg20[%get3A_101, %get3A_102] {strides = array<i32>} : memref<6x256xf32, #tpu.memory_space<vmem>>, vector<16xf32>,
        %sub3A = arith.constant 1.000000e+00 : f32
        %sub3A_104 = vector.broadcast %sub3A : f32 to vector<16xf32>
        %sub3A_105 = arith.subf %sub3A_104, %get3A_99 : vector<16xf32>
        %sub3A_106 = arith.constant 1.000000e+00 : f32
        %sub3A_107 = vector.broadcast %sub3A_106 : f32 to vector<16xf32>
        %sub3A_108 = arith.subf %sub3A_107, %get3A_103 : vector<16xf32>
        %mul3A_109 = arith.mulf %sub3A_108, %sub3A_105 : vector<16xf32>
        %add3A_110 = arith.constant 0 : i32
        %add3A_111 = arith.addi %add3A_110, %mul3A_82 : i32
        %mul3A_112 = arith.constant 2 : i32
        %mul3A_113 = arith.muli %add3A_111, %mul3A_112 : i32
        %mul3A_114 = arith.constant 2 : i32
        %mul3A_115 = vector.broadcast %mul3A_114 : i32 to vector<16xi32>
        %mul3A_116 = arith.muli %iota3A, %mul3A_115 : vector<16xi32>
        %add3A_117 = vector.broadcast %mul3A_113 : i32 to vector<16xi32>
        %add3A_118 = arith.addi %add3A_117, %mul3A_116 : vector<16xi32>
        %gather3A = tpu.vector_load_idx %arg19[%add3A_118, %get3A_87] : memref<6144x8xf32, #tpu.memory_space<vmem>>[vector<16xi32>, vector<16xi32>], vector<16xf32>,
        %add3A_119 = arith.constant 1 : i32
        %add3A_120 = vector.broadcast %add3A_119 : i32 to vector<16xi32>
        %add3A_121 = arith.addi %add3A_118, %add3A_120 : vector<16xi32>
        %gather3A_122 = tpu.vector_load_idx %arg19[%add3A_121, %get3A_91] : memref<6144x8xf32, #tpu.memory_space<vmem>>[vector<16xi32>, vector<16xi32>], vector<16xf32>,
        %sub3A_123 = arith.subf %gather3A_122, %gather3A : vector<16xf32>
        %mul3A_124 = arith.mulf %get3A_95, %sub3A_123 : vector<16xf32>
        %add3A_125 = arith.addf %gather3A, %mul3A_124 : vector<16xf32>
        %mul3A_126 = arith.mulf %mul3A_109, %add3A_125 : vector<16xf32>
        %add3A_127 = arith.constant 512 : i32
        %add3A_128 = arith.addi %add3A_127, %mul3A_82 : i32
        %mul3A_129 = arith.constant 2 : i32
        %mul3A_130 = arith.muli %add3A_128, %mul3A_129 : i32
        %mul3A_131 = arith.constant 2 : i32
        %mul3A_132 = vector.broadcast %mul3A_131 : i32 to vector<16xi32>
        %mul3A_133 = arith.muli %iota3A, %mul3A_132 : vector<16xi32>
        %add3A_134 = vector.broadcast %mul3A_130 : i32 to vector<16xi32>
        %add3A_135 = arith.addi %add3A_134, %mul3A_133 : vector<16xi32>
        %gather3A_136 = tpu.vector_load_idx %arg19[%add3A_135, %get3A_87] : memref<6144x8xf32, #tpu.memory_space<vmem>>[vector<16xi32>, vector<16xi32>], vector<16xf32>,
        %add3A_137 = arith.constant 1 : i32
        %add3A_138 = vector.broadcast %add3A_137 : i32 to vector<16xi32>
        %add3A_139 = arith.addi %add3A_135, %add3A_138 : vector<16xi32>
        %gather3A_140 = tpu.vector_load_idx %arg19[%add3A_139, %get3A_91] : memref<6144x8xf32, #tpu.memory_space<vmem>>[vector<16xi32>, vector<16xi32>], vector<16xf32>,
        %sub3A_141 = arith.subf %gather3A_140, %gather3A_136 : vector<16xf32>
        %mul3A_142 = arith.mulf %get3A_95, %sub3A_141 : vector<16xf32>
        %add3A_143 = arith.addf %gather3A_136, %mul3A_142 : vector<16xf32>
        %mul3A_144 = arith.mulf %mul3A_109, %add3A_143 : vector<16xf32>
        %add3A_145 = arith.constant 1024 : i32
        %add3A_146 = arith.addi %add3A_145, %mul3A_82 : i32
        %mul3A_147 = arith.constant 2 : i32
        %mul3A_148 = arith.muli %add3A_146, %mul3A_147 : i32
        %mul3A_149 = arith.constant 2 : i32
        %mul3A_150 = vector.broadcast %mul3A_149 : i32 to vector<16xi32>
        %mul3A_151 = arith.muli %iota3A, %mul3A_150 : vector<16xi32>
        %add3A_152 = vector.broadcast %mul3A_148 : i32 to vector<16xi32>
        %add3A_153 = arith.addi %add3A_152, %mul3A_151 : vector<16xi32>
        %gather3A_154 = tpu.vector_load_idx %arg19[%add3A_153, %get3A_87] : memref<6144x8xf32, #tpu.memory_space<vmem>>[vector<16xi32>, vector<16xi32>], vector<16xf32>,
        %add3A_155 = arith.constant 1 : i32
        %add3A_156 = vector.broadcast %add3A_155 : i32 to vector<16xi32>
        %add3A_157 = arith.addi %add3A_153, %add3A_156 : vector<16xi32>
        %gather3A_158 = tpu.vector_load_idx %arg19[%add3A_157, %get3A_91] : memref<6144x8xf32, #tpu.memory_space<vmem>>[vector<16xi32>, vector<16xi32>], vector<16xf32>,
        %sub3A_159 = arith.subf %gather3A_158, %gather3A_154 : vector<16xf32>
        %mul3A_160 = arith.mulf %get3A_95, %sub3A_159 : vector<16xf32>
        %add3A_161 = arith.addf %gather3A_154, %mul3A_160 : vector<16xf32>
        %mul3A_162 = arith.mulf %mul3A_109, %add3A_161 : vector<16xf32>
        %mul3A_163 = arith.mulf %sub3A_108, %get3A_99 : vector<16xf32>
        %add3A_164 = arith.constant 256 : i32
        %add3A_165 = arith.addi %add3A_164, %mul3A_82 : i32
        %mul3A_166 = arith.constant 2 : i32
        %mul3A_167 = arith.muli %add3A_165, %mul3A_166 : i32
        %mul3A_168 = arith.constant 2 : i32
        %mul3A_169 = vector.broadcast %mul3A_168 : i32 to vector<16xi32>
        %mul3A_170 = arith.muli %iota3A, %mul3A_169 : vector<16xi32>
        %add3A_171 = vector.broadcast %mul3A_167 : i32 to vector<16xi32>
        %add3A_172 = arith.addi %add3A_171, %mul3A_170 : vector<16xi32>
        %gather3A_173 = tpu.vector_load_idx %arg19[%add3A_172, %get3A_87] : memref<6144x8xf32, #tpu.memory_space<vmem>>[vector<16xi32>, vector<16xi32>], vector<16xf32>,
        %add3A_174 = arith.constant 1 : i32
        %add3A_175 = vector.broadcast %add3A_174 : i32 to vector<16xi32>
        %add3A_176 = arith.addi %add3A_172, %add3A_175 : vector<16xi32>
        %gather3A_177 = tpu.vector_load_idx %arg19[%add3A_176, %get3A_91] : memref<6144x8xf32, #tpu.memory_space<vmem>>[vector<16xi32>, vector<16xi32>], vector<16xf32>,
        %sub3A_178 = arith.subf %gather3A_177, %gather3A_173 : vector<16xf32>
        %mul3A_179 = arith.mulf %get3A_95, %sub3A_178 : vector<16xf32>
        %add3A_180 = arith.addf %gather3A_173, %mul3A_179 : vector<16xf32>
        %mul3A_181 = arith.mulf %mul3A_163, %add3A_180 : vector<16xf32>
        %add3A_182 = arith.addf %mul3A_126, %mul3A_181 : vector<16xf32>
        %add3A_183 = arith.constant 768 : i32
        %add3A_184 = arith.addi %add3A_183, %mul3A_82 : i32
        %mul3A_185 = arith.constant 2 : i32
        %mul3A_186 = arith.muli %add3A_184, %mul3A_185 : i32
        %mul3A_187 = arith.constant 2 : i32
        %mul3A_188 = vector.broadcast %mul3A_187 : i32 to vector<16xi32>
        %mul3A_189 = arith.muli %iota3A, %mul3A_188 : vector<16xi32>
        %add3A_190 = vector.broadcast %mul3A_186 : i32 to vector<16xi32>
        %add3A_191 = arith.addi %add3A_190, %mul3A_189 : vector<16xi32>
        %gather3A_192 = tpu.vector_load_idx %arg19[%add3A_191, %get3A_87] : memref<6144x8xf32, #tpu.memory_space<vmem>>[vector<16xi32>, vector<16xi32>], vector<16xf32>,
        %add3A_193 = arith.constant 1 : i32
        %add3A_194 = vector.broadcast %add3A_193 : i32 to vector<16xi32>
        %add3A_195 = arith.addi %add3A_191, %add3A_194 : vector<16xi32>
        %gather3A_196 = tpu.vector_load_idx %arg19[%add3A_195, %get3A_91] : memref<6144x8xf32, #tpu.memory_space<vmem>>[vector<16xi32>, vector<16xi32>], vector<16xf32>,
        %sub3A_197 = arith.subf %gather3A_196, %gather3A_192 : vector<16xf32>
        %mul3A_198 = arith.mulf %get3A_95, %sub3A_197 : vector<16xf32>
        %add3A_199 = arith.addf %gather3A_192, %mul3A_198 : vector<16xf32>
        %mul3A_200 = arith.mulf %mul3A_163, %add3A_199 : vector<16xf32>
        %add3A_201 = arith.addf %mul3A_144, %mul3A_200 : vector<16xf32>
        %add3A_202 = arith.constant 1280 : i32
        %add3A_203 = arith.addi %add3A_202, %mul3A_82 : i32
        %mul3A_204 = arith.constant 2 : i32
        %mul3A_205 = arith.muli %add3A_203, %mul3A_204 : i32
        %mul3A_206 = arith.constant 2 : i32
        %mul3A_207 = vector.broadcast %mul3A_206 : i32 to vector<16xi32>
        %mul3A_208 = arith.muli %iota3A, %mul3A_207 : vector<16xi32>
        %add3A_209 = vector.broadcast %mul3A_205 : i32 to vector<16xi32>
        %add3A_210 = arith.addi %add3A_209, %mul3A_208 : vector<16xi32>
        %gather3A_211 = tpu.vector_load_idx %arg19[%add3A_210, %get3A_87] : memref<6144x8xf32, #tpu.memory_space<vmem>>[vector<16xi32>, vector<16xi32>], vector<16xf32>,
        %add3A_212 = arith.constant 1 : i32
        %add3A_213 = vector.broadcast %add3A_212 : i32 to vector<16xi32>
        %add3A_214 = arith.addi %add3A_210, %add3A_213 : vector<16xi32>
        %gather3A_215 = tpu.vector_load_idx %arg19[%add3A_214, %get3A_91] : memref<6144x8xf32, #tpu.memory_space<vmem>>[vector<16xi32>, vector<16xi32>], vector<16xf32>,
        %sub3A_216 = arith.subf %gather3A_215, %gather3A_211 : vector<16xf32>
        %mul3A_217 = arith.mulf %get3A_95, %sub3A_216 : vector<16xf32>
        %add3A_218 = arith.addf %gather3A_211, %mul3A_217 : vector<16xf32>
        %mul3A_219 = arith.mulf %mul3A_163, %add3A_218 : vector<16xf32>
        %add3A_220 = arith.addf %mul3A_162, %mul3A_219 : vector<16xf32>
        %mul3A_221 = arith.mulf %get3A_103, %sub3A_105 : vector<16xf32>
        %add3A_222 = arith.constant 1536 : i32
        %add3A_223 = arith.addi %add3A_222, %mul3A_82 : i32
        %mul3A_224 = arith.constant 2 : i32
        %mul3A_225 = arith.muli %add3A_223, %mul3A_224 : i32
        %mul3A_226 = arith.constant 2 : i32
        %mul3A_227 = vector.broadcast %mul3A_226 : i32 to vector<16xi32>
        %mul3A_228 = arith.muli %iota3A, %mul3A_227 : vector<16xi32>
        %add3A_229 = vector.broadcast %mul3A_225 : i32 to vector<16xi32>
        %add3A_230 = arith.addi %add3A_229, %mul3A_228 : vector<16xi32>
        %gather3A_231 = tpu.vector_load_idx %arg19[%add3A_230, %get3A_87] : memref<6144x8xf32, #tpu.memory_space<vmem>>[vector<16xi32>, vector<16xi32>], vector<16xf32>,
        %add3A_232 = arith.constant 1 : i32
        %add3A_233 = vector.broadcast %add3A_232 : i32 to vector<16xi32>
        %add3A_234 = arith.addi %add3A_230, %add3A_233 : vector<16xi32>
        %gather3A_235 = tpu.vector_load_idx %arg19[%add3A_234, %get3A_91] : memref<6144x8xf32, #tpu.memory_space<vmem>>[vector<16xi32>, vector<16xi32>], vector<16xf32>,
        %sub3A_236 = arith.subf %gather3A_235, %gather3A_231 : vector<16xf32>
        %mul3A_237 = arith.mulf %get3A_95, %sub3A_236 : vector<16xf32>
        %add3A_238 = arith.addf %gather3A_231, %mul3A_237 : vector<16xf32>
        %mul3A_239 = arith.mulf %mul3A_221, %add3A_238 : vector<16xf32>
        %add3A_240 = arith.addf %add3A_182, %mul3A_239 : vector<16xf32>
        %add3A_241 = arith.constant 2048 : i32
        %add3A_242 = arith.addi %add3A_241, %mul3A_82 : i32
        %mul3A_243 = arith.constant 2 : i32
        %mul3A_244 = arith.muli %add3A_242, %mul3A_243 : i32
        %mul3A_245 = arith.constant 2 : i32
        %mul3A_246 = vector.broadcast %mul3A_245 : i32 to vector<16xi32>
        %mul3A_247 = arith.muli %iota3A, %mul3A_246 : vector<16xi32>
        %add3A_248 = vector.broadcast %mul3A_244 : i32 to vector<16xi32>
        %add3A_249 = arith.addi %add3A_248, %mul3A_247 : vector<16xi32>
        %gather3A_250 = tpu.vector_load_idx %arg19[%add3A_249, %get3A_87] : memref<6144x8xf32, #tpu.memory_space<vmem>>[vector<16xi32>, vector<16xi32>], vector<16xf32>,
        %add3A_251 = arith.constant 1 : i32
        %add3A_252 = vector.broadcast %add3A_251 : i32 to vector<16xi32>
        %add3A_253 = arith.addi %add3A_249, %add3A_252 : vector<16xi32>
        %gather3A_254 = tpu.vector_load_idx %arg19[%add3A_253, %get3A_91] : memref<6144x8xf32, #tpu.memory_space<vmem>>[vector<16xi32>, vector<16xi32>], vector<16xf32>,
        %sub3A_255 = arith.subf %gather3A_254, %gather3A_250 : vector<16xf32>
        %mul3A_256 = arith.mulf %get3A_95, %sub3A_255 : vector<16xf32>
        %add3A_257 = arith.addf %gather3A_250, %mul3A_256 : vector<16xf32>
        %mul3A_258 = arith.mulf %mul3A_221, %add3A_257 : vector<16xf32>
        %add3A_259 = arith.addf %add3A_201, %mul3A_258 : vector<16xf32>
        %add3A_260 = arith.constant 2560 : i32
        %add3A_261 = arith.addi %add3A_260, %mul3A_82 : i32
        %mul3A_262 = arith.constant 2 : i32
        %mul3A_263 = arith.muli %add3A_261, %mul3A_262 : i32
        %mul3A_264 = arith.constant 2 : i32
        %mul3A_265 = vector.broadcast %mul3A_264 : i32 to vector<16xi32>
        %mul3A_266 = arith.muli %iota3A, %mul3A_265 : vector<16xi32>
        %add3A_267 = vector.broadcast %mul3A_263 : i32 to vector<16xi32>
        %add3A_268 = arith.addi %add3A_267, %mul3A_266 : vector<16xi32>
        %gather3A_269 = tpu.vector_load_idx %arg19[%add3A_268, %get3A_87] : memref<6144x8xf32, #tpu.memory_space<vmem>>[vector<16xi32>, vector<16xi32>], vector<16xf32>,
        %add3A_270 = arith.constant 1 : i32
        %add3A_271 = vector.broadcast %add3A_270 : i32 to vector<16xi32>
        %add3A_272 = arith.addi %add3A_268, %add3A_271 : vector<16xi32>
        %gather3A_273 = tpu.vector_load_idx %arg19[%add3A_272, %get3A_91] : memref<6144x8xf32, #tpu.memory_space<vmem>>[vector<16xi32>, vector<16xi32>], vector<16xf32>,
        %sub3A_274 = arith.subf %gather3A_273, %gather3A_269 : vector<16xf32>
        %mul3A_275 = arith.mulf %get3A_95, %sub3A_274 : vector<16xf32>
        %add3A_276 = arith.addf %gather3A_269, %mul3A_275 : vector<16xf32>
        %mul3A_277 = arith.mulf %mul3A_221, %add3A_276 : vector<16xf32>
        %add3A_278 = arith.addf %add3A_220, %mul3A_277 : vector<16xf32>
        %mul3A_279 = arith.mulf %get3A_103, %get3A_99 : vector<16xf32>
        %add3A_280 = arith.constant 1792 : i32
        %add3A_281 = arith.addi %add3A_280, %mul3A_82 : i32
        %mul3A_282 = arith.constant 2 : i32
        %mul3A_283 = arith.muli %add3A_281, %mul3A_282 : i32
        %mul3A_284 = arith.constant 2 : i32
        %mul3A_285 = vector.broadcast %mul3A_284 : i32 to vector<16xi32>
        %mul3A_286 = arith.muli %iota3A, %mul3A_285 : vector<16xi32>
        %add3A_287 = vector.broadcast %mul3A_283 : i32 to vector<16xi32>
        %add3A_288 = arith.addi %add3A_287, %mul3A_286 : vector<16xi32>
        %gather3A_289 = tpu.vector_load_idx %arg19[%add3A_288, %get3A_87] : memref<6144x8xf32, #tpu.memory_space<vmem>>[vector<16xi32>, vector<16xi32>], vector<16xf32>,
        %add3A_290 = arith.constant 1 : i32
        %add3A_291 = vector.broadcast %add3A_290 : i32 to vector<16xi32>
        %add3A_292 = arith.addi %add3A_288, %add3A_291 : vector<16xi32>
        %gather3A_293 = tpu.vector_load_idx %arg19[%add3A_292, %get3A_91] : memref<6144x8xf32, #tpu.memory_space<vmem>>[vector<16xi32>, vector<16xi32>], vector<16xf32>,
        %sub3A_294 = arith.subf %gather3A_293, %gather3A_289 : vector<16xf32>
        %mul3A_295 = arith.mulf %get3A_95, %sub3A_294 : vector<16xf32>
        %add3A_296 = arith.addf %gather3A_289, %mul3A_295 : vector<16xf32>
        %mul3A_297 = arith.mulf %mul3A_279, %add3A_296 : vector<16xf32>
        %add3A_298 = arith.addf %add3A_240, %mul3A_297 : vector<16xf32>
        %add3A_299 = arith.constant 2304 : i32
        %add3A_300 = arith.addi %add3A_299, %mul3A_82 : i32
        %mul3A_301 = arith.constant 2 : i32
        %mul3A_302 = arith.muli %add3A_300, %mul3A_301 : i32
        %mul3A_303 = arith.constant 2 : i32
        %mul3A_304 = vector.broadcast %mul3A_303 : i32 to vector<16xi32>
        %mul3A_305 = arith.muli %iota3A, %mul3A_304 : vector<16xi32>
        %add3A_306 = vector.broadcast %mul3A_302 : i32 to vector<16xi32>
        %add3A_307 = arith.addi %add3A_306, %mul3A_305 : vector<16xi32>
        %gather3A_308 = tpu.vector_load_idx %arg19[%add3A_307, %get3A_87] : memref<6144x8xf32, #tpu.memory_space<vmem>>[vector<16xi32>, vector<16xi32>], vector<16xf32>,
        %add3A_309 = arith.constant 1 : i32
        %add3A_310 = vector.broadcast %add3A_309 : i32 to vector<16xi32>
        %add3A_311 = arith.addi %add3A_307, %add3A_310 : vector<16xi32>
        %gather3A_312 = tpu.vector_load_idx %arg19[%add3A_311, %get3A_91] : memref<6144x8xf32, #tpu.memory_space<vmem>>[vector<16xi32>, vector<16xi32>], vector<16xf32>,
        %sub3A_313 = arith.subf %gather3A_312, %gather3A_308 : vector<16xf32>
        %mul3A_314 = arith.mulf %get3A_95, %sub3A_313 : vector<16xf32>
        %add3A_315 = arith.addf %gather3A_308, %mul3A_314 : vector<16xf32>
        %mul3A_316 = arith.mulf %mul3A_279, %add3A_315 : vector<16xf32>
        %add3A_317 = arith.addf %add3A_259, %mul3A_316 : vector<16xf32>
        %add3A_318 = arith.constant 2816 : i32
        %add3A_319 = arith.addi %add3A_318, %mul3A_82 : i32
        %mul3A_320 = arith.constant 2 : i32
        %mul3A_321 = arith.muli %add3A_319, %mul3A_320 : i32
        %mul3A_322 = arith.constant 2 : i32
        %mul3A_323 = vector.broadcast %mul3A_322 : i32 to vector<16xi32>
        %mul3A_324 = arith.muli %iota3A, %mul3A_323 : vector<16xi32>
        %add3A_325 = vector.broadcast %mul3A_321 : i32 to vector<16xi32>
        %add3A_326 = arith.addi %add3A_325, %mul3A_324 : vector<16xi32>
        %gather3A_327 = tpu.vector_load_idx %arg19[%add3A_326, %get3A_87] : memref<6144x8xf32, #tpu.memory_space<vmem>>[vector<16xi32>, vector<16xi32>], vector<16xf32>,
        %add3A_328 = arith.constant 1 : i32
        %add3A_329 = vector.broadcast %add3A_328 : i32 to vector<16xi32>
        %add3A_330 = arith.addi %add3A_326, %add3A_329 : vector<16xi32>
        %gather3A_331 = tpu.vector_load_idx %arg19[%add3A_330, %get3A_91] : memref<6144x8xf32, #tpu.memory_space<vmem>>[vector<16xi32>, vector<16xi32>], vector<16xf32>,
        %sub3A_332 = arith.subf %gather3A_331, %gather3A_327 : vector<16xf32>
        %mul3A_333 = arith.mulf %get3A_95, %sub3A_332 : vector<16xf32>
        %add3A_334 = arith.addf %gather3A_327, %mul3A_333 : vector<16xf32>
        %mul3A_335 = arith.mulf %mul3A_279, %add3A_334 : vector<16xf32>
        %add3A_336 = arith.addf %add3A_278, %mul3A_335 : vector<16xf32>
        %swap3A = arith.index_cast %mul3A_82 : i32 to index
        %swap3A_337 = tpu.vector_load %arg21[%swap3A] {strides = array<i32>} : memref<256xf32, #tpu.memory_space<vmem>>, vector<16xf32>,
        tpu.vector_store %arg21[%swap3A], %add3A_298 {strides = array<i32>} : memref<256xf32, #tpu.memory_space<vmem>>, vector<16xf32>,
        %swap3A_338 = arith.index_cast %mul3A_82 : i32 to index
        %swap3A_339 = tpu.vector_load %arg22[%swap3A_338] {strides = array<i32>} : memref<256xf32, #tpu.memory_space<vmem>>, vector<16xf32>,
        tpu.vector_store %arg22[%swap3A_338], %add3A_317 {strides = array<i32>} : memref<256xf32, #tpu.memory_space<vmem>>, vector<16xf32>,
        %swap3A_340 = arith.index_cast %mul3A_82 : i32 to index
        %swap3A_341 = tpu.vector_load %arg23[%swap3A_340] {strides = array<i32>} : memref<256xf32, #tpu.memory_space<vmem>>, vector<16xf32>,
        tpu.vector_store %arg23[%swap3A_340], %add3A_336 {strides = array<i32>} : memref<256xf32, #tpu.memory_space<vmem>>, vector<16xf32>,
        %scan3A_342 = arith.constant 0 : i32
        scf.yield %scan3A_342 : i32
      }
      %scan3A_72 = arith.constant 16 : i32
      %mul3A_73 = arith.constant 32768 : i32
      %mul3A_74 = arith.muli %add3A, %mul3A_73 : i32
      %mul3A_75 = arith.constant 256 : i32
      %mul3A_76 = arith.muli %add3A_65, %mul3A_75 : i32
      %add3A_77 = arith.addi %mul3A_74, %mul3A_76 : i32
      "tpu.region"() ({
        %run_scoped3A = tpu.sem_alloc : memref<!tpu.dma_semaphore, #tpu.memory_space<semaphore_mem>>
        %dma_start3A_79 = tpu.memref_slice %arg6[%add3A_77] : memref<1048576xf32, #tpu.memory_space<hbm>> -> memref<256xf32, #tpu.memory_space<hbm>>
        %dma_start3A_80 = tpu.memref_slice %arg6[%add3A_77] : memref<1048576xf32, #tpu.memory_space<hbm>> -> memref<256xf32, #tpu.memory_space<hbm>>
        tpu.enqueue_dma source(%arg21 : memref<256xf32, #tpu.memory_space<vmem>>) target(%dma_start3A_80 : memref<256xf32, #tpu.memory_space<hbm>>) target_semaphore(%run_scoped3A : memref<!tpu.dma_semaphore, #tpu.memory_space<semaphore_mem>>)
        %dma_wait3A_81 = tpu.memref_slice %arg6[%add3A_77] : memref<1048576xf32, #tpu.memory_space<hbm>> -> memref<256xf32, #tpu.memory_space<hbm>>
        %dma_wait3A_82 = tpu.memref_slice %arg6[%add3A_77] : memref<1048576xf32, #tpu.memory_space<hbm>> -> memref<256xf32, #tpu.memory_space<hbm>>
        tpu.wait_dma2 semaphore(%run_scoped3A : memref<!tpu.dma_semaphore, #tpu.memory_space<semaphore_mem>>) src(%arg21 : memref<256xf32, #tpu.memory_space<vmem>>) dst(%dma_wait3A_82 : memref<256xf32, #tpu.memory_space<hbm>>)
        tpu.yield
      }) : () -> ()
      "tpu.region"() ({
        %run_scoped3A = tpu.sem_alloc : memref<!tpu.dma_semaphore, #tpu.memory_space<semaphore_mem>>
        %dma_start3A_79 = tpu.memref_slice %arg7[%add3A_77] : memref<1048576xf32, #tpu.memory_space<hbm>> -> memref<256xf32, #tpu.memory_space<hbm>>
        %dma_start3A_80 = tpu.memref_slice %arg7[%add3A_77] : memref<1048576xf32, #tpu.memory_space<hbm>> -> memref<256xf32, #tpu.memory_space<hbm>>
        tpu.enqueue_dma source(%arg22 : memref<256xf32, #tpu.memory_space<vmem>>) target(%dma_start3A_80 : memref<256xf32, #tpu.memory_space<hbm>>) target_semaphore(%run_scoped3A : memref<!tpu.dma_semaphore, #tpu.memory_space<semaphore_mem>>)
        %dma_wait3A_81 = tpu.memref_slice %arg7[%add3A_77] : memref<1048576xf32, #tpu.memory_space<hbm>> -> memref<256xf32, #tpu.memory_space<hbm>>
        %dma_wait3A_82 = tpu.memref_slice %arg7[%add3A_77] : memref<1048576xf32, #tpu.memory_space<hbm>> -> memref<256xf32, #tpu.memory_space<hbm>>
        tpu.wait_dma2 semaphore(%run_scoped3A : memref<!tpu.dma_semaphore, #tpu.memory_space<semaphore_mem>>) src(%arg22 : memref<256xf32, #tpu.memory_space<vmem>>) dst(%dma_wait3A_82 : memref<256xf32, #tpu.memory_space<hbm>>)
        tpu.yield
      }) : () -> ()
      "tpu.region"() ({
        %run_scoped3A = tpu.sem_alloc : memref<!tpu.dma_semaphore, #tpu.memory_space<semaphore_mem>>
        %dma_start3A_79 = tpu.memref_slice %arg8[%add3A_77] : memref<1048576xf32, #tpu.memory_space<hbm>> -> memref<256xf32, #tpu.memory_space<hbm>>
        %dma_start3A_80 = tpu.memref_slice %arg8[%add3A_77] : memref<1048576xf32, #tpu.memory_space<hbm>> -> memref<256xf32, #tpu.memory_space<hbm>>
        tpu.enqueue_dma source(%arg23 : memref<256xf32, #tpu.memory_space<vmem>>) target(%dma_start3A_80 : memref<256xf32, #tpu.memory_space<hbm>>) target_semaphore(%run_scoped3A : memref<!tpu.dma_semaphore, #tpu.memory_space<semaphore_mem>>)
        %dma_wait3A_81 = tpu.memref_slice %arg8[%add3A_77] : memref<1048576xf32, #tpu.memory_space<hbm>> -> memref<256xf32, #tpu.memory_space<hbm>>
        %dma_wait3A_82 = tpu.memref_slice %arg8[%add3A_77] : memref<1048576xf32, #tpu.memory_space<hbm>> -> memref<256xf32, #tpu.memory_space<hbm>>
        tpu.wait_dma2 semaphore(%run_scoped3A : memref<!tpu.dma_semaphore, #tpu.memory_space<semaphore_mem>>) src(%arg23 : memref<256xf32, #tpu.memory_space<vmem>>) dst(%dma_wait3A_82 : memref<256xf32, #tpu.memory_space<hbm>>)
        tpu.yield
      }) : () -> ()
      %scan3A_78 = arith.constant 0 : i32
      scf.yield %scan3A_78 : i32
    }
    %scan3A_19 = arith.constant 64 : i32
    return
  }
}

</mosaic_0001>

<sc_bundles>
// kernel: kernel.3.cloned.1.call-start
scs
__scs_entry_jumppad:
0x0: {  	(pc) =	sbr.rel $0x88, $3  }
0x1: {  	(tag) =	ssettag $0x0;
	lr =	simm.s32 $0x1  }
0x2: {  	[smem:$0x3F9F] =	sst lr;
	_ =	strace $0xD0000000  }
0x3: {  	_ = 	snop  }
0x4: {  	_ = 	snop  }
0x5: {  	_ = 	snop  }
0x6: {  	_ = 	snop  }
0x7: {  	_ = 	snop  }
__scs_overlays_trampoline_lowered:
0x8: {  	[smem:$0x3FAE] =	sst s0  }
0x9: {  	[smem:$0x3FAF] =	sst s1  }
0xa: {  	[smem:$0x3FB0] =	sst s2  }
0xb: {  	[smem:$0x3FB1] =	sst s3  }
0xc: {  	[smem:$0x3FB2] =	sst s4  }
0xd: {  	[smem:$0x3FB3] =	sst s5  }
0xe: {  	[smem:$0x3FB4] =	sst s6  }
0xf: {  	[smem:$0x3FB5] =	sst s7  }
0x10: {  	[smem:$0x3FB6] =	sst s8  }
0x11: {  	[smem:$0x3FB7] =	sst s9;
	s0 =	simm.s32 @!p0 $0x0  }
0x12: {  	s1 =	sld [smem:$0x3F9D];
	s0 =	simm.s32 @p0 $0x1  }
0x13: {  	[smem:$0x3FB8] =	sst s0;
	s0 =	simm.s32 @!p1 $0x0  }
0x14: {  	s2 =	sld [smem:$0x3F9C];
	s0 =	simm.s32 @p1 $0x1  }
0x15: {  	[smem:$0x3FB9] =	sst s0;
	s0 =	simm.s32 @!p2 $0x0  }
0x16: {  	s3 =	sld [smem:$0x3FDB];
	s0 =	simm.s32 @p2 $0x1  }
0x17: {  	s4 =	simm.s32 $0x1BF5;
	[smem:$0x3FBB] =	sst s0  }
0x18: {  	s0 =	sld [smem:$0x3F9E];
	_ =	swait.ge [sflag:s4], $0x0  }
0x19: {  	s7 =	sld [smem:$0x3F9F]  }
0x1a: {  	s8 =	sadd.s32 $0xFFFFE003, lr  }
0x1b: {  	s9 =	sadd.s32 $0xFFFFFEF7, lr;
	s5 =	simm.s32 $0xFFFFFFFF;
	p2 =	slt.u32 s8, $0xFFFFF086  }
0x1c: {  	p1 =	slt.u32 s9, $0xF7A;
	s5 =	simm.s32 @!p2 $0x0  }
0x1d: {  	s5 =	simm.s32 @p1 $0x1;
	p0 =	seq.s32 s7, s2  }
0x1e: {  	s7 =	smul.u32 @!p0 $0xF7A, s2;
	p2 =	seq.s32 @!p0 s5, $0x0  }
0x1f: {  	s9 =	smul.u32 $0xF7A, s1;
	s8 =	simm.s32 @!p0 $0x1BF5;
	p2 =	por !p2, p0  }
0x20: {  	[sflag:s8] =	ssyncset.s32 @!p0 $0xFFFFF086;
	s6 =	sadd.s32 @!p0 s3, s7;
	s7 =	simm.s32 @!p0 $0x108  }
0x21: {  	s3 =	sadd.s32 s3, s9;
	s6 =	sadd.s32 @!p0 $0x88, s6;
	s7 =	simm.s32 @p2 $0x1082  }
0x22: {  	[simem:s7], [sflag:s8] =	dma.local @!p0 [hbm:s6], $0xF7A  }
0x23: {  	s9 =	sor.u32 $0xD0000000, s2;
	s6 =	simm.s32 $0x108;
	_ =	swait.ge @!p0 [sflag:s8], $0x0  }
0x24: {  	s3 =	sadd.s32 $0x88, s3;
	s6 =	simm.s32 @!p1 $0x1082;
	[sflag:s4] =	ssyncset.s32 $0xFFFFF086  }
0x25: {  	[simem:s6], [sflag:s4] =	dma.local [hbm:s3], $0xF7A  }
0x26: {  	[smem:$0x3F9F] =	sst s1;
	(tag) =	ssettag s2;
	_ =	strace s9  }
0x27: {  	s1 =	sld [smem:$0x3FAF]  }
0x28: {  	s2 =	sld [smem:$0x3FB0]  }
0x29: {  	s4 =	sld [smem:$0x3FB2]  }
0x2a: {  	p0 =	seq.s32 s5, $0x0;
	s5 =	sld [smem:$0x3FB3]  }
0x2b: {  	s6 =	sld [smem:$0x3FB4]  }
0x2c: {  	s7 =	sld [smem:$0x3FB5]  }
0x2d: {  	s3 =	simm.s32 $0x108;
	s8 =	sld [smem:$0x3FB6]  }
0x2e: {  	s3 =	simm.s32 @!p0 $0x1082;
	s9 =	sld [smem:$0x3FB7]  }
0x2f: {  	lr =	sadd.s32 s0, s3;
	s0 =	sld [smem:$0x3FAE]  }
0x30: {  	s3 =	sld [smem:$0x3FB1]  }
0x31: {  	[smem:$0x3FBA] =	sst s10  }
0x32: {  	s10 =	sld [smem:$0x3FB8];
	_ =	sdelay $0x3  }
0x33: {  	p0 =	seq.s32 s10, $0x1;
	s10 =	sld [smem:$0x3FBA];
	_ =	sdelay $0x3  }
0x34: {  	[smem:$0x3FBA] =	sst s10  }
0x35: {  	s10 =	sld [smem:$0x3FB9];
	_ =	sdelay $0x3  }
0x36: {  	p1 =	seq.s32 s10, $0x1;
	s10 =	sld [smem:$0x3FBA];
	_ =	sdelay $0x3  }
0x37: {  	[smem:$0x3FBA] =	sst s10  }
0x38: {  	s10 =	sld [smem:$0x3FBB]  }
0x39: {  	_ = 	snop;
	(pc) =	sbr.ind lr, $3  }
0x3a: {  	_ = 	snop  }
0x3b: {  	_ = 	snop  }
0x3c: {  	p2 =	seq.s32 s10, $0x1;
	s10 =	sld [smem:$0x3FBA]  }
0x3d: {  	_ =	shalt  }
0x3e: {  	_ =	shalt  }
0x3f: {  	_ =	shalt  }
0x40: {  	_ =	shalt  }
0x41: {  	_ =	shalt  }
0x42: {  	_ =	shalt  }
0x43: {  	_ =	shalt  }
0x44: {  	_ =	shalt  }
0x45: {  	_ =	shalt  }
0x46: {  	_ =	shalt  }
0x47: {  	_ =	shalt  }
0x48: {  	_ =	shalt  }
0x49: {  	_ =	shalt  }
0x4a: {  	_ =	shalt  }
0x4b: {  	_ =	shalt  }
0x4c: {  	_ =	shalt  }
0x4d: {  	_ =	shalt  }
0x4e: {  	_ =	shalt  }
0x4f: {  	_ =	shalt  }
0x50: {  	_ =	shalt  }
0x51: {  	_ =	shalt  }
0x52: {  	_ =	shalt  }
0x53: {  	_ =	shalt  }
0x54: {  	_ =	shalt  }
0x55: {  	_ =	shalt  }
0x56: {  	_ =	shalt  }
0x57: {  	_ =	shalt  }
0x58: {  	_ =	shalt  }
0x59: {  	_ =	shalt  }
0x5a: {  	_ =	shalt  }
0x5b: {  	_ =	shalt  }
0x5c: {  	_ =	shalt  }
0x5d: {  	_ =	shalt  }
0x5e: {  	_ =	shalt  }
0x5f: {  	_ =	shalt  }
0x60: {  	_ =	shalt  }
0x61: {  	_ =	shalt  }
0x62: {  	_ =	shalt  }
0x63: {  	_ =	shalt  }
0x64: {  	_ =	shalt  }
0x65: {  	_ =	shalt  }
0x66: {  	_ =	shalt  }
0x67: {  	_ =	shalt  }
0x68: {  	_ =	shalt  }
0x69: {  	_ =	shalt  }
0x6a: {  	_ =	shalt  }
0x6b: {  	_ =	shalt  }
0x6c: {  	_ =	shalt  }
0x6d: {  	_ =	shalt  }
0x6e: {  	_ =	shalt  }
0x6f: {  	_ =	shalt  }
0x70: {  	_ =	shalt  }
0x71: {  	_ =	shalt  }
0x72: {  	_ =	shalt  }
0x73: {  	_ =	shalt  }
0x74: {  	_ =	shalt  }
0x75: {  	_ =	shalt  }
0x76: {  	_ =	shalt  }
0x77: {  	_ =	shalt  }
0x78: {  	_ =	shalt  }
0x79: {  	_ =	shalt  }
0x7a: {  	_ =	shalt  }
0x7b: {  	_ =	shalt  }
0x7c: {  	_ =	shalt  }
0x7d: {  	_ =	shalt  }
0x7e: {  	_ =	shalt  }
0x7f: {  	_ =	shalt  }
0x80: {  	_ =	shalt  }
0x81: {  	_ =	shalt  }
0x82: {  	_ =	shalt  }
0x83: {  	_ =	shalt  }
0x84: {  	_ =	shalt  }
0x85: {  	_ =	shalt  }
0x86: {  	_ =	shalt  }
0x87: {  	_ =	shalt  }
.Lfunc_end0:
.L_simem_size_0:
called_computation_lowered:
.L_overlay_start_0:
0x88: {  	s2 =	sld [smem:$0x3FD9]  }
0x89: {  	s3 =	sld [smem:$0x3FFE];
	_ =	sdelay $0x1  }
0x8a: {  	s1 =	srdreg.scid  }
0x8b: {  	s0 =	sand.u32 $0x1, s1  }
0x8c: {  	s17 =	sshll.u32 s0, $0xA;
	s2 =	sadd.s32 s3, s2  }
0x8d: {  	s2 =	sadd.s32 s2, s17  }
0x8e: {  	[smem:$0x3FC6] =	sst s2  }
0x8f: {  	_ = 	snop  }
0x90: {  	s2 =	sld [smem:$0x3FC8]  }
0x91: {  	s18 =	sld [smem:$0x3FD0];
	(tm) =	ssettm $0x1  }
0x92: {  	s4 =	sld [smem:$0x3FFB];
	_ =	sdelay $0x3  }
0x93: {  	_ =	strace s4  }
0x94: {  	s4 =	sld [smem:$0x3FFC];
	_ =	sdelay $0x3  }
0x95: {  	_ =	strace s4  }
0x96: {  	s4 =	sld [smem:$0x3FFD];
	_ =	sdelay $0x3  }
0x97: {  	_ =	strace s4  }
0x98: {  	_ =	strace $0x8FFFFFFF  }
0x99: {  	s19 =	sld [smem:$0x3FDB];
	_ =	sdelay $0x1  }
0x9a: {  	s5 =	simm.s32 $_scs_section_size  }
0x9b: {  	s6 =	simm.s32 $_size__tile_overlayer_lowered;
	s7 =	simm.s32 $_tile_overlayer_lowered  }
0x9c: {  	s22 =	simm.s32 $0x1BFF;
	s21 =	sshll.u32 s7, $0x1;
	s4 =	sadd.s32 s5, s19  }
0x9d: {  	s8 =	simm.s32 $0x0;
	s20 =	sshll.u32 s6, $0x1;
	s6 =	sadd.s32 s21, s4  }
0x9e: {  	[timem:s8], [sflag:s22] =	dma.local [hbm:s6], s20  }
0x9f: {  	_ =	swait.ge [sflag:s22], s20  }
0xa0: {  	s5 =	ssub.s32 $0x0, s20;
	[sflag:s22] =	ssyncset.done $0x0  }
0xa1: {  	[sflag:s22] =	ssyncadd.s32 s5;
	_ =	sdelay $0x1  }
0xa2: {  	s23 =	simm.s32 $0x1B8B  }
0xa3: {  	_ =	swait.ge [sflag:s23], $0x1  }
0xa4: {  	[sflag:s23] =	ssyncset.done $0x0  }
0xa5: {  	s25 =	simm.s32 $0x1B8E;
	s24 =	sld [smem:$0x3FFE];
	[sflag:s23] =	ssyncadd.s32 $0xFFFFFFFF  }
0xa6: {  	s26 =	simm.s32 $execute0_lowered;
	[smem:$0x3FD2] =	sst s25  }
0xa7: {  	s6 =	sshll.u32 s26, $0x1;
	_ =	strace $0x80000046;
	[dreg:$0x1] =	wrdreg $0xFFFFFFFF  }
0xa8: {  	s28 =	simm.s32 $_size_execute0_lowered;
	s4 =	sadd.s32 s4, s6;
	[dreg:$0x0] =	wrdreg $0x0  }
0xa9: {  	s6 =	sshll.u32 s28, $0x1;
	[dreg:$0x2] =	wrdreg s4  }
0xaa: {  	[dreg:$0x3] =	wrdreg s6  }
0xab: {  	[dreg:$0x4] =	wrdreg $0xC0  }
0xac: {  	_ =	task [dreg:s8], $0x5FFFF  }
0xad: {  	[dreg:$0x1] =	wrdreg $0xFFFFFFFF  }
0xae: {  	[dreg:$0x0] =	wrdreg $0x60  }
0xaf: {  	[dreg:$0x2] =	wrdreg s24  }
0xb0: {  	[dreg:$0x3] =	wrdreg s18  }
0xb1: {  	[dreg:$0x4] =	wrdreg s2  }
0xb2: {  	[dreg:$0x5] =	wrdreg $0x9  }
0xb3: {  	_ =	task.clear_ibuf [dreg:s8], $0x6FFFF;
	_ =	strace $0x90000046  }
0xb4: {  	s29 =	simm.s32 $0x9;
	_ =	strace $0x80000048  }
0xb5: {  	_ =	swait.ge [sflag:s29], $0x1  }
0xb6: {  	[sflag:s29] =	ssyncadd.s32 $0xFFFFFFFF  }
0xb7: {  	_ =	strace $0x90000048  }
0xb8: {  	_ =	sfence  }
0xb9: {  	s30 =	sld [smem:$0x0];
	_ =	sdelay $0x2  }
0xba: {  	s31 =	sshll.u32 s1, $0xD;
	s1 =	sshrl.u32 s1, $0x2  }
0xbb: {  	s3 =	sand.u32 $0x4000, s31;
	s1 =	sadd.s32 s1, s30  }
0xbc: {  	s0 =	sor.u32 s3, s0;
	s1 =	sshll.u32 s1, $0x11  }
0xbd: {  	s0 =	sor.u32 s1, s0  }
0xbe: {  	s0 =	sadd.s32 $0x8F2B, s0  }
0xbf: {  	[sflag:s0] =	ssyncadd.remote.s32 $0x1  }
0xc0: {  	_ =	sfence.sel $0xFFFF  }
0xc1: {  	[dreg:$0x0] =	wrdreg $0xFFFFFFFF;
	(pc) =	sbr.abs _section_cstart, $3  }
0xc2: {  	[dreg:$0x1] =	wrdreg $0xFFFFFFFF  }
0xc3: {  	_ =	task.clear_ibuf [dreg:s8], $0x2FFFF;
	_ =	strace $0x9FFFFFFF  }
0xc4: {  	(tm) =	ssettm $0x7FFFFFFF  }
0xc5: {  	_ =	shalt  }
tec
execute0_lowered:
.L_overlay_start_1:
0x0: {  	(tag) =	ssettag $0x1  }
0x1: {  	s0 =	rddreg [dreg:$0x0]  }
0x2: {  	s9 =	rddreg [dreg:$0x1];
	s3 =	simm.s32 $0x0  }
0x3: {  	s1 =	srdreg.scid;
	s2 =	stileid.u32;
	s16 =	simm.s32 $0x3  }
0x4: {  	s17 =	simm.s32 $0x600;
	s19 =	simm.s32 $0x3A00;
	s20 =	simm.s32 $0x1E00  }
0x5: {  	s21 =	simm.s32 $0xFA00;
	[smem:$0x7FF] =	sst s3;
	s5 =	sadd.s32 $0x20A00, s0  }
0x6: {  	s6 =	sadd.s32 $0xA00, s0;
	s1 =	sand.u32 $0x1, s1;
	s7 =	sadd.s32 $0x40A00, s0  }
0x7: {  	s2 =	sshll.u32 s2, $0x10;
	s8 =	sadd.s32 $0x60A00, s0;
	s4 =	sshll.u32 s1, $0xF  }
0x8: {  	s10 =	sadd.s32 $0x80A00, s0;
	_ =	strace $0x80000047;
	s4 =	sor.u32 s4, s2  }
0x9: {  	s2 =	sshrl.u32 s4, $0x3;
	[dreg:$0x4] =	wrdreg s4;
	s31 =	sor.u32 $0x200, s4  }
0xa: {  	v1 =	vlaneseq.u32;
	s1 =	ssub.s32 $0x2, s1;
	s28 =	sadd.s32 s5, s2;
	[dreg:$0x8] =	wrdreg s31  }
0xb: {  	v2 =	vand.u32 $0x3, v1;
	s26 =	sshrl.u32 s1, $0x1;
	s29 =	sadd.s32 s6, s2;
	[dreg:$0x5] =	wrdreg s28  }
0xc: {  	v0 =	vmul.u32 $0x2, v1;
	v1 =	vmul.u32 $0x10, v1;
	v2 =	vmul.u32 $0x2, v2;
	s0 =	ssub.s32 s1, s26;
	s30 =	sadd.s32 s9, s2;
	[dreg:$0x6] =	wrdreg s29  }
0xd: {  	s22 =	simm.s32 $0x1;
	s0 =	smax.u32 s0, $0x1;
	[dreg:$0x7] =	wrdreg s30  }
0xe: {  	v3 =	vor.u32 $0x1, v0;
	v4 =	vor.u32 $0x8, v1;
	v2 =	vor.u32 $0xFFFFFFF8, v2;
	s26 =	simm.s32 $0x2;
	s1 =	simm.s32 $0x0;
	[dreg:$0x9] =	wrdreg s0  }
.LBB2_1:
0xf: {  	[dreg:$0xa] =	wrdreg s1  }
0x10: {  	s0 =	rddreg [dreg:$0x5]  }
0x11: {  	[tilespmem:s3], [sflag:$0x3] =	stream.linear.gather [hbm4b:s0+s3], $0x100, $0x38;
	[tilespmem:$0x1C300] =	vst v63  }
0x12: {  	_ =	swait.ge [sflag:s16], $0x100  }
0x13: {  	[sflag:s16] =	ssyncset.done $0x0  }
0x14: {  	s2 =	simm.s32 $0x100;
	s15 =	rddreg [dreg:$0x6];
	[sflag:s16] =	ssyncadd.s32 $0xFFFFFF00  }
0x15: {  	[tilespmem:s2], [sflag:$0x3] =	stream.linear.gather [hbm4b:s15+s3], $0x100, $0x38;
	[tilespmem:$0x1C300] =	vst v63  }
0x16: {  	_ =	swait.ge [sflag:s16], $0x100  }
0x17: {  	[sflag:s16] =	ssyncset.done $0x0  }
0x18: {  	s0 =	simm.s32 $0x200;
	s18 =	rddreg [dreg:$0x7];
	[sflag:s16] =	ssyncadd.s32 $0xFFFFFF00  }
0x19: {  	[tilespmem:s0], [sflag:$0x3] =	stream.linear.gather [hbm4b:s18+s3], $0x100, $0x38;
	[tilespmem:$0x1C300] =	vst v63  }
0x1a: {  	_ =	swait.ge [sflag:s16], $0x100  }
0x1b: {  	[sflag:s16] =	ssyncset.done $0x0  }
0x1c: {  	[sflag:s16] =	ssyncadd.s32 $0xFFFFFF00  }
0x1d: {  	v5 =	vld [tilespmem:s3+$0x0];
	_ =	sdelay $0x4  }
0x1e: {  	v5 =	vmul.f32 $2.550000000e+02, v5;
	_ =	sdelay $0x1  }
0x1f: {  	v6 =	vtrunc.f32 v5  }
0x20: {  	v6 =	vcvt.f32.s32 v6;
	_ =	sdelay $0x1  }
0x21: {  	vm0 =	vlt.s32 v6, $0xFE  }
0x22: {  	v6 =	vnsel vm0, $0xFE, v6  }
0x23: {  	v7 =	vcvt.s32.f32 v6;
	_ =	sdelay $0x1  }
0x24: {  	v5 =	vsub.f32 v5, v7  }
0x25: {  	s23 =	simm.s32 $0x1BC00  }
0x26: {  	[tilespmem:s23+$0xFFFFFE00] =	vst v5  }
0x27: {  	v5 =	vld [tilespmem:s2+$0x0];
	_ =	sdelay $0x4  }
0x28: {  	v5 =	vmul.f32 $2.550000000e+02, v5;
	_ =	sdelay $0x1  }
0x29: {  	v7 =	vtrunc.f32 v5  }
0x2a: {  	v7 =	vcvt.f32.s32 v7;
	_ =	sdelay $0x1  }
0x2b: {  	vm14 =	vlt.s32 v7, $0xFE  }
0x2c: {  	v7 =	vnsel vm14, $0xFE, v7  }
0x2d: {  	v8 =	vcvt.s32.f32 v7;
	_ =	sdelay $0x1  }
0x2e: {  	v5 =	vsub.f32 v5, v8;
	_ =	sdelay $0x1  }
0x2f: {  	s4 =	simm.s32 $0x200;
	[tilespmem:s23+$0xFFFFFF00] =	vst v5  }
0x30: {  	s24 =	simm.s32 $0x0;
	s11 =	simm.s32 $0x600;
	v16 =	vor.u32 s4, v3;
	v8 =	vld [tilespmem:s0+$0x0]  }
0x31: {  	v17 =	vor.u32 s24, v3;
	v18 =	vor.u32 s11, v3;
	v10 =	vshrl.u32 v6, $0x3  }
0x32: {  	v12 =	vadd.s32 $0x1, v6;
	v14 =	vand.u32 $0xFFFFFF80, v6;
	v6 =	vand.u32 $0x7, v6  }
0x33: {  	v10 =	vand.u32 $0xF, v10;
	v13 =	vand.u32 $0xFFFFFF80, v12;
	v11 =	vshll.u32 v7, $0x4  }
0x34: {  	v10 =	vor.u32 v14, v10;
	v14 =	vor.u32 s4, v0;
	v11 =	vand.u32 $0x70, v11  }
0x35: {  	v5 =	vadd.s32 $0x1, v7;
	v7 =	vshll.u32 v7, $0x5;
	v8 =	vmul.f32 $2.550000000e+02, v8  }
0x36: {  	v9 =	vshll.u32 v5, $0x5;
	v5 =	vshll.u32 v5, $0x4;
	v7 =	vand.u32 $0xFFFFFF00, v7  }
0x37: {  	v5 =	vand.u32 $0x70, v5;
	v9 =	vand.u32 $0xFFFFFF00, v9;
	v15 =	vtrunc.f32 v8  }
0x38: {  	v5 =	vor.u32 v5, v9;
	v9 =	vshrl.u32 v12, $0x3;
	v15 =	vcvt.f32.s32 v15  }
0x39: {  	v7 =	vor.u32 v11, v7;
	v11 =	vor.u32 s24, v0;
	v9 =	vand.u32 $0xF, v9  }
0x3a: {  	v9 =	vor.u32 v13, v9;
	v13 =	vadd.s32 v10, v7;
	vm15 =	vlt.s32 v15, $0xFE  }
0x3b: {  	v20 =	vadd.s32 v9, v7;
	v7 =	vand.u32 v2, v14;
	v14 =	vnsel vm15, $0xFE, v15  }
0x3c: {  	s25 =	simm.s32 $0x400;
	v22 =	vadd.s32 v10, v5;
	v19 =	vadd.s32 v9, v5;
	v5 =	vcvt.s32.f32 v14  }
0x3d: {  	v11 =	vand.u32 v2, v11;
	v12 =	vand.u32 $0x7, v12;
	v9 =	vor.u32 s25, v0  }
0x3e: {  	v15 =	vor.u32 s11, v0;
	v14 =	vmul.u32 $0x6000, v14;
	v5 =	vsub.f32 v8, v5  }
0x3f: {  	s28 =	simm.s32 $0x800;
	v10 =	vor.u32 s25, v3;
	v9 =	vand.u32 v2, v9;
	v15 =	vand.u32 v2, v15  }
0x40: {  	s4 =	simm.s32 $0x3700;
	v8 =	vor.u32 s28, v0;
	v21 =	vadd.s32 $0x2000, v14;
	v23 =	vadd.s32 v14, v13;
	[tilespmem:s23+$0x0] =	vst v5  }
0x41: {  	v24 =	vand.u32 v2, v8;
	v8 =	vadd.s32 v14, v22;
	v25 =	vadd.s32 v13, v21;
	[tilespmem:s4+$0xFFFFFF00] =	vst v6  }
0x42: {  	v5 =	vadd.s32 v14, v20;
	v6 =	vadd.s32 v14, v19;
	[tilespmem:s4+$0x0] =	vst v12;
	v12 =	vadd.s32 v20, v21  }
0x43: {  	[tilespmem:v11+s17+$0x0] =	vst.idx.msk $0xffff, v23;
	v23 =	vadd.s32 v21, v22;
	v21 =	vadd.s32 v21, v19;
	v11 =	vadd.s32 $0x4000, v14  }
0x44: {  	v26 =	vadd.s32 $0x6000, v14;
	[tilespmem:v17+s17+$0x0] =	vst.idx.msk $0xffff, v5;
	v17 =	vadd.s32 v13, v11;
	v27 =	vadd.s32 v20, v11  }
0x45: {  	s29 =	simm.s32 $0xA00;
	v31 =	vadd.s32 $0xA000, v14;
	v29 =	vadd.s32 v11, v22;
	v30 =	vadd.s32 v11, v19;
	[tilespmem:v7+s17+$0x0] =	vst.idx.msk $0xffff, v8  }
0x46: {  	v5 =	vor.u32 s29, v0;
	v11 =	vadd.s32 v13, v26;
	v8 =	vadd.s32 v20, v26;
	[tilespmem:v16+s17+$0x0] =	vst.idx.msk $0xffff, v6  }
0x47: {  	s30 =	simm.s32 $0xC00;
	v28 =	vor.u32 s28, v3;
	v62 =	vand.u32 v2, v5;
	v5 =	vadd.s32 v13, v31;
	[tilespmem:v9+s17+$0x0] =	vst.idx.msk $0xffff, v25  }
0x48: {  	v7 =	vadd.s32 v31, v19;
	v6 =	vor.u32 s30, v0;
	v9 =	vadd.s32 v26, v22;
	[tilespmem:v10+s17+$0x0] =	vst.idx.msk $0xffff, v12  }
0x49: {  	s31 =	simm.s32 $0xE00;
	v63 =	vor.u32 s29, v3;
	v16 =	vand.u32 v2, v6;
	v6 =	vadd.s32 v20, v31;
	[tilespmem:v15+s17+$0x0] =	vst.idx.msk $0xffff, v23  }
0x4a: {  	v10 =	vadd.s32 v26, v19;
	v12 =	vor.u32 s31, v0;
	v23 =	vadd.s32 $0x8000, v14;
	[tilespmem:v18+s17+$0x0] =	vst.idx.msk $0xffff, v21  }
0x4b: {  	s12 =	simm.s32 $0x1000;
	v18 =	vor.u32 s30, v3;
	v15 =	vadd.s32 v13, v23;
	v13 =	vadd.s32 v23, v22;
	[tilespmem:v24+s17+$0x0] =	vst.idx.msk $0xffff, v17  }
0x4c: {  	v14 =	vor.u32 s12, v0;
	v20 =	vadd.s32 v20, v23;
	v17 =	vand.u32 v2, v12;
	[tilespmem:v28+s17+$0x0] =	vst.idx.msk $0xffff, v27  }
0x4d: {  	s1 =	simm.s32 $0x1600;
	s14 =	simm.s32 $0x1200;
	s13 =	simm.s32 $0x1BC10;
	v21 =	vor.u32 s31, v3;
	v12 =	vadd.s32 v23, v19;
	v19 =	vand.u32 v2, v14;
	[tilespmem:v62+s17+$0x0] =	vst.idx.msk $0xffff, v29  }
0x4e: {  	s2 =	simm.s32 $0x1620;
	s11 =	simm.s32 $0x10;
	v14 =	vadd.s32 v31, v22;
	v22 =	vor.u32 s12, v3;
	v23 =	vor.u32 s14, v0;
	s12 =	simm.s32 $0x110;
	[tilespmem:v63+s17+$0x0] =	vst.idx.msk $0xffff, v30  }
.LBB2_2:
0x4f: {  	[tilespmem:v16+s17+$0x0] =	vst.idx.msk $0xffff, v11;
	v11 =	vand.u32 v2, v23;
	s15 =	sadd.s32 $0xFFFFFE00, s1;
	s4 =	sadd.s32 $0x10, s4;
	s0 =	sadd.s32 $0x10, s0  }
0x50: {  	p0 =	sne.s32 s2, $0x17E0;
	[tilespmem:v18+s17+$0x0] =	vst.idx.msk $0xffff, v8;
	v8 =	vor.u32 s14, v3;
	v16 =	vor.u32 s15, v0;
	s14 =	smov.u32 s2;
	s2 =	sadd.s32 $0x20, s2  }
0x51: {  	[tilespmem:v17+s17+$0x0] =	vst.idx.msk $0xffff, v9;
	v9 =	vand.u32 v2, v16  }
0x52: {  	v16 =	vor.u32 s1, v0;
	[tilespmem:v21+s17+$0x0] =	vst.idx.msk $0xffff, v10;
	v10 =	vor.u32 s15, v3  }
0x53: {  	[tilespmem:v19+s17+$0x0] =	vst.idx.msk $0xffff, v15;
	v15 =	vand.u32 v2, v16  }
0x54: {  	v16 =	vor.u32 s1, v3;
	s1 =	smov.u32 s14;
	[tilespmem:v22+s17+$0x0] =	vst.idx.msk $0xffff, v20  }
0x55: {  	[tilespmem:v11+s17+$0x0] =	vst.idx.msk $0xffff, v13  }
0x56: {  	[tilespmem:v8+s17+$0x0] =	vst.idx.msk $0xffff, v12  }
0x57: {  	[tilespmem:v9+s17+$0x0] =	vst.idx.msk $0xffff, v5  }
0x58: {  	[tilespmem:v10+s17+$0x0] =	vst.idx.msk $0xffff, v6  }
0x59: {  	[tilespmem:v15+s17+$0x0] =	vst.idx.msk $0xffff, v14  }
0x5a: {  	[tilespmem:v16+s17+$0x0] =	vst.idx.msk $0xffff, v7  }
0x5b: {  	v5 =	vld [tilespmem:s11+$0x0];
	_ =	sdelay $0x4  }
0x5c: {  	v5 =	vmul.f32 $2.550000000e+02, v5;
	_ =	sdelay $0x1  }
0x5d: {  	v6 =	vtrunc.f32 v5  }
0x5e: {  	v6 =	vcvt.f32.s32 v6;
	_ =	sdelay $0x1  }
0x5f: {  	vm0 =	vlt.s32 v6, $0xFE  }
0x60: {  	v6 =	vnsel vm0, $0xFE, v6  }
0x61: {  	v7 =	vcvt.s32.f32 v6;
	_ =	sdelay $0x1  }
0x62: {  	v5 =	vsub.f32 v5, v7;
	_ =	sdelay $0x1  }
0x63: {  	[tilespmem:s13+$0xFFFFFE00] =	vst v5  }
0x64: {  	v5 =	vld [tilespmem:s12+$0x0];
	_ =	sdelay $0x4  }
0x65: {  	v5 =	vmul.f32 $2.550000000e+02, v5;
	_ =	sdelay $0x1  }
0x66: {  	v7 =	vtrunc.f32 v5  }
0x67: {  	v7 =	vcvt.f32.s32 v7;
	_ =	sdelay $0x1  }
0x68: {  	vm0 =	vlt.s32 v7, $0xFE  }
0x69: {  	v7 =	vnsel vm0, $0xFE, v7  }
0x6a: {  	v8 =	vcvt.s32.f32 v7;
	v9 =	vadd.s32 $0x1, v7  }
0x6b: {  	v11 =	vshrl.u32 v6, $0x3;
	v10 =	vshll.u32 v9, $0x5;
	v9 =	vshll.u32 v9, $0x4  }
0x6c: {  	v5 =	vsub.f32 v5, v8;
	v8 =	vshll.u32 v7, $0x4;
	v9 =	vand.u32 $0x70, v9  }
0x6d: {  	v12 =	vadd.s32 $0x1, v6;
	v11 =	vand.u32 $0xF, v11;
	v10 =	vand.u32 $0xFFFFFF00, v10  }
0x6e: {  	[tilespmem:s13+$0xFFFFFF00] =	vst v5;
	v5 =	vshll.u32 v7, $0x5;
	v7 =	vor.u32 v9, v10;
	v9 =	vshrl.u32 v12, $0x3  }
0x6f: {  	v13 =	vand.u32 $0xFFFFFF80, v12;
	v10 =	vld [tilespmem:s0+$0x0];
	v9 =	vand.u32 $0xF, v9  }
0x70: {  	s14 =	sadd.s32 $0xFFFFEA00, s1;
	v8 =	vand.u32 $0x70, v8;
	v5 =	vand.u32 $0xFFFFFF00, v5  }
0x71: {  	v5 =	vor.u32 v8, v5;
	v8 =	vor.u32 s14, v0  }
0x72: {  	s15 =	sadd.s32 $0xFFFFEC00, s1;
	v14 =	vand.u32 $0xFFFFFF80, v6;
	v6 =	vand.u32 $0x7, v6  }
0x73: {  	v15 =	vor.u32 s15, v3;
	v8 =	vand.u32 v2, v8  }
0x74: {  	v11 =	vor.u32 v14, v11;
	v14 =	vor.u32 s15, v0;
	v10 =	vmul.f32 $2.550000000e+02, v10  }
0x75: {  	s15 =	sadd.s32 $0xFFFFEE00, s1;
	v9 =	vor.u32 v13, v9;
	v13 =	vadd.s32 v11, v5  }
0x76: {  	v20 =	vadd.s32 v9, v5;
	v5 =	vand.u32 v2, v14;
	v16 =	vtrunc.f32 v10  }
0x77: {  	v12 =	vand.u32 $0x7, v12;
	v22 =	vadd.s32 v11, v7;
	v14 =	vcvt.f32.s32 v16  }
0x78: {  	v19 =	vadd.s32 v9, v7;
	v7 =	vor.u32 s15, v0  }
0x79: {  	v16 =	vor.u32 s15, v3;
	s15 =	sadd.s32 $0xFFFFF000, s1;
	vm0 =	vlt.s32 v14, $0xFE  }
0x7a: {  	v11 =	vor.u32 s15, v0;
	v9 =	vnsel vm0, $0xFE, v14  }
0x7b: {  	v14 =	vcvt.s32.f32 v9;
	v17 =	vmul.u32 $0x6000, v9;
	v9 =	vor.u32 s14, v3;
	s14 =	sadd.s32 $0xFFFFF200, s1  }
0x7c: {  	v7 =	vand.u32 v2, v7;
	v18 =	vor.u32 s15, v3;
	v21 =	vor.u32 s14, v0  }
0x7d: {  	v23 =	vand.u32 v2, v11;
	v10 =	vsub.f32 v10, v14;
	v14 =	vadd.s32 $0x2000, v17  }
0x7e: {  	s15 =	sadd.s32 $0xFFFFF400, s1;
	v11 =	vadd.s32 v17, v13;
	v21 =	vand.u32 v2, v21;
	v24 =	vadd.s32 $0x6000, v17  }
0x7f: {  	v26 =	vor.u32 s14, v3;
	v25 =	vadd.s32 v17, v22;
	[tilespmem:s13+$0x0] =	vst v10;
	v10 =	vadd.s32 v17, v20  }
0x80: {  	v28 =	vadd.s32 $0xA000, v17;
	v27 =	vadd.s32 v13, v14;
	[tilespmem:s4+$0xFFFFFF00] =	vst v6;
	v6 =	vadd.s32 v17, v19  }
0x81: {  	v29 =	vor.u32 s15, v0;
	v30 =	vor.u32 s15, v3;
	[tilespmem:s4+$0x0] =	vst v12;
	v12 =	vadd.s32 v20, v14  }
0x82: {  	v31 =	vadd.s32 v14, v22;
	v14 =	vadd.s32 v14, v19;
	[tilespmem:v8+s17+$0x0] =	vst.idx.msk $0xffff, v11;
	v8 =	vadd.s32 $0x4000, v17  }
0x83: {  	[tilespmem:v9+s17+$0x0] =	vst.idx.msk $0xffff, v10;
	v32 =	vadd.s32 v13, v8;
	v33 =	vadd.s32 v20, v8  }
0x84: {  	v34 =	vadd.s32 v8, v19;
	[tilespmem:v5+s17+$0x0] =	vst.idx.msk $0xffff, v25;
	v25 =	vadd.s32 v8, v22  }
0x85: {  	v11 =	vadd.s32 v13, v24;
	v8 =	vadd.s32 v20, v24;
	[tilespmem:v15+s17+$0x0] =	vst.idx.msk $0xffff, v6  }
0x86: {  	s14 =	sadd.s32 $0xFFFFF600, s1;
	v9 =	vadd.s32 v24, v22;
	[tilespmem:v7+s17+$0x0] =	vst.idx.msk $0xffff, v27;
	v27 =	vand.u32 v2, v29  }
0x87: {  	v10 =	vadd.s32 v24, v19;
	v5 =	vadd.s32 v13, v28;
	v6 =	vor.u32 s14, v0;
	[tilespmem:v16+s17+$0x0] =	vst.idx.msk $0xffff, v12  }
0x88: {  	s15 =	sadd.s32 $0xFFFFF800, s1;
	v16 =	vand.u32 v2, v6;
	v6 =	vadd.s32 v20, v28;
	[tilespmem:v23+s17+$0x0] =	vst.idx.msk $0xffff, v31  }
.Ltmp0:
0x89: {  	v7 =	vadd.s32 v28, v19;
	v12 =	vor.u32 s15, v0;
	v23 =	vadd.s32 $0x8000, v17;
	[tilespmem:v18+s17+$0x0] =	vst.idx.msk $0xffff, v14;
	(pc) =	sbr.rel @p0 .LBB2_2-.Ltmp0, $4  }
0x8a: {  	s18 =	sadd.s32 $0xFFFFFA00, s1;
	v17 =	vand.u32 v2, v12;
	v18 =	vor.u32 s14, v3;
	v15 =	vadd.s32 v13, v23;
	[tilespmem:v21+s17+$0x0] =	vst.idx.msk $0xffff, v32  }
0x8b: {  	v14 =	vor.u32 s18, v0;
	v13 =	vadd.s32 v23, v22;
	v12 =	vadd.s32 v23, v19;
	[tilespmem:v26+s17+$0x0] =	vst.idx.msk $0xffff, v33  }
0x8c: {  	s14 =	sadd.s32 $0xFFFFFC00, s1;
	v21 =	vor.u32 s15, v3;
	v19 =	vand.u32 v2, v14;
	v14 =	vadd.s32 v28, v22;
	[tilespmem:v27+s17+$0x0] =	vst.idx.msk $0xffff, v25  }
0x8d: {  	s11 =	sadd.s32 $0x10, s11;
	s12 =	sadd.s32 $0x10, s12;
	s13 =	sadd.s32 $0x10, s13;
	v20 =	vadd.s32 v20, v23;
	v22 =	vor.u32 s18, v3;
	v23 =	vor.u32 s14, v0;
	[tilespmem:v30+s17+$0x0] =	vst.idx.msk $0xffff, v34  }
0x8e: {  	_ =	sdelay $0x3  }
0x8f: {  	[tilespmem:v16+s17+$0x0] =	vst.idx.msk $0xffff, v11  }
0x90: {  	v56 =	vand.u32 v2, v23;
	s0 =	sadd.s32 $0xFFFFFE00, s1;
	[tilespmem:v18+s17+$0x0] =	vst.idx.msk $0xffff, v8  }
0x91: {  	v57 =	vor.u32 s14, v3;
	v58 =	vor.u32 s0, v0;
	[tilespmem:v17+s17+$0x0] =	vst.idx.msk $0xffff, v9  }
0x92: {  	v59 =	vand.u32 v2, v58;
	[tilespmem:v21+s17+$0x0] =	vst.idx.msk $0xffff, v10  }
0x93: {  	v61 =	vor.u32 s1, v0;
	v60 =	vor.u32 s0, v3;
	[tilespmem:v19+s17+$0x0] =	vst.idx.msk $0xffff, v15  }
0x94: {  	v62 =	vand.u32 v2, v61;
	[tilespmem:v22+s17+$0x0] =	vst.idx.msk $0xffff, v20  }
0x95: {  	v63 =	vor.u32 s1, v3;
	[tilespmem:v56+s17+$0x0] =	vst.idx.msk $0xffff, v13  }
0x96: {  	[tilespmem:v57+s17+$0x0] =	vst.idx.msk $0xffff, v12  }
0x97: {  	[tilespmem:v59+s17+$0x0] =	vst.idx.msk $0xffff, v5  }
0x98: {  	[tilespmem:v60+s17+$0x0] =	vst.idx.msk $0xffff, v6  }
0x99: {  	[tilespmem:v62+s17+$0x0] =	vst.idx.msk $0xffff, v14  }
0x9a: {  	s30 =	rddreg [dreg:$0x2];
	s31 =	simm.s32 $0x1800;
	s29 =	simm.s32 $0x0;
	[tilespmem:v63+s17+$0x0] =	vst.idx.msk $0xffff, v7  }
0x9b: {  	[tilespmem:s19], [sflag:$0x1] =	stream.indirect.gather [hbm4b:s30+s31], $0x8, s17, s31, $0xb8;
	[tilespmem:$0x1C300] =	vst v63  }
.LBB2_4:
0x9c: {  	s31 =	sshll.u32 s29, $0x9;
	s0 =	rddreg [dreg:$0x4]  }
0x9d: {  	s0 =	sor.u32 s31, s0  }
0x9e: {  	s0 =	sshrl.u32 s0, $0x3  }
0x9f: {  	s30 =	sor.u32 $0x20, s0  }
0xa0: {  	s2 =	simm.s32 $0x300;
	s1 =	sadd.s32 s5, s30  }
0xa1: {  	[tilespmem:s2], [sflag:$0x3] =	stream.linear.gather [hbm4b:s1+s3], $0x100, $0x38;
	[tilespmem:$0x1C300] =	vst v63  }
0xa2: {  	_ =	swait.ge [sflag:s16], $0x100  }
0xa3: {  	[sflag:s16] =	ssyncset.done $0x0  }
0xa4: {  	s4 =	simm.s32 $0x400;
	s24 =	sadd.s32 s6, s30;
	[sflag:s16] =	ssyncadd.s32 $0xFFFFFF00  }
0xa5: {  	[tilespmem:s4], [sflag:$0x3] =	stream.linear.gather [hbm4b:s24+s3], $0x100, $0x38;
	[tilespmem:$0x1C300] =	vst v63  }
0xa6: {  	_ =	swait.ge [sflag:s16], $0x100  }
0xa7: {  	[sflag:s16] =	ssyncset.done $0x0  }
0xa8: {  	[sflag:s16] =	ssyncadd.s32 $0xFFFFFF00  }
0xa9: {  	s25 =	rddreg [dreg:$0x1]  }
0xaa: {  	s11 =	simm.s32 $0x500;
	s1 =	sadd.s32 s25, s30  }
0xab: {  	[tilespmem:s11], [sflag:$0x3] =	stream.linear.gather [hbm4b:s1+s3], $0x100, $0x38;
	[tilespmem:$0x1C300] =	vst v63  }
0xac: {  	_ =	swait.ge [sflag:s16], $0x100  }
0xad: {  	[sflag:s16] =	ssyncset.done $0x0  }
0xae: {  	[sflag:s16] =	ssyncadd.s32 $0xFFFFFF00  }
0xaf: {  	v5 =	vld [tilespmem:s2+$0x0];
	_ =	sdelay $0x4  }
0xb0: {  	v5 =	vmul.f32 $2.550000000e+02, v5;
	_ =	sdelay $0x1  }
0xb1: {  	v6 =	vtrunc.f32 v5  }
0xb2: {  	v6 =	vcvt.f32.s32 v6;
	_ =	sdelay $0x1  }
0xb3: {  	vm0 =	vlt.s32 v6, $0xFE  }
0xb4: {  	v6 =	vnsel vm0, $0xFE, v6  }
0xb5: {  	v7 =	vcvt.s32.f32 v6;
	_ =	sdelay $0x1  }
0xb6: {  	v5 =	vsub.f32 v5, v7  }
0xb7: {  	s28 =	simm.s32 $0x1BF00  }
0xb8: {  	[tilespmem:s28+$0xFFFFFE00] =	vst v5  }
0xb9: {  	v5 =	vld [tilespmem:s4+$0x0];
	_ =	sdelay $0x4  }
0xba: {  	v5 =	vmul.f32 $2.550000000e+02, v5;
	_ =	sdelay $0x1  }
0xbb: {  	v7 =	vtrunc.f32 v5  }
0xbc: {  	v7 =	vcvt.f32.s32 v7;
	_ =	sdelay $0x1  }
0xbd: {  	vm14 =	vlt.s32 v7, $0xFE  }
0xbe: {  	v7 =	vnsel vm14, $0xFE, v7  }
0xbf: {  	v8 =	vcvt.s32.f32 v7;
	_ =	sdelay $0x1  }
0xc0: {  	v5 =	vsub.f32 v5, v8;
	_ =	sdelay $0x1  }
0xc1: {  	s12 =	simm.s32 $0x200;
	[tilespmem:s28+$0xFFFFFF00] =	vst v5  }
0xc2: {  	s9 =	simm.s32 $0x0;
	s13 =	simm.s32 $0x600;
	v16 =	vor.u32 s12, v3;
	v8 =	vld [tilespmem:s11+$0x0]  }
0xc3: {  	v17 =	vor.u32 s9, v3;
	v18 =	vor.u32 s13, v3;
	v10 =	vshrl.u32 v6, $0x3  }
0xc4: {  	v12 =	vadd.s32 $0x1, v6;
	v14 =	vand.u32 $0xFFFFFF80, v6;
	v6 =	vand.u32 $0x7, v6  }
0xc5: {  	v10 =	vand.u32 $0xF, v10;
	v13 =	vand.u32 $0xFFFFFF80, v12;
	v11 =	vshll.u32 v7, $0x4  }
0xc6: {  	v10 =	vor.u32 v14, v10;
	v14 =	vor.u32 s12, v0;
	v11 =	vand.u32 $0x70, v11  }
0xc7: {  	v5 =	vadd.s32 $0x1, v7;
	v7 =	vshll.u32 v7, $0x5;
	v8 =	vmul.f32 $2.550000000e+02, v8  }
0xc8: {  	v9 =	vshll.u32 v5, $0x5;
	v5 =	vshll.u32 v5, $0x4;
	v7 =	vand.u32 $0xFFFFFF00, v7  }
0xc9: {  	v5 =	vand.u32 $0x70, v5;
	v9 =	vand.u32 $0xFFFFFF00, v9;
	v15 =	vtrunc.f32 v8  }
0xca: {  	v5 =	vor.u32 v5, v9;
	v9 =	vshrl.u32 v12, $0x3;
	v15 =	vcvt.f32.s32 v15  }
0xcb: {  	v7 =	vor.u32 v11, v7;
	v11 =	vor.u32 s9, v0;
	v9 =	vand.u32 $0xF, v9  }
0xcc: {  	v9 =	vor.u32 v13, v9;
	v13 =	vadd.s32 v10, v7;
	vm15 =	vlt.s32 v15, $0xFE  }
0xcd: {  	v20 =	vadd.s32 v9, v7;
	v7 =	vand.u32 v2, v14;
	v14 =	vnsel vm15, $0xFE, v15  }
0xce: {  	s14 =	simm.s32 $0x400;
	v22 =	vadd.s32 v10, v5;
	v19 =	vadd.s32 v9, v5;
	v5 =	vcvt.s32.f32 v14  }
0xcf: {  	v11 =	vand.u32 v2, v11;
	v12 =	vand.u32 $0x7, v12;
	v9 =	vor.u32 s14, v0  }
0xd0: {  	v15 =	vor.u32 s13, v0;
	v14 =	vmul.u32 $0x6000, v14;
	v5 =	vsub.f32 v8, v5  }
0xd1: {  	s15 =	simm.s32 $0x800;
	v10 =	vor.u32 s14, v3;
	v9 =	vand.u32 v2, v9;
	v15 =	vand.u32 v2, v15  }
0xd2: {  	s18 =	simm.s32 $0x3900;
	v8 =	vor.u32 s15, v0;
	v21 =	vadd.s32 $0x2000, v14;
	v23 =	vadd.s32 v14, v13;
	[tilespmem:s28+$0x0] =	vst v5  }
0xd3: {  	v24 =	vand.u32 v2, v8;
	v8 =	vadd.s32 v14, v22;
	v25 =	vadd.s32 v13, v21;
	[tilespmem:s18+$0xFFFFFF00] =	vst v6  }
0xd4: {  	v5 =	vadd.s32 v14, v20;
	v6 =	vadd.s32 v14, v19;
	[tilespmem:s18+$0x0] =	vst v12;
	v12 =	vadd.s32 v20, v21  }
0xd5: {  	[tilespmem:v11+s20+$0x0] =	vst.idx.msk $0xffff, v23;
	v23 =	vadd.s32 v21, v22;
	v21 =	vadd.s32 v21, v19;
	v11 =	vadd.s32 $0x4000, v14  }
0xd6: {  	v26 =	vadd.s32 $0x6000, v14;
	[tilespmem:v17+s20+$0x0] =	vst.idx.msk $0xffff, v5;
	v17 =	vadd.s32 v13, v11;
	v27 =	vadd.s32 v20, v11  }
0xd7: {  	s23 =	simm.s32 $0xA00;
	v31 =	vadd.s32 $0xA000, v14;
	v29 =	vadd.s32 v11, v22;
	v30 =	vadd.s32 v11, v19;
	[tilespmem:v7+s20+$0x0] =	vst.idx.msk $0xffff, v8  }
0xd8: {  	v5 =	vor.u32 s23, v0;
	v11 =	vadd.s32 v13, v26;
	v8 =	vadd.s32 v20, v26;
	[tilespmem:v16+s20+$0x0] =	vst.idx.msk $0xffff, v6  }
0xd9: {  	v28 =	vor.u32 s15, v3;
	s24 =	simm.s32 $0xC00;
	v62 =	vand.u32 v2, v5;
	v5 =	vadd.s32 v13, v31;
	[tilespmem:v9+s20+$0x0] =	vst.idx.msk $0xffff, v25  }
0xda: {  	v7 =	vadd.s32 v31, v19;
	v6 =	vor.u32 s24, v0;
	v9 =	vadd.s32 v26, v22;
	[tilespmem:v10+s20+$0x0] =	vst.idx.msk $0xffff, v12  }
0xdb: {  	v63 =	vor.u32 s23, v3;
	s25 =	simm.s32 $0xE00;
	v16 =	vand.u32 v2, v6;
	v6 =	vadd.s32 v20, v31;
	[tilespmem:v15+s20+$0x0] =	vst.idx.msk $0xffff, v23  }
0xdc: {  	v10 =	vadd.s32 v26, v19;
	v12 =	vor.u32 s25, v0;
	v23 =	vadd.s32 $0x8000, v14;
	[tilespmem:v18+s20+$0x0] =	vst.idx.msk $0xffff, v21  }
0xdd: {  	s28 =	simm.s32 $0x1000;
	v18 =	vor.u32 s24, v3;
	v15 =	vadd.s32 v13, v23;
	v13 =	vadd.s32 v23, v22;
	[tilespmem:v24+s20+$0x0] =	vst.idx.msk $0xffff, v17  }
0xde: {  	v14 =	vor.u32 s28, v0;
	v20 =	vadd.s32 v20, v23;
	v17 =	vand.u32 v2, v12;
	[tilespmem:v28+s20+$0x0] =	vst.idx.msk $0xffff, v27  }
0xdf: {  	s1 =	simm.s32 $0x1600;
	s2 =	simm.s32 $0x1620;
	s15 =	simm.s32 $0x1200;
	v21 =	vor.u32 s25, v3;
	v12 =	vadd.s32 v23, v19;
	v19 =	vand.u32 v2, v14;
	[tilespmem:v62+s20+$0x0] =	vst.idx.msk $0xffff, v29  }
0xe0: {  	s12 =	simm.s32 $0x3910;
	s14 =	simm.s32 $0x310;
	s13 =	simm.s32 $0x1BF10;
	v14 =	vadd.s32 v31, v22;
	v22 =	vor.u32 s28, v3;
	v23 =	vor.u32 s15, v0;
	[tilespmem:v63+s20+$0x0] =	vst.idx.msk $0xffff, v30  }
.LBB2_5:
0xe1: {  	[tilespmem:v16+s20+$0x0] =	vst.idx.msk $0xffff, v11;
	v11 =	vand.u32 v2, v23;
	s18 =	sadd.s32 $0xFFFFFE00, s1;
	s11 =	sadd.s32 $0x10, s11;
	s4 =	sadd.s32 $0x10, s4  }
0xe2: {  	p0 =	sne.s32 s2, $0x17E0;
	[tilespmem:v18+s20+$0x0] =	vst.idx.msk $0xffff, v8;
	v8 =	vor.u32 s15, v3;
	v16 =	vor.u32 s18, v0;
	s15 =	smov.u32 s2;
	s2 =	sadd.s32 $0x20, s2  }
0xe3: {  	[tilespmem:v17+s20+$0x0] =	vst.idx.msk $0xffff, v9;
	v9 =	vand.u32 v2, v16  }
0xe4: {  	v16 =	vor.u32 s1, v0;
	[tilespmem:v21+s20+$0x0] =	vst.idx.msk $0xffff, v10;
	v10 =	vor.u32 s18, v3  }
0xe5: {  	[tilespmem:v19+s20+$0x0] =	vst.idx.msk $0xffff, v15;
	v15 =	vand.u32 v2, v16  }
0xe6: {  	v16 =	vor.u32 s1, v3;
	s1 =	smov.u32 s15;
	[tilespmem:v22+s20+$0x0] =	vst.idx.msk $0xffff, v20  }
0xe7: {  	[tilespmem:v11+s20+$0x0] =	vst.idx.msk $0xffff, v13  }
0xe8: {  	[tilespmem:v8+s20+$0x0] =	vst.idx.msk $0xffff, v12  }
0xe9: {  	[tilespmem:v9+s20+$0x0] =	vst.idx.msk $0xffff, v5  }
0xea: {  	[tilespmem:v10+s20+$0x0] =	vst.idx.msk $0xffff, v6  }
0xeb: {  	[tilespmem:v15+s20+$0x0] =	vst.idx.msk $0xffff, v14  }
0xec: {  	[tilespmem:v16+s20+$0x0] =	vst.idx.msk $0xffff, v7  }
0xed: {  	v5 =	vld [tilespmem:s14+$0x0];
	_ =	sdelay $0x4  }
0xee: {  	v5 =	vmul.f32 $2.550000000e+02, v5;
	_ =	sdelay $0x1  }
0xef: {  	v6 =	vtrunc.f32 v5  }
0xf0: {  	v6 =	vcvt.f32.s32 v6;
	_ =	sdelay $0x1  }
0xf1: {  	vm0 =	vlt.s32 v6, $0xFE  }
0xf2: {  	v6 =	vnsel vm0, $0xFE, v6  }
0xf3: {  	v7 =	vcvt.s32.f32 v6;
	_ =	sdelay $0x1  }
0xf4: {  	v5 =	vsub.f32 v5, v7;
	_ =	sdelay $0x1  }
0xf5: {  	[tilespmem:s13+$0xFFFFFE00] =	vst v5  }
0xf6: {  	v5 =	vld [tilespmem:s4+$0x0];
	_ =	sdelay $0x4  }
0xf7: {  	v5 =	vmul.f32 $2.550000000e+02, v5;
	_ =	sdelay $0x1  }
0xf8: {  	v7 =	vtrunc.f32 v5  }
0xf9: {  	v7 =	vcvt.f32.s32 v7;
	_ =	sdelay $0x1  }
0xfa: {  	vm0 =	vlt.s32 v7, $0xFE  }
0xfb: {  	v7 =	vnsel vm0, $0xFE, v7  }
0xfc: {  	v8 =	vcvt.s32.f32 v7;
	v9 =	vadd.s32 $0x1, v7  }
0xfd: {  	v11 =	vshrl.u32 v6, $0x3;
	v10 =	vshll.u32 v9, $0x5;
	v9 =	vshll.u32 v9, $0x4  }
0xfe: {  	v5 =	vsub.f32 v5, v8;
	v8 =	vshll.u32 v7, $0x4;
	v9 =	vand.u32 $0x70, v9  }
0xff: {  	v12 =	vadd.s32 $0x1, v6;
	v11 =	vand.u32 $0xF, v11;
	v10 =	vand.u32 $0xFFFFFF00, v10  }
0x100: {  	[tilespmem:s13+$0xFFFFFF00] =	vst v5;
	v5 =	vshll.u32 v7, $0x5;
	v7 =	vor.u32 v9, v10;
	v9 =	vshrl.u32 v12, $0x3  }
0x101: {  	v13 =	vand.u32 $0xFFFFFF80, v12;
	v10 =	vld [tilespmem:s11+$0x0];
	v9 =	vand.u32 $0xF, v9  }
0x102: {  	s15 =	sadd.s32 $0xFFFFEA00, s1;
	v8 =	vand.u32 $0x70, v8;
	v5 =	vand.u32 $0xFFFFFF00, v5  }
0x103: {  	v5 =	vor.u32 v8, v5;
	v8 =	vor.u32 s15, v0  }
0x104: {  	s18 =	sadd.s32 $0xFFFFEC00, s1;
	v14 =	vand.u32 $0xFFFFFF80, v6;
	v6 =	vand.u32 $0x7, v6  }
0x105: {  	v15 =	vor.u32 s18, v3;
	v8 =	vand.u32 v2, v8  }
0x106: {  	v11 =	vor.u32 v14, v11;
	v14 =	vor.u32 s18, v0;
	v10 =	vmul.f32 $2.550000000e+02, v10  }
0x107: {  	s18 =	sadd.s32 $0xFFFFEE00, s1;
	v9 =	vor.u32 v13, v9;
	v13 =	vadd.s32 v11, v5  }
0x108: {  	v20 =	vadd.s32 v9, v5;
	v5 =	vand.u32 v2, v14;
	v16 =	vtrunc.f32 v10  }
0x109: {  	v12 =	vand.u32 $0x7, v12;
	v22 =	vadd.s32 v11, v7;
	v14 =	vcvt.f32.s32 v16  }
0x10a: {  	v19 =	vadd.s32 v9, v7;
	v7 =	vor.u32 s18, v0  }
0x10b: {  	v16 =	vor.u32 s18, v3;
	s18 =	sadd.s32 $0xFFFFF000, s1;
	vm0 =	vlt.s32 v14, $0xFE  }
0x10c: {  	v11 =	vor.u32 s18, v0;
	v9 =	vnsel vm0, $0xFE, v14  }
0x10d: {  	v14 =	vcvt.s32.f32 v9;
	v17 =	vmul.u32 $0x6000, v9;
	v9 =	vor.u32 s15, v3;
	s15 =	sadd.s32 $0xFFFFF200, s1  }
0x10e: {  	v7 =	vand.u32 v2, v7;
	v18 =	vor.u32 s18, v3;
	v21 =	vor.u32 s15, v0  }
0x10f: {  	v23 =	vand.u32 v2, v11;
	v10 =	vsub.f32 v10, v14;
	v14 =	vadd.s32 $0x2000, v17  }
0x110: {  	s18 =	sadd.s32 $0xFFFFF400, s1;
	v11 =	vadd.s32 v17, v13;
	v21 =	vand.u32 v2, v21;
	v24 =	vadd.s32 $0x6000, v17  }
0x111: {  	v26 =	vor.u32 s15, v3;
	v25 =	vadd.s32 v17, v22;
	[tilespmem:s13+$0x0] =	vst v10;
	v10 =	vadd.s32 v17, v20  }
0x112: {  	v28 =	vadd.s32 $0xA000, v17;
	v27 =	vadd.s32 v13, v14;
	[tilespmem:s12+$0xFFFFFF00] =	vst v6;
	v6 =	vadd.s32 v17, v19  }
0x113: {  	v29 =	vor.u32 s18, v0;
	v30 =	vor.u32 s18, v3;
	[tilespmem:s12+$0x0] =	vst v12;
	v12 =	vadd.s32 v20, v14  }
0x114: {  	v31 =	vadd.s32 v14, v22;
	v14 =	vadd.s32 v14, v19;
	[tilespmem:v8+s20+$0x0] =	vst.idx.msk $0xffff, v11;
	v8 =	vadd.s32 $0x4000, v17  }
0x115: {  	[tilespmem:v9+s20+$0x0] =	vst.idx.msk $0xffff, v10;
	v32 =	vadd.s32 v13, v8;
	v33 =	vadd.s32 v20, v8  }
0x116: {  	v34 =	vadd.s32 v8, v19;
	[tilespmem:v5+s20+$0x0] =	vst.idx.msk $0xffff, v25;
	v25 =	vadd.s32 v8, v22  }
0x117: {  	v11 =	vadd.s32 v13, v24;
	v8 =	vadd.s32 v20, v24;
	[tilespmem:v15+s20+$0x0] =	vst.idx.msk $0xffff, v6  }
0x118: {  	s15 =	sadd.s32 $0xFFFFF600, s1;
	v9 =	vadd.s32 v24, v22;
	[tilespmem:v7+s20+$0x0] =	vst.idx.msk $0xffff, v27;
	v27 =	vand.u32 v2, v29  }
0x119: {  	v10 =	vadd.s32 v24, v19;
	v5 =	vadd.s32 v13, v28;
	v6 =	vor.u32 s15, v0;
	[tilespmem:v16+s20+$0x0] =	vst.idx.msk $0xffff, v12  }
0x11a: {  	s18 =	sadd.s32 $0xFFFFF800, s1;
	v16 =	vand.u32 v2, v6;
	v6 =	vadd.s32 v20, v28;
	[tilespmem:v23+s20+$0x0] =	vst.idx.msk $0xffff, v31  }
.Ltmp1:
0x11b: {  	v7 =	vadd.s32 v28, v19;
	v12 =	vor.u32 s18, v0;
	v23 =	vadd.s32 $0x8000, v17;
	[tilespmem:v18+s20+$0x0] =	vst.idx.msk $0xffff, v14;
	(pc) =	sbr.rel @p0 .LBB2_5-.Ltmp1, $4  }
0x11c: {  	s28 =	sadd.s32 $0xFFFFFA00, s1;
	v17 =	vand.u32 v2, v12;
	v18 =	vor.u32 s15, v3;
	v15 =	vadd.s32 v13, v23;
	[tilespmem:v21+s20+$0x0] =	vst.idx.msk $0xffff, v32  }
0x11d: {  	v14 =	vor.u32 s28, v0;
	v13 =	vadd.s32 v23, v22;
	v12 =	vadd.s32 v23, v19;
	[tilespmem:v26+s20+$0x0] =	vst.idx.msk $0xffff, v33  }
0x11e: {  	s15 =	sadd.s32 $0xFFFFFC00, s1;
	v21 =	vor.u32 s18, v3;
	v19 =	vand.u32 v2, v14;
	v14 =	vadd.s32 v28, v22;
	[tilespmem:v27+s20+$0x0] =	vst.idx.msk $0xffff, v25  }
0x11f: {  	s14 =	sadd.s32 $0x10, s14;
	s13 =	sadd.s32 $0x10, s13;
	s12 =	sadd.s32 $0x10, s12;
	v20 =	vadd.s32 v20, v23;
	v22 =	vor.u32 s28, v3;
	v23 =	vor.u32 s15, v0;
	[tilespmem:v30+s20+$0x0] =	vst.idx.msk $0xffff, v34  }
0x120: {  	_ =	sdelay $0x3  }
0x121: {  	[tilespmem:v16+s20+$0x0] =	vst.idx.msk $0xffff, v11  }
0x122: {  	v11 =	vand.u32 v2, v23;
	s2 =	sadd.s32 $0xFFFFFE00, s1;
	[tilespmem:v18+s20+$0x0] =	vst.idx.msk $0xffff, v8  }
0x123: {  	v8 =	vor.u32 s15, v3;
	v16 =	vor.u32 s2, v0;
	[tilespmem:v17+s20+$0x0] =	vst.idx.msk $0xffff, v9  }
0x124: {  	v9 =	vand.u32 v2, v16;
	[tilespmem:v21+s20+$0x0] =	vst.idx.msk $0xffff, v10  }
0x125: {  	v16 =	vor.u32 s1, v0;
	v10 =	vor.u32 s2, v3;
	[tilespmem:v19+s20+$0x0] =	vst.idx.msk $0xffff, v15  }
0x126: {  	v15 =	vand.u32 v2, v16;
	[tilespmem:v22+s20+$0x0] =	vst.idx.msk $0xffff, v20  }
0x127: {  	v16 =	vor.u32 s1, v3;
	[tilespmem:v11+s20+$0x0] =	vst.idx.msk $0xffff, v13  }
0x128: {  	s9 =	simm.s32 $0x1200;
	[tilespmem:v8+s20+$0x0] =	vst.idx.msk $0xffff, v12  }
0x129: {  	s24 =	simm.s32 $0x0;
	s11 =	simm.s32 $0x400;
	v8 =	vmov s9;
	[tilespmem:v9+s20+$0x0] =	vst.idx.msk $0xffff, v5  }
0x12a: {  	s25 =	simm.s32 $0x1600;
	s12 =	simm.s32 $0x600;
	v5 =	vmov s24;
	v9 =	vmov s11;
	v8 =	vshll.u32 v8, $0x3;
	[tilespmem:v10+s20+$0x0] =	vst.idx.msk $0xffff, v6  }
0x12b: {  	s14 =	simm.s32 $0x1400;
	v6 =	vmov s25;
	v5 =	vshll.u32 v5, $0x3;
	v10 =	vmov s12;
	[tilespmem:v15+s20+$0x0] =	vst.idx.msk $0xffff, v14  }
0x12c: {  	s18 =	rddreg [dreg:$0x2];
	s23 =	simm.s32 $0x1800;
	s15 =	simm.s32 $0xA00;
	v19 =	vshll.u32 v9, $0x3;
	v9 =	vmov s14;
	v13 =	vor.u32 v4, v5;
	[tilespmem:v16+s20+$0x0] =	vst.idx.msk $0xffff, v7  }
0x12d: {  	v15 =	vor.u32 v1, v8;
	v8 =	vor.u32 v4, v8;
	v6 =	vshll.u32 v6, $0x3;
	[tilespmem:s21], [sflag:$0x2] =	stream.indirect.gather [hbm4b:s18+s23], $0x8, s20, s23, $0xb8;
	[tilespmem:$0x1C300] =	vst v63  }
0x12e: {  	s4 =	simm.s32 $0x200;
	v30 =	vshll.u32 v9, $0x3;
	v9 =	vmov s15;
	v5 =	vor.u32 v1, v5;
	_ =	swait.ge [sflag:s22], $0xC000  }
0x12f: {  	v7 =	vmov s4;
	v12 =	vor.u32 v4, v6;
	v29 =	vshll.u32 v9, $0x3;
	[sflag:s22] =	ssyncset.done $0x0  }
0x130: {  	s11 =	simm.s32 $0x3700;
	v34 =	vor.u32 v1, v30;
	v27 =	vor.u32 v1, v6;
	v6 =	vor.u32 v1, v19;
	[sflag:s22] =	ssyncadd.s32 $0xFFFF4000  }
0x131: {  	v63 =	vor.u32 v4, v30;
	v7 =	vshll.u32 v7, $0x3;
	v24 =	vor.u32 v1, v29;
	v18 =	vld [tilespmem:s11+$0x0]  }
0x132: {  	s13 =	simm.s32 $0xE00;
	v14 =	vor.u32 v4, v7;
	v17 =	vor.u32 v1, v7;
	v7 =	vshll.u32 v10, $0x3  }
0x133: {  	s18 =	simm.s32 $0xC00;
	s23 =	simm.s32 $0x800;
	v10 =	vor.u32 v1, v7;
	v16 =	vor.u32 v4, v7;
	v7 =	vmov s13  }
0x134: {  	v21 =	vmov s23;
	v20 =	vshll.u32 v7, $0x3;
	v7 =	vmov s18  }
0x135: {  	v26 =	vshll.u32 v7, $0x3;
	v7 =	vor.u32 v4, v19;
	v37 =	vor.u32 v1, v20  }
0x136: {  	v20 =	vor.u32 v4, v20;
	v11 =	vand.u32 $0xFFFFFFF8, v18;
	v9 =	vand.u32 $0x7, v18  }
0x137: {  	v18 =	vshll.u32 v21, $0x3;
	v21 =	vld [tilespmem:s11+$0xFFFFFF00];
	v7 =	vadd.s32 v7, v11;
	v8 =	vadd.s32 v8, v11  }
0x138: {  	v22 =	vor.u32 v1, v18;
	v16 =	vadd.s32 v16, v11;
	v14 =	vadd.s32 v14, v11  }
0x139: {  	v20 =	vadd.s32 v20, v11;
	v7 =	vor.u32 v9, v7;
	v23 =	vor.u32 v9, v8  }
0x13a: {  	s25 =	simm.s32 $0x1000;
	v8 =	vor.u32 v4, v18;
	v31 =	vor.u32 v9, v16;
	v35 =	vor.u32 v9, v14  }
0x13b: {  	s24 =	simm.s32 $0x1BC00;
	v14 =	vmov s25;
	v36 =	vor.u32 v9, v20;
	v8 =	vadd.s32 v8, v11  }
0x13c: {  	v19 =	vor.u32 v9, v8;
	v8 =	vadd.s32 v13, v11;
	v13 =	vld [tilespmem:s24+$0xFFFFFF00];
	v18 =	vand.u32 $0xFFFFFFF8, v21  }
0x13d: {  	v16 =	vand.u32 $0x7, v21;
	v21 =	vor.u32 v9, v8;
	v8 =	vadd.s32 v5, v18;
	v5 =	vld [tilespmem:s24+$0xFFFFFE00]  }
0x13e: {  	v28 =	vadd.s32 v22, v18;
	v22 =	vadd.s32 v6, v18;
	v32 =	vor.u32 v16, v8;
	v8 =	vld [tilespmem:s24+$0x0]  }
0x13f: {  	v25 =	vadd.s32 v15, v18;
	v20 =	vadd.s32 v17, v18;
	v27 =	vadd.s32 v27, v18;
	v6 =	vld.idx.msk [tilespmem:v23+s19+$0x0], $0xffff  }
0x140: {  	v34 =	vadd.s32 v34, v18;
	v23 =	vshll.u32 v14, $0x3;
	v17 =	vld.idx.msk [tilespmem:v31+s19+$0x0], $0xffff;
	v31 =	vadd.s32 v24, v18  }
0x141: {  	v33 =	vor.u32 v16, v20;
	v14 =	vor.u32 v4, v29;
	v20 =	vor.u32 v1, v26;
	v30 =	vld.idx.msk [tilespmem:v35+s19+$0x0], $0xffff  }
0x142: {  	v26 =	vor.u32 v4, v26;
	v35 =	vor.u32 v16, v34;
	v34 =	vadd.s32 v37, v18;
	v19 =	vld.idx.msk [tilespmem:v19+s19+$0x0], $0xffff  }
0x143: {  	s28 =	simm.s32 $0x1C100;
	s2 =	simm.s32 $0x1BC10;
	v24 =	vor.u32 v1, v23;
	v14 =	vadd.s32 v14, v11;
	v29 =	vadd.s32 v20, v18;
	v21 =	vld.idx.msk [tilespmem:v21+s19+$0x0], $0xffff  }
0x144: {  	s1 =	simm.s32 $0x1C010;
	s14 =	simm.s32 $0x1620;
	s12 =	simm.s32 $0x1C200;
	v26 =	vadd.s32 v26, v11;
	v15 =	vsub.f32 $1.000000000e+00, v13;
	v20 =	vld.idx.msk [tilespmem:v32+s19+$0x0], $0xffff;
	v32 =	vor.u32 v9, v14  }
0x145: {  	s15 =	simm.s32 $0x1C200;
	s4 =	simm.s32 $0x1C000;
	s13 =	simm.s32 $0x1C100;
	v29 =	vor.u32 v16, v29;
	v26 =	vor.u32 v9, v26;
	v14 =	vld.idx.msk [tilespmem:v36+s19+$0x0], $0xffff;
	v36 =	vadd.s32 v63, v11  }
.LBB2_7:
0x146: {  	v28 =	vor.u32 v16, v28;
	v33 =	vld.idx.msk [tilespmem:v33+s19+$0x0], $0xffff;
	v10 =	vadd.s32 v10, v18;
	v31 =	vor.u32 v16, v31;
	s15 =	sadd.s32 $0x10, s15;
	s28 =	sadd.s32 $0x10, s28;
	s11 =	sadd.s32 $0x10, s11  }
0x147: {  	p0 =	sne.s32 s14, $0x17E0;
	v36 =	vor.u32 v9, v36;
	v27 =	vor.u32 v16, v27;
	s18 =	smov.u32 s14;
	s14 =	sadd.s32 $0x20, s14;
	v10 =	vor.u32 v16, v10  }
0x148: {  	v22 =	vor.u32 v16, v22;
	v25 =	vor.u32 v16, v25;
	v12 =	vadd.s32 v12, v11  }
0x149: {  	v23 =	vor.u32 v4, v23;
	v34 =	vor.u32 v16, v34;
	v12 =	vor.u32 v9, v12;
	v32 =	vld.idx.msk [tilespmem:v32+s19+$0x0], $0xffff  }
0x14a: {  	v18 =	vadd.s32 v24, v18;
	v11 =	vadd.s32 v23, v11;
	v23 =	vld.idx.msk [tilespmem:v35+s19+$0x0], $0xffff  }
0x14b: {  	v24 =	vsub.f32 $1.000000000e+00, v8;
	v16 =	vor.u32 v16, v18;
	v9 =	vor.u32 v9, v11;
	v28 =	vld.idx.msk [tilespmem:v28+s19+$0x0], $0xffff  }
0x14c: {  	v11 =	vsub.f32 v21, v20;
	v21 =	vmul.f32 v8, v13;
	v18 =	vsub.f32 v30, v33;
	v10 =	vld.idx.msk [tilespmem:v10+s19+$0x0], $0xffff  }
0x14d: {  	v30 =	vmul.f32 v24, v15;
	v29 =	vld.idx.msk [tilespmem:v29+s19+$0x0], $0xffff  }
0x14e: {  	v13 =	vmul.f32 v24, v13;
	v11 =	vmul.f32 v11, v5;
	v24 =	vld.idx.msk [tilespmem:v31+s19+$0x0], $0xffff  }
0x14f: {  	v18 =	vmul.f32 v18, v5;
	v26 =	vld.idx.msk [tilespmem:v26+s19+$0x0], $0xffff  }
0x150: {  	v11 =	vadd.f32 v11, v20;
	v20 =	vld.idx.msk [tilespmem:v36+s19+$0x0], $0xffff  }
0x151: {  	v18 =	vadd.f32 v18, v33;
	v19 =	vsub.f32 v19, v28;
	v22 =	vld.idx.msk [tilespmem:v22+s19+$0x0], $0xffff  }
0x152: {  	v11 =	vmul.f32 v11, v30;
	v17 =	vsub.f32 v17, v10;
	v31 =	vld.idx.msk [tilespmem:v34+s19+$0x0], $0xffff  }
0x153: {  	v18 =	vmul.f32 v18, v13;
	v19 =	vmul.f32 v19, v5;
	v12 =	vld.idx.msk [tilespmem:v12+s19+$0x0], $0xffff  }
0x154: {  	v8 =	vmul.f32 v15, v8;
	v17 =	vmul.f32 v17, v5;
	v32 =	vsub.f32 v32, v24;
	v7 =	vld.idx.msk [tilespmem:v7+s19+$0x0], $0xffff  }
0x155: {  	v15 =	vadd.f32 v19, v28;
	v19 =	vsub.f32 v26, v29;
	v26 =	vld.idx.msk [tilespmem:v27+s19+$0x0], $0xffff  }
0x156: {  	v10 =	vadd.f32 v17, v10;
	v17 =	vsub.f32 v20, v23;
	v9 =	vld.idx.msk [tilespmem:v9+s19+$0x0], $0xffff  }
0x157: {  	v11 =	vadd.f32 v18, v11;
	v18 =	vmul.f32 v32, v5;
	v19 =	vmul.f32 v19, v5;
	v16 =	vld.idx.msk [tilespmem:v16+s19+$0x0], $0xffff  }
0x158: {  	v15 =	vmul.f32 v15, v30;
	v17 =	vmul.f32 v17, v5  }
0x159: {  	v18 =	vadd.f32 v18, v24;
	v19 =	vadd.f32 v19, v29;
	v20 =	vld.idx.msk [tilespmem:v25+s19+$0x0], $0xffff  }
0x15a: {  	v10 =	vmul.f32 v10, v13;
	v7 =	vsub.f32 v7, v22;
	v17 =	vadd.f32 v17, v23  }
0x15b: {  	v14 =	vsub.f32 v14, v31;
	v13 =	vmul.f32 v18, v13;
	v18 =	vmul.f32 v19, v8  }
0x15c: {  	v12 =	vsub.f32 v12, v26;
	v7 =	vmul.f32 v7, v5;
	v17 =	vmul.f32 v17, v8  }
0x15d: {  	v14 =	vmul.f32 v14, v5;
	v9 =	vsub.f32 v9, v16  }
0x15e: {  	v13 =	vadd.f32 v13, v15;
	v12 =	vmul.f32 v12, v5;
	v7 =	vadd.f32 v7, v22  }
0x15f: {  	v14 =	vadd.f32 v14, v31;
	v9 =	vmul.f32 v9, v5;
	v6 =	vsub.f32 v6, v20  }
0x160: {  	v13 =	vadd.f32 v17, v13;
	v12 =	vadd.f32 v12, v26;
	v7 =	vmul.f32 v7, v30  }
0x161: {  	v11 =	vadd.f32 v18, v11;
	v14 =	vmul.f32 v14, v21;
	v5 =	vmul.f32 v6, v5  }
0x162: {  	v6 =	vadd.f32 v10, v7;
	v7 =	vadd.f32 v9, v16;
	v9 =	vmul.f32 v12, v21  }
0x163: {  	v10 =	vadd.f32 v14, v11;
	v5 =	vadd.f32 v5, v20  }
0x164: {  	v7 =	vmul.f32 v7, v8  }
0x165: {  	s9 =	sadd.s32 $0xFFFFEA00, s18;
	s23 =	sadd.s32 $0xFFFFEC00, s18;
	s24 =	sadd.s32 $0xFFFFFC00, s18;
	v8 =	vmov s18;
	v9 =	vadd.f32 v9, v13;
	v5 =	vmul.f32 v5, v21;
	[tilespmem:s4+$0x0] =	vst v10  }
0x166: {  	v11 =	vmov s23;
	v10 =	vmov s9;
	s9 =	sadd.s32 $0xFFFFF800, s18;
	v6 =	vadd.f32 v7, v6;
	s4 =	smov.u32 s1  }
0x167: {  	s25 =	sadd.s32 $0xFFFFF000, s18;
	s23 =	sadd.s32 $0xFFFFEE00, s18;
	v7 =	vshll.u32 v10, $0x3;
	v10 =	vshll.u32 v11, $0x3;
	v11 =	vmov s24  }
0x168: {  	v12 =	vmov s23;
	v13 =	vmov s25;
	v5 =	vadd.f32 v5, v6  }
0x169: {  	v6 =	vor.u32 v4, v7;
	v14 =	vor.u32 v4, v10;
	v11 =	vshll.u32 v11, $0x3  }
0x16a: {  	s23 =	sadd.s32 $0xFFFFF400, s18;
	s25 =	sadd.s32 $0xFFFFFE00, s18;
	v8 =	vshll.u32 v8, $0x3;
	s24 =	sadd.s32 $0xFFFFF600, s18;
	v15 =	vor.u32 v1, v11;
	v16 =	vor.u32 v4, v11;
	[tilespmem:s13+$0x0] =	vst v5  }
0x16b: {  	v19 =	vor.u32 v1, v10;
	v5 =	vshll.u32 v13, $0x3;
	s13 =	smov.u32 s28;
	[tilespmem:s12+$0x0] =	vst v9;
	s12 =	smov.u32 s15  }
0x16c: {  	v10 =	vor.u32 v1, v5;
	v13 =	vor.u32 v4, v5;
	v5 =	vmov s9  }
0x16d: {  	v17 =	vshll.u32 v12, $0x3;
	s9 =	sadd.s32 $0xFFFFF200, s18;
	v9 =	vmov s25;
	v20 =	vshll.u32 v5, $0x3  }
0x16e: {  	v5 =	vmov s24;
	v34 =	vshll.u32 v9, $0x3;
	v18 =	vld [tilespmem:s11+$0x0]  }
0x16f: {  	v9 =	vmov s23;
	v26 =	vshll.u32 v5, $0x3  }
0x170: {  	v21 =	vor.u32 v1, v7  }
0x171: {  	v12 =	vor.u32 v4, v8;
	v5 =	vld [tilespmem:s2+$0xFFFFFE00]  }
0x172: {  	v7 =	vor.u32 v4, v17;
	v22 =	vmov s9;
	v29 =	vshll.u32 v9, $0x3  }
0x173: {  	v11 =	vand.u32 $0xFFFFFFF8, v18;
	v9 =	vand.u32 $0x7, v18;
	v18 =	vshll.u32 v22, $0x3  }
0x174: {  	v24 =	vor.u32 v1, v29;
	v22 =	vld [tilespmem:s11+$0xFFFFFF00];
	v7 =	vadd.s32 v7, v11;
	v16 =	vadd.s32 v16, v11  }
0x175: {  	v23 =	vor.u32 v1, v18;
	v7 =	vor.u32 v9, v7;
	v25 =	vor.u32 v9, v16  }
0x176: {  	v27 =	vor.u32 v1, v8;
	v30 =	vor.u32 v1, v34;
	v16 =	vor.u32 v4, v18  }
0x177: {  	v17 =	vor.u32 v1, v17;
	v13 =	vadd.s32 v13, v11;
	v16 =	vadd.s32 v16, v11;
	v8 =	vld [tilespmem:s2+$0x0]  }
0x178: {  	v37 =	vor.u32 v1, v20;
	v31 =	vor.u32 v9, v13;
	v32 =	vor.u32 v9, v16  }
0x179: {  	s9 =	sadd.s32 $0xFFFFFA00, s18;
	v6 =	vadd.s32 v6, v11;
	v14 =	vadd.s32 v14, v11;
	v13 =	vld [tilespmem:s2+$0xFFFFFF00];
	v16 =	vand.u32 $0x7, v22  }
0x17a: {  	v33 =	vor.u32 v9, v6;
	v35 =	vor.u32 v9, v14;
	v18 =	vand.u32 $0xFFFFFFF8, v22;
	v6 =	vld.idx.msk [tilespmem:v25+s19+$0x0], $0xffff  }
0x17b: {  	v20 =	vor.u32 v4, v20;
	v14 =	vadd.s32 v21, v18;
	v21 =	vmov s9  }
0x17c: {  	v20 =	vadd.s32 v20, v11;
	v28 =	vadd.s32 v23, v18;
	v14 =	vor.u32 v16, v14  }
0x17d: {  	v36 =	vor.u32 v9, v20;
	v22 =	vadd.s32 v17, v18;
	v25 =	vadd.s32 v15, v18;
	v17 =	vld.idx.msk [tilespmem:v31+s19+$0x0], $0xffff  }
0x17e: {  	v20 =	vadd.s32 v19, v18;
	v27 =	vadd.s32 v27, v18;
	v23 =	vshll.u32 v21, $0x3  }
0x17f: {  	v31 =	vadd.s32 v24, v18;
	v24 =	vor.u32 v1, v23;
	v15 =	vsub.f32 $1.000000000e+00, v13;
	v21 =	vld.idx.msk [tilespmem:v33+s19+$0x0], $0xffff  }
.Ltmp2:
0x180: {  	v29 =	vor.u32 v4, v29;
	v33 =	vor.u32 v16, v20;
	v19 =	vld.idx.msk [tilespmem:v32+s19+$0x0], $0xffff;
	v32 =	vor.u32 v1, v26;
	(pc) =	sbr.rel @p0 .LBB2_7-.Ltmp2, $4  }
0x181: {  	v26 =	vor.u32 v4, v26;
	v20 =	vld.idx.msk [tilespmem:v14+s19+$0x0], $0xffff;
	v14 =	vadd.s32 v29, v11;
	v29 =	vadd.s32 v32, v18  }
0x182: {  	v38 =	vadd.s32 v30, v18;
	v26 =	vadd.s32 v26, v11;
	v32 =	vor.u32 v9, v14;
	v14 =	vld.idx.msk [tilespmem:v36+s19+$0x0], $0xffff  }
0x183: {  	v34 =	vor.u32 v4, v34;
	v29 =	vor.u32 v16, v29;
	v26 =	vor.u32 v9, v26;
	v30 =	vld.idx.msk [tilespmem:v35+s19+$0x0], $0xffff  }
0x184: {  	s1 =	sadd.s32 $0x10, s1;
	s2 =	sadd.s32 $0x10, s2;
	v36 =	vadd.s32 v34, v11;
	v34 =	vadd.s32 v37, v18;
	v35 =	vor.u32 v16, v38  }
0x185: {  	_ =	sdelay $0x3  }
0x186: {  	v33 =	vld.idx.msk [tilespmem:v33+s19+$0x0], $0xffff  }
0x187: {  	v28 =	vor.u32 v16, v28;
	v32 =	vld.idx.msk [tilespmem:v32+s19+$0x0], $0xffff  }
0x188: {  	v31 =	vor.u32 v16, v31;
	v35 =	vld.idx.msk [tilespmem:v35+s19+$0x0], $0xffff  }
0x189: {  	v36 =	vor.u32 v9, v36;
	v29 =	vld.idx.msk [tilespmem:v29+s19+$0x0], $0xffff  }
0x18a: {  	v22 =	vor.u32 v16, v22;
	v43 =	vld.idx.msk [tilespmem:v26+s19+$0x0], $0xffff  }
0x18b: {  	v34 =	vor.u32 v16, v34;
	v7 =	vld.idx.msk [tilespmem:v7+s19+$0x0], $0xffff  }
0x18c: {  	v25 =	vor.u32 v16, v25;
	v28 =	vld.idx.msk [tilespmem:v28+s19+$0x0], $0xffff  }
0x18d: {  	v10 =	vadd.s32 v10, v18;
	v27 =	vor.u32 v16, v27;
	v39 =	vld.idx.msk [tilespmem:v31+s19+$0x0], $0xffff  }
0x18e: {  	v40 =	vadd.s32 v24, v18;
	v10 =	vor.u32 v16, v10;
	v47 =	vld.idx.msk [tilespmem:v36+s19+$0x0], $0xffff  }
0x18f: {  	v12 =	vadd.s32 v12, v11;
	v23 =	vor.u32 v4, v23;
	v45 =	vor.u32 v16, v40;
	v22 =	vld.idx.msk [tilespmem:v22+s19+$0x0], $0xffff  }
0x190: {  	v12 =	vor.u32 v9, v12;
	v38 =	vadd.s32 v23, v11;
	v50 =	vld.idx.msk [tilespmem:v34+s19+$0x0], $0xffff  }
0x191: {  	v21 =	vsub.f32 v21, v20;
	v41 =	vor.u32 v9, v38;
	v57 =	vld.idx.msk [tilespmem:v25+s19+$0x0], $0xffff  }
0x192: {  	v42 =	vsub.f32 v30, v33;
	v58 =	vld.idx.msk [tilespmem:v27+s19+$0x0], $0xffff  }
0x193: {  	v44 =	vsub.f32 $1.000000000e+00, v8;
	v48 =	vmul.f32 v8, v13;
	v46 =	vmul.f32 v21, v5;
	v10 =	vld.idx.msk [tilespmem:v10+s19+$0x0], $0xffff  }
0x194: {  	v53 =	vmul.f32 v15, v8;
	v16 =	vld.idx.msk [tilespmem:v45+s19+$0x0], $0xffff;
	v11 =	vmul.f32 v42, v5  }
0x195: {  	v49 =	vmul.f32 v44, v15;
	v18 =	vadd.f32 v46, v20;
	v24 =	vsub.f32 v43, v29;
	v12 =	vld.idx.msk [tilespmem:v12+s19+$0x0], $0xffff  }
0x196: {  	v51 =	vmul.f32 v44, v13;
	v9 =	vld.idx.msk [tilespmem:v41+s19+$0x0], $0xffff;
	v11 =	vadd.f32 v11, v33;
	v19 =	vsub.f32 v19, v28  }
0x197: {  	v18 =	vmul.f32 v18, v49;
	v52 =	vsub.f32 v32, v39;
	v54 =	vsub.f32 v47, v35  }
0x198: {  	v56 =	vmul.f32 v24, v5;
	v7 =	vsub.f32 v7, v22;
	v14 =	vsub.f32 v14, v50  }
0x199: {  	v6 =	vsub.f32 v6, v57;
	v17 =	vsub.f32 v17, v10;
	v11 =	vmul.f32 v11, v51  }
0x19a: {  	v12 =	vsub.f32 v12, v58;
	v19 =	vmul.f32 v19, v5;
	v55 =	vmul.f32 v52, v5  }
0x19b: {  	v15 =	vmul.f32 v54, v5;
	v7 =	vmul.f32 v7, v5;
	v9 =	vsub.f32 v9, v16  }
0x19c: {  	v14 =	vmul.f32 v14, v5;
	v6 =	vmul.f32 v6, v5;
	v11 =	vadd.f32 v11, v18  }
0x19d: {  	v17 =	vmul.f32 v17, v5;
	v18 =	vadd.f32 v56, v29;
	v19 =	vadd.f32 v19, v28  }
0x19e: {  	v15 =	vadd.f32 v15, v35;
	v7 =	vadd.f32 v7, v22;
	v9 =	vmul.f32 v9, v5  }
0x19f: {  	v5 =	vmul.f32 v12, v5;
	v60 =	vadd.f32 v14, v50;
	v10 =	vadd.f32 v17, v10  }
0x1a0: {  	v17 =	vadd.f32 v55, v39;
	v59 =	vmul.f32 v18, v53;
	v19 =	vmul.f32 v19, v49  }
0x1a1: {  	v7 =	vmul.f32 v7, v49;
	v9 =	vadd.f32 v9, v16;
	v10 =	vmul.f32 v10, v51  }
0x1a2: {  	v6 =	vadd.f32 v6, v57;
	v15 =	vmul.f32 v15, v53;
	v13 =	vmul.f32 v17, v51  }
0x1a3: {  	v5 =	vadd.f32 v5, v58;
	v8 =	vmul.f32 v9, v53;
	v7 =	vadd.f32 v10, v7  }
0x1a4: {  	v62 =	vmul.f32 v60, v48;
	v61 =	vadd.f32 v59, v11;
	v13 =	vadd.f32 v13, v19  }
0x1a5: {  	v6 =	vmul.f32 v6, v48;
	v7 =	vadd.f32 v8, v7  }
0x1a6: {  	v5 =	vmul.f32 v5, v48;
	v9 =	vadd.f32 v62, v61;
	v63 =	vadd.f32 v15, v13  }
0x1a7: {  	v6 =	vadd.f32 v6, v7  }
0x1a8: {  	[tilespmem:s4+$0x0] =	vst v9;
	v5 =	vadd.f32 v5, v63  }
0x1a9: {  	[tilespmem:s13+$0x0] =	vst v6  }
0x1aa: {  	s1 =	sadd.s32 s7, s0;
	s28 =	simm.s32 $0x1C000;
	[tilespmem:s12+$0x0] =	vst v5  }
0x1ab: {  	[hbm4b:s1+s3] =	stream.linear.scatter [tilespmem:s28], [sflag:$0x3], $0x100, $0x38;
	[tilespmem:$0x1C300] =	vst v63  }
0x1ac: {  	_ =	swait.ge [sflag:s16], $0x100  }
0x1ad: {  	[sflag:s16] =	ssyncset.done $0x0  }
0x1ae: {  	s23 =	sadd.s32 s8, s0;
	s2 =	simm.s32 $0x1C100;
	[sflag:s16] =	ssyncadd.s32 $0xFFFFFF00  }
0x1af: {  	[hbm4b:s23+s3] =	stream.linear.scatter [tilespmem:s2], [sflag:$0x3], $0x100, $0x38;
	[tilespmem:$0x1C300] =	vst v63  }
0x1b0: {  	_ =	swait.ge [sflag:s16], $0x100  }
0x1b1: {  	s24 =	sadd.s32 s10, s0;
	p0 =	seq.s32 s29, $0x3F;
	[sflag:s16] =	ssyncset.done $0x0  }
.Ltmp3:
0x1b2: {  	s25 =	simm.s32 $0x1C200;
	[sflag:s16] =	ssyncadd.s32 $0xFFFFFF00;
	(pc) =	sbr.rel @p0 .LBB2_12-.Ltmp3, $4  }
0x1b3: {  	[hbm4b:s24+s3] =	stream.linear.scatter [tilespmem:s25], [sflag:$0x3], $0x100, $0x38;
	[tilespmem:$0x1C300] =	vst v63  }
0x1b4: {  	_ =	swait.ge [sflag:s16], $0x100  }
0x1b5: {  	[sflag:s16] =	ssyncset.done $0x0  }
0x1b6: {  	[sflag:s16] =	ssyncadd.s32 $0xFFFFFF00  }
0x1b7: {  	s0 =	rddreg [dreg:$0x8]  }
0x1b8: {  	s0 =	sadd.s32 s31, s0  }
0x1b9: {  	s0 =	sshrl.u32 s0, $0x3  }
0x1ba: {  	s2 =	simm.s32 $0x0;
	s1 =	sadd.s32 s5, s0  }
0x1bb: {  	[tilespmem:s2], [sflag:$0x3] =	stream.linear.gather [hbm4b:s1+s2], $0x100, $0x38;
	[tilespmem:$0x1C300] =	vst v63  }
0x1bc: {  	_ =	swait.ge [sflag:s16], $0x100  }
0x1bd: {  	[sflag:s16] =	ssyncset.done $0x0  }
0x1be: {  	s4 =	simm.s32 $0x100;
	s11 =	sadd.s32 s6, s0;
	[sflag:s16] =	ssyncadd.s32 $0xFFFFFF00  }
0x1bf: {  	[tilespmem:s4], [sflag:$0x3] =	stream.linear.gather [hbm4b:s11+s2], $0x100, $0x38;
	[tilespmem:$0x1C300] =	vst v63  }
0x1c0: {  	_ =	swait.ge [sflag:s16], $0x100  }
0x1c1: {  	[sflag:s16] =	ssyncset.done $0x0  }
0x1c2: {  	[sflag:s16] =	ssyncadd.s32 $0xFFFFFF00  }
0x1c3: {  	s12 =	rddreg [dreg:$0x1]  }
0x1c4: {  	s1 =	sadd.s32 s12, s0;
	s0 =	simm.s32 $0x200  }
0x1c5: {  	[tilespmem:s0], [sflag:$0x3] =	stream.linear.gather [hbm4b:s1+s2], $0x100, $0x38;
	[tilespmem:$0x1C300] =	vst v63  }
0x1c6: {  	_ =	swait.ge [sflag:s16], $0x100  }
0x1c7: {  	[sflag:s16] =	ssyncset.done $0x0  }
0x1c8: {  	[sflag:s16] =	ssyncadd.s32 $0xFFFFFF00  }
0x1c9: {  	v5 =	vld [tilespmem:s2+$0x0];
	_ =	sdelay $0x4  }
0x1ca: {  	v5 =	vmul.f32 $2.550000000e+02, v5;
	_ =	sdelay $0x1  }
0x1cb: {  	v6 =	vtrunc.f32 v5  }
0x1cc: {  	v6 =	vcvt.f32.s32 v6;
	_ =	sdelay $0x1  }
0x1cd: {  	vm0 =	vlt.s32 v6, $0xFE  }
0x1ce: {  	v6 =	vnsel vm0, $0xFE, v6  }
0x1cf: {  	v7 =	vcvt.s32.f32 v6;
	_ =	sdelay $0x1  }
0x1d0: {  	v5 =	vsub.f32 v5, v7  }
0x1d1: {  	s13 =	simm.s32 $0x1BC00  }
0x1d2: {  	[tilespmem:s13+$0xFFFFFE00] =	vst v5  }
0x1d3: {  	v5 =	vld [tilespmem:s4+$0x0];
	_ =	sdelay $0x4  }
0x1d4: {  	v5 =	vmul.f32 $2.550000000e+02, v5;
	_ =	sdelay $0x1  }
0x1d5: {  	v7 =	vtrunc.f32 v5  }
0x1d6: {  	v7 =	vcvt.f32.s32 v7;
	_ =	sdelay $0x1  }
0x1d7: {  	vm14 =	vlt.s32 v7, $0xFE  }
0x1d8: {  	v7 =	vnsel vm14, $0xFE, v7  }
0x1d9: {  	v8 =	vcvt.s32.f32 v7;
	_ =	sdelay $0x1  }
0x1da: {  	v5 =	vsub.f32 v5, v8;
	_ =	sdelay $0x1  }
0x1db: {  	s15 =	simm.s32 $0x200;
	[tilespmem:s13+$0xFFFFFF00] =	vst v5  }
0x1dc: {  	s14 =	simm.s32 $0x0;
	s9 =	simm.s32 $0x600;
	v16 =	vor.u32 s15, v3;
	v8 =	vld [tilespmem:s0+$0x0]  }
0x1dd: {  	v17 =	vor.u32 s14, v3;
	v18 =	vor.u32 s9, v3;
	v10 =	vshrl.u32 v6, $0x3  }
0x1de: {  	v12 =	vadd.s32 $0x1, v6;
	v14 =	vand.u32 $0xFFFFFF80, v6;
	v6 =	vand.u32 $0x7, v6  }
0x1df: {  	v10 =	vand.u32 $0xF, v10;
	v13 =	vand.u32 $0xFFFFFF80, v12;
	v11 =	vshll.u32 v7, $0x4  }
0x1e0: {  	v10 =	vor.u32 v14, v10;
	v14 =	vor.u32 s15, v0;
	v11 =	vand.u32 $0x70, v11  }
0x1e1: {  	v5 =	vadd.s32 $0x1, v7;
	v7 =	vshll.u32 v7, $0x5;
	v8 =	vmul.f32 $2.550000000e+02, v8  }
0x1e2: {  	v9 =	vshll.u32 v5, $0x5;
	v5 =	vshll.u32 v5, $0x4;
	v7 =	vand.u32 $0xFFFFFF00, v7  }
0x1e3: {  	v5 =	vand.u32 $0x70, v5;
	v9 =	vand.u32 $0xFFFFFF00, v9;
	v15 =	vtrunc.f32 v8  }
0x1e4: {  	v5 =	vor.u32 v5, v9;
	v9 =	vshrl.u32 v12, $0x3;
	v15 =	vcvt.f32.s32 v15  }
0x1e5: {  	v7 =	vor.u32 v11, v7;
	v11 =	vor.u32 s14, v0;
	v9 =	vand.u32 $0xF, v9  }
0x1e6: {  	v9 =	vor.u32 v13, v9;
	v13 =	vadd.s32 v10, v7;
	vm15 =	vlt.s32 v15, $0xFE  }
0x1e7: {  	v20 =	vadd.s32 v9, v7;
	v7 =	vand.u32 v2, v14;
	v14 =	vnsel vm15, $0xFE, v15  }
0x1e8: {  	s18 =	simm.s32 $0x400;
	v22 =	vadd.s32 v10, v5;
	v19 =	vadd.s32 v9, v5;
	v5 =	vcvt.s32.f32 v14  }
0x1e9: {  	v11 =	vand.u32 v2, v11;
	v12 =	vand.u32 $0x7, v12;
	v9 =	vor.u32 s18, v0  }
0x1ea: {  	v15 =	vor.u32 s9, v0;
	v14 =	vmul.u32 $0x6000, v14;
	v5 =	vsub.f32 v8, v5  }
0x1eb: {  	s23 =	simm.s32 $0x800;
	v10 =	vor.u32 s18, v3;
	v9 =	vand.u32 v2, v9;
	v15 =	vand.u32 v2, v15  }
0x1ec: {  	s4 =	simm.s32 $0x3700;
	v8 =	vor.u32 s23, v0;
	v21 =	vadd.s32 $0x2000, v14;
	v23 =	vadd.s32 v14, v13;
	[tilespmem:s13+$0x0] =	vst v5  }
0x1ed: {  	v24 =	vand.u32 v2, v8;
	v8 =	vadd.s32 v14, v22;
	v25 =	vadd.s32 v13, v21;
	[tilespmem:s4+$0xFFFFFF00] =	vst v6  }
0x1ee: {  	v5 =	vadd.s32 v14, v20;
	v6 =	vadd.s32 v14, v19;
	[tilespmem:s4+$0x0] =	vst v12;
	v12 =	vadd.s32 v20, v21  }
0x1ef: {  	[tilespmem:v11+s17+$0x0] =	vst.idx.msk $0xffff, v23;
	v23 =	vadd.s32 v21, v22;
	v21 =	vadd.s32 v21, v19;
	v11 =	vadd.s32 $0x4000, v14  }
0x1f0: {  	v26 =	vadd.s32 $0x6000, v14;
	[tilespmem:v17+s17+$0x0] =	vst.idx.msk $0xffff, v5;
	v17 =	vadd.s32 v13, v11;
	v27 =	vadd.s32 v20, v11  }
0x1f1: {  	s24 =	simm.s32 $0xA00;
	v31 =	vadd.s32 $0xA000, v14;
	v29 =	vadd.s32 v11, v22;
	v30 =	vadd.s32 v11, v19;
	[tilespmem:v7+s17+$0x0] =	vst.idx.msk $0xffff, v8  }
0x1f2: {  	v5 =	vor.u32 s24, v0;
	v11 =	vadd.s32 v13, v26;
	v8 =	vadd.s32 v20, v26;
	[tilespmem:v16+s17+$0x0] =	vst.idx.msk $0xffff, v6  }
0x1f3: {  	s25 =	simm.s32 $0xC00;
	v28 =	vor.u32 s23, v3;
	v62 =	vand.u32 v2, v5;
	v5 =	vadd.s32 v13, v31;
	[tilespmem:v9+s17+$0x0] =	vst.idx.msk $0xffff, v25  }
0x1f4: {  	v7 =	vadd.s32 v31, v19;
	v6 =	vor.u32 s25, v0;
	v9 =	vadd.s32 v26, v22;
	[tilespmem:v10+s17+$0x0] =	vst.idx.msk $0xffff, v12  }
0x1f5: {  	v63 =	vor.u32 s24, v3;
	s31 =	simm.s32 $0xE00;
	v16 =	vand.u32 v2, v6;
	v6 =	vadd.s32 v20, v31;
	[tilespmem:v15+s17+$0x0] =	vst.idx.msk $0xffff, v23  }
0x1f6: {  	v10 =	vadd.s32 v26, v19;
	v12 =	vor.u32 s31, v0;
	v23 =	vadd.s32 $0x8000, v14;
	[tilespmem:v18+s17+$0x0] =	vst.idx.msk $0xffff, v21  }
0x1f7: {  	s11 =	simm.s32 $0x1000;
	v18 =	vor.u32 s25, v3;
	v15 =	vadd.s32 v13, v23;
	v13 =	vadd.s32 v23, v22;
	[tilespmem:v24+s17+$0x0] =	vst.idx.msk $0xffff, v17  }
0x1f8: {  	v14 =	vor.u32 s11, v0;
	v20 =	vadd.s32 v20, v23;
	v17 =	vand.u32 v2, v12;
	[tilespmem:v28+s17+$0x0] =	vst.idx.msk $0xffff, v27  }
0x1f9: {  	s12 =	simm.s32 $0x110;
	s1 =	simm.s32 $0x1600;
	s14 =	simm.s32 $0x1200;
	v21 =	vor.u32 s31, v3;
	v12 =	vadd.s32 v23, v19;
	v19 =	vand.u32 v2, v14;
	[tilespmem:v62+s17+$0x0] =	vst.idx.msk $0xffff, v29  }
0x1fa: {  	s2 =	simm.s32 $0x1620;
	s13 =	simm.s32 $0x1BC10;
	v14 =	vadd.s32 v31, v22;
	v22 =	vor.u32 s11, v3;
	v23 =	vor.u32 s14, v0;
	s11 =	simm.s32 $0x10;
	[tilespmem:v63+s17+$0x0] =	vst.idx.msk $0xffff, v30  }
.LBB2_10:
0x1fb: {  	[tilespmem:v16+s17+$0x0] =	vst.idx.msk $0xffff, v11;
	v11 =	vand.u32 v2, v23;
	s9 =	sadd.s32 $0xFFFFFE00, s1;
	s4 =	sadd.s32 $0x10, s4;
	s0 =	sadd.s32 $0x10, s0  }
0x1fc: {  	p0 =	sne.s32 s2, $0x17E0;
	[tilespmem:v18+s17+$0x0] =	vst.idx.msk $0xffff, v8;
	v8 =	vor.u32 s14, v3;
	v16 =	vor.u32 s9, v0;
	s14 =	smov.u32 s2;
	s2 =	sadd.s32 $0x20, s2  }
0x1fd: {  	[tilespmem:v17+s17+$0x0] =	vst.idx.msk $0xffff, v9;
	v9 =	vand.u32 v2, v16  }
0x1fe: {  	v16 =	vor.u32 s1, v0;
	[tilespmem:v21+s17+$0x0] =	vst.idx.msk $0xffff, v10;
	v10 =	vor.u32 s9, v3  }
0x1ff: {  	[tilespmem:v19+s17+$0x0] =	vst.idx.msk $0xffff, v15;
	v15 =	vand.u32 v2, v16  }
0x200: {  	v16 =	vor.u32 s1, v3;
	s1 =	smov.u32 s14;
	[tilespmem:v22+s17+$0x0] =	vst.idx.msk $0xffff, v20  }
0x201: {  	[tilespmem:v11+s17+$0x0] =	vst.idx.msk $0xffff, v13  }
0x202: {  	[tilespmem:v8+s17+$0x0] =	vst.idx.msk $0xffff, v12  }
0x203: {  	[tilespmem:v9+s17+$0x0] =	vst.idx.msk $0xffff, v5  }
0x204: {  	[tilespmem:v10+s17+$0x0] =	vst.idx.msk $0xffff, v6  }
0x205: {  	[tilespmem:v15+s17+$0x0] =	vst.idx.msk $0xffff, v14  }
0x206: {  	[tilespmem:v16+s17+$0x0] =	vst.idx.msk $0xffff, v7  }
0x207: {  	v5 =	vld [tilespmem:s11+$0x0];
	_ =	sdelay $0x4  }
0x208: {  	v5 =	vmul.f32 $2.550000000e+02, v5;
	_ =	sdelay $0x1  }
0x209: {  	v6 =	vtrunc.f32 v5  }
0x20a: {  	v6 =	vcvt.f32.s32 v6;
	_ =	sdelay $0x1  }
0x20b: {  	vm0 =	vlt.s32 v6, $0xFE  }
0x20c: {  	v6 =	vnsel vm0, $0xFE, v6  }
0x20d: {  	v7 =	vcvt.s32.f32 v6;
	_ =	sdelay $0x1  }
0x20e: {  	v5 =	vsub.f32 v5, v7;
	_ =	sdelay $0x1  }
0x20f: {  	[tilespmem:s13+$0xFFFFFE00] =	vst v5  }
0x210: {  	v5 =	vld [tilespmem:s12+$0x0];
	_ =	sdelay $0x4  }
0x211: {  	v5 =	vmul.f32 $2.550000000e+02, v5;
	_ =	sdelay $0x1  }
0x212: {  	v7 =	vtrunc.f32 v5  }
0x213: {  	v7 =	vcvt.f32.s32 v7;
	_ =	sdelay $0x1  }
0x214: {  	vm0 =	vlt.s32 v7, $0xFE  }
0x215: {  	v7 =	vnsel vm0, $0xFE, v7  }
0x216: {  	v8 =	vcvt.s32.f32 v7;
	v9 =	vadd.s32 $0x1, v7  }
0x217: {  	v11 =	vshrl.u32 v6, $0x3;
	v10 =	vshll.u32 v9, $0x5;
	v9 =	vshll.u32 v9, $0x4  }
0x218: {  	v5 =	vsub.f32 v5, v8;
	v8 =	vshll.u32 v7, $0x4;
	v9 =	vand.u32 $0x70, v9  }
0x219: {  	v12 =	vadd.s32 $0x1, v6;
	v11 =	vand.u32 $0xF, v11;
	v10 =	vand.u32 $0xFFFFFF00, v10  }
0x21a: {  	[tilespmem:s13+$0xFFFFFF00] =	vst v5;
	v5 =	vshll.u32 v7, $0x5;
	v7 =	vor.u32 v9, v10;
	v9 =	vshrl.u32 v12, $0x3  }
0x21b: {  	v13 =	vand.u32 $0xFFFFFF80, v12;
	v10 =	vld [tilespmem:s0+$0x0];
	v9 =	vand.u32 $0xF, v9  }
0x21c: {  	s9 =	sadd.s32 $0xFFFFEA00, s1;
	v8 =	vand.u32 $0x70, v8;
	v5 =	vand.u32 $0xFFFFFF00, v5  }
0x21d: {  	v5 =	vor.u32 v8, v5;
	v8 =	vor.u32 s9, v0  }
0x21e: {  	s14 =	sadd.s32 $0xFFFFEC00, s1;
	v14 =	vand.u32 $0xFFFFFF80, v6;
	v6 =	vand.u32 $0x7, v6  }
0x21f: {  	v15 =	vor.u32 s14, v3;
	v8 =	vand.u32 v2, v8  }
0x220: {  	v11 =	vor.u32 v14, v11;
	v14 =	vor.u32 s14, v0;
	v10 =	vmul.f32 $2.550000000e+02, v10  }
0x221: {  	s14 =	sadd.s32 $0xFFFFEE00, s1;
	v9 =	vor.u32 v13, v9;
	v13 =	vadd.s32 v11, v5  }
0x222: {  	v20 =	vadd.s32 v9, v5;
	v5 =	vand.u32 v2, v14;
	v16 =	vtrunc.f32 v10  }
0x223: {  	v12 =	vand.u32 $0x7, v12;
	v22 =	vadd.s32 v11, v7;
	v14 =	vcvt.f32.s32 v16  }
0x224: {  	v19 =	vadd.s32 v9, v7;
	v7 =	vor.u32 s14, v0  }
0x225: {  	v16 =	vor.u32 s14, v3;
	s14 =	sadd.s32 $0xFFFFF000, s1;
	vm0 =	vlt.s32 v14, $0xFE  }
0x226: {  	v11 =	vor.u32 s14, v0;
	v9 =	vnsel vm0, $0xFE, v14  }
0x227: {  	v14 =	vcvt.s32.f32 v9;
	v17 =	vmul.u32 $0x6000, v9;
	v9 =	vor.u32 s9, v3;
	s9 =	sadd.s32 $0xFFFFF200, s1  }
0x228: {  	v7 =	vand.u32 v2, v7;
	v18 =	vor.u32 s14, v3;
	v21 =	vor.u32 s9, v0  }
0x229: {  	v23 =	vand.u32 v2, v11;
	v10 =	vsub.f32 v10, v14;
	v14 =	vadd.s32 $0x2000, v17  }
0x22a: {  	s14 =	sadd.s32 $0xFFFFF400, s1;
	v11 =	vadd.s32 v17, v13;
	v21 =	vand.u32 v2, v21;
	v24 =	vadd.s32 $0x6000, v17  }
0x22b: {  	v26 =	vor.u32 s9, v3;
	v25 =	vadd.s32 v17, v22;
	[tilespmem:s13+$0x0] =	vst v10;
	v10 =	vadd.s32 v17, v20  }
0x22c: {  	v28 =	vadd.s32 $0xA000, v17;
	v27 =	vadd.s32 v13, v14;
	[tilespmem:s4+$0xFFFFFF00] =	vst v6;
	v6 =	vadd.s32 v17, v19  }
0x22d: {  	v29 =	vor.u32 s14, v0;
	v30 =	vor.u32 s14, v3;
	[tilespmem:s4+$0x0] =	vst v12;
	v12 =	vadd.s32 v20, v14  }
0x22e: {  	v31 =	vadd.s32 v14, v22;
	v14 =	vadd.s32 v14, v19;
	[tilespmem:v8+s17+$0x0] =	vst.idx.msk $0xffff, v11;
	v8 =	vadd.s32 $0x4000, v17  }
0x22f: {  	[tilespmem:v9+s17+$0x0] =	vst.idx.msk $0xffff, v10;
	v32 =	vadd.s32 v13, v8;
	v33 =	vadd.s32 v20, v8  }
0x230: {  	v34 =	vadd.s32 v8, v19;
	[tilespmem:v5+s17+$0x0] =	vst.idx.msk $0xffff, v25;
	v25 =	vadd.s32 v8, v22  }
0x231: {  	v11 =	vadd.s32 v13, v24;
	v8 =	vadd.s32 v20, v24;
	[tilespmem:v15+s17+$0x0] =	vst.idx.msk $0xffff, v6  }
0x232: {  	s9 =	sadd.s32 $0xFFFFF600, s1;
	v9 =	vadd.s32 v24, v22;
	[tilespmem:v7+s17+$0x0] =	vst.idx.msk $0xffff, v27;
	v27 =	vand.u32 v2, v29  }
0x233: {  	v10 =	vadd.s32 v24, v19;
	v5 =	vadd.s32 v13, v28;
	v6 =	vor.u32 s9, v0;
	[tilespmem:v16+s17+$0x0] =	vst.idx.msk $0xffff, v12  }
0x234: {  	s14 =	sadd.s32 $0xFFFFF800, s1;
	v16 =	vand.u32 v2, v6;
	v6 =	vadd.s32 v20, v28;
	[tilespmem:v23+s17+$0x0] =	vst.idx.msk $0xffff, v31  }
.Ltmp4:
0x235: {  	v7 =	vadd.s32 v28, v19;
	v12 =	vor.u32 s14, v0;
	v23 =	vadd.s32 $0x8000, v17;
	[tilespmem:v18+s17+$0x0] =	vst.idx.msk $0xffff, v14;
	(pc) =	sbr.rel @p0 .LBB2_10-.Ltmp4, $4  }
0x236: {  	v17 =	vand.u32 v2, v12;
	v18 =	vor.u32 s9, v3;
	s9 =	sadd.s32 $0xFFFFFA00, s1;
	v15 =	vadd.s32 v13, v23;
	[tilespmem:v21+s17+$0x0] =	vst.idx.msk $0xffff, v32  }
0x237: {  	v13 =	vadd.s32 v23, v22;
	v12 =	vadd.s32 v23, v19;
	v14 =	vor.u32 s9, v0;
	[tilespmem:v26+s17+$0x0] =	vst.idx.msk $0xffff, v33  }
0x238: {  	v21 =	vor.u32 s14, v3;
	s14 =	sadd.s32 $0xFFFFFC00, s1;
	v19 =	vand.u32 v2, v14;
	v14 =	vadd.s32 v28, v22;
	[tilespmem:v27+s17+$0x0] =	vst.idx.msk $0xffff, v25  }
0x239: {  	s11 =	sadd.s32 $0x10, s11;
	s12 =	sadd.s32 $0x10, s12;
	s13 =	sadd.s32 $0x10, s13;
	v20 =	vadd.s32 v20, v23;
	v22 =	vor.u32 s9, v3;
	v23 =	vor.u32 s14, v0;
	[tilespmem:v30+s17+$0x0] =	vst.idx.msk $0xffff, v34  }
0x23a: {  	_ =	sdelay $0x3  }
0x23b: {  	[tilespmem:v16+s17+$0x0] =	vst.idx.msk $0xffff, v11  }
0x23c: {  	v56 =	vand.u32 v2, v23;
	s0 =	sadd.s32 $0xFFFFFE00, s1;
	[tilespmem:v18+s17+$0x0] =	vst.idx.msk $0xffff, v8  }
0x23d: {  	v57 =	vor.u32 s14, v3;
	v58 =	vor.u32 s0, v0;
	[tilespmem:v17+s17+$0x0] =	vst.idx.msk $0xffff, v9  }
0x23e: {  	v59 =	vand.u32 v2, v58;
	[tilespmem:v21+s17+$0x0] =	vst.idx.msk $0xffff, v10  }
0x23f: {  	v61 =	vor.u32 s1, v0;
	v60 =	vor.u32 s0, v3;
	[tilespmem:v19+s17+$0x0] =	vst.idx.msk $0xffff, v15  }
0x240: {  	v62 =	vand.u32 v2, v61;
	[tilespmem:v22+s17+$0x0] =	vst.idx.msk $0xffff, v20  }
0x241: {  	v63 =	vor.u32 s1, v3;
	[tilespmem:v56+s17+$0x0] =	vst.idx.msk $0xffff, v13  }
0x242: {  	[tilespmem:v57+s17+$0x0] =	vst.idx.msk $0xffff, v12  }
0x243: {  	[tilespmem:v59+s17+$0x0] =	vst.idx.msk $0xffff, v5  }
0x244: {  	[tilespmem:v60+s17+$0x0] =	vst.idx.msk $0xffff, v6  }
0x245: {  	[tilespmem:v62+s17+$0x0] =	vst.idx.msk $0xffff, v14  }
0x246: {  	s25 =	rddreg [dreg:$0x2];
	s31 =	simm.s32 $0x1800;
	[tilespmem:v63+s17+$0x0] =	vst.idx.msk $0xffff, v7  }
0x247: {  	[tilespmem:s19], [sflag:$0x1] =	stream.indirect.gather [hbm4b:s25+s31], $0x8, s17, s31, $0xb8;
	[tilespmem:$0x1C300] =	vst v63  }
.LBB2_12:
0x248: {  	s0 =	simm.s32 $0x0  }
0x249: {  	s1 =	simm.s32 $0x1600;
	s2 =	simm.s32 $0x200;
	s12 =	simm.s32 $0x1200;
	v5 =	vmov s0  }
0x24a: {  	s13 =	simm.s32 $0x400;
	s14 =	simm.s32 $0x600;
	s25 =	simm.s32 $0x800;
	v6 =	vmov s1;
	v7 =	vmov s2;
	v8 =	vmov s12  }
0x24b: {  	v9 =	vmov s13;
	v10 =	vmov s14;
	v21 =	vmov s25  }
0x24c: {  	s18 =	simm.s32 $0x1400;
	v5 =	vshll.u32 v5, $0x3;
	v7 =	vshll.u32 v7, $0x3;
	v8 =	vshll.u32 v8, $0x3  }
0x24d: {  	v6 =	vshll.u32 v6, $0x3;
	v19 =	vshll.u32 v9, $0x3;
	v9 =	vmov s18  }
0x24e: {  	_ =	swait.ge [sflag:s26], $0xC000;
	v13 =	vor.u32 v4, v5;
	v14 =	vor.u32 v4, v7;
	v15 =	vor.u32 v1, v8  }
0x24f: {  	s23 =	simm.s32 $0xA00;
	[sflag:s26] =	ssyncset.done $0x0;
	v8 =	vor.u32 v4, v8;
	v17 =	vor.u32 v1, v7;
	v7 =	vshll.u32 v10, $0x3  }
0x250: {  	s11 =	simm.s32 $0x3900;
	[sflag:s26] =	ssyncadd.s32 $0xFFFF4000;
	v29 =	vshll.u32 v9, $0x3;
	v9 =	vmov s23;
	v5 =	vor.u32 v1, v5  }
0x251: {  	s15 =	simm.s32 $0xE00;
	v18 =	vld [tilespmem:s11+$0x0];
	v12 =	vor.u32 v4, v6;
	v27 =	vor.u32 v1, v6;
	v6 =	vor.u32 v1, v19  }
0x252: {  	v10 =	vor.u32 v1, v7;
	v16 =	vor.u32 v4, v7;
	v7 =	vmov s15  }
0x253: {  	s24 =	simm.s32 $0xC00;
	v30 =	vshll.u32 v9, $0x3;
	v34 =	vor.u32 v1, v29;
	v63 =	vor.u32 v4, v29  }
0x254: {  	v20 =	vshll.u32 v7, $0x3;
	v7 =	vmov s24;
	v24 =	vor.u32 v1, v30  }
0x255: {  	v26 =	vshll.u32 v7, $0x3;
	v7 =	vor.u32 v4, v19;
	v37 =	vor.u32 v1, v20  }
0x256: {  	v20 =	vor.u32 v4, v20;
	v11 =	vand.u32 $0xFFFFFFF8, v18;
	v9 =	vand.u32 $0x7, v18  }
0x257: {  	v18 =	vshll.u32 v21, $0x3;
	v21 =	vld [tilespmem:s11+$0xFFFFFF00];
	v7 =	vadd.s32 v7, v11;
	v8 =	vadd.s32 v8, v11  }
0x258: {  	v22 =	vor.u32 v1, v18;
	v16 =	vadd.s32 v16, v11;
	v14 =	vadd.s32 v14, v11  }
0x259: {  	v20 =	vadd.s32 v20, v11;
	v7 =	vor.u32 v9, v7;
	v23 =	vor.u32 v9, v8  }
0x25a: {  	s31 =	simm.s32 $0x1000;
	v8 =	vor.u32 v4, v18;
	v31 =	vor.u32 v9, v16;
	v35 =	vor.u32 v9, v14  }
0x25b: {  	s13 =	simm.s32 $0x1BF00;
	v14 =	vmov s31;
	v36 =	vor.u32 v9, v20;
	v8 =	vadd.s32 v8, v11  }
0x25c: {  	v19 =	vor.u32 v9, v8;
	v8 =	vadd.s32 v13, v11;
	v13 =	vld [tilespmem:s13+$0xFFFFFF00];
	v18 =	vand.u32 $0xFFFFFFF8, v21  }
0x25d: {  	v16 =	vand.u32 $0x7, v21;
	v21 =	vor.u32 v9, v8;
	v8 =	vadd.s32 v5, v18;
	v5 =	vld [tilespmem:s13+$0xFFFFFE00]  }
0x25e: {  	v28 =	vadd.s32 v22, v18;
	v22 =	vadd.s32 v6, v18;
	v32 =	vor.u32 v16, v8;
	v8 =	vld [tilespmem:s13+$0x0]  }
0x25f: {  	v25 =	vadd.s32 v15, v18;
	v20 =	vadd.s32 v17, v18;
	v27 =	vadd.s32 v27, v18;
	v6 =	vld.idx.msk [tilespmem:v23+s21+$0x0], $0xffff  }
0x260: {  	v34 =	vadd.s32 v34, v18;
	v23 =	vshll.u32 v14, $0x3;
	v17 =	vld.idx.msk [tilespmem:v31+s21+$0x0], $0xffff;
	v31 =	vadd.s32 v24, v18  }
0x261: {  	v33 =	vor.u32 v16, v20;
	v14 =	vor.u32 v4, v30;
	v20 =	vor.u32 v1, v26;
	v29 =	vld.idx.msk [tilespmem:v35+s21+$0x0], $0xffff  }
0x262: {  	v26 =	vor.u32 v4, v26;
	v35 =	vor.u32 v16, v34;
	v34 =	vadd.s32 v37, v18;
	v19 =	vld.idx.msk [tilespmem:v19+s21+$0x0], $0xffff  }
0x263: {  	s4 =	simm.s32 $0x1C100;
	v24 =	vor.u32 v1, v23;
	v14 =	vadd.s32 v14, v11;
	v30 =	vadd.s32 v20, v18;
	v21 =	vld.idx.msk [tilespmem:v21+s21+$0x0], $0xffff  }
0x264: {  	s0 =	simm.s32 $0x1C200;
	s14 =	simm.s32 $0x1620;
	s1 =	simm.s32 $0x1C110;
	v26 =	vadd.s32 v26, v11;
	v15 =	vsub.f32 $1.000000000e+00, v13;
	v20 =	vld.idx.msk [tilespmem:v32+s21+$0x0], $0xffff;
	v32 =	vor.u32 v9, v14  }
0x265: {  	s2 =	simm.s32 $0x1C210;
	s12 =	simm.s32 $0x1C000;
	s15 =	simm.s32 $0x1C000;
	v30 =	vor.u32 v16, v30;
	v26 =	vor.u32 v9, v26;
	v14 =	vld.idx.msk [tilespmem:v36+s21+$0x0], $0xffff;
	v36 =	vadd.s32 v63, v11  }
.LBB2_13:
0x266: {  	v28 =	vor.u32 v16, v28;
	v33 =	vld.idx.msk [tilespmem:v33+s21+$0x0], $0xffff;
	v10 =	vadd.s32 v10, v18;
	v31 =	vor.u32 v16, v31;
	s13 =	sadd.s32 $0x10, s13;
	s11 =	sadd.s32 $0x10, s11;
	s15 =	sadd.s32 $0x10, s15  }
0x267: {  	p0 =	sne.s32 s14, $0x17E0;
	v36 =	vor.u32 v9, v36;
	v27 =	vor.u32 v16, v27;
	s18 =	smov.u32 s14;
	s14 =	sadd.s32 $0x20, s14;
	v10 =	vor.u32 v16, v10  }
0x268: {  	v22 =	vor.u32 v16, v22;
	v25 =	vor.u32 v16, v25;
	v12 =	vadd.s32 v12, v11  }
0x269: {  	v23 =	vor.u32 v4, v23;
	v34 =	vor.u32 v16, v34;
	v12 =	vor.u32 v9, v12;
	v32 =	vld.idx.msk [tilespmem:v32+s21+$0x0], $0xffff  }
0x26a: {  	v18 =	vadd.s32 v24, v18;
	v11 =	vadd.s32 v23, v11;
	v23 =	vld.idx.msk [tilespmem:v35+s21+$0x0], $0xffff  }
0x26b: {  	v24 =	vsub.f32 $1.000000000e+00, v8;
	v16 =	vor.u32 v16, v18;
	v9 =	vor.u32 v9, v11;
	v28 =	vld.idx.msk [tilespmem:v28+s21+$0x0], $0xffff  }
0x26c: {  	v11 =	vsub.f32 v21, v20;
	v21 =	vmul.f32 v8, v13;
	v18 =	vsub.f32 v29, v33;
	v10 =	vld.idx.msk [tilespmem:v10+s21+$0x0], $0xffff  }
0x26d: {  	v29 =	vmul.f32 v24, v15;
	v30 =	vld.idx.msk [tilespmem:v30+s21+$0x0], $0xffff  }
0x26e: {  	v13 =	vmul.f32 v24, v13;
	v11 =	vmul.f32 v11, v5;
	v24 =	vld.idx.msk [tilespmem:v31+s21+$0x0], $0xffff  }
0x26f: {  	v18 =	vmul.f32 v18, v5;
	v26 =	vld.idx.msk [tilespmem:v26+s21+$0x0], $0xffff  }
0x270: {  	v11 =	vadd.f32 v11, v20;
	v20 =	vld.idx.msk [tilespmem:v36+s21+$0x0], $0xffff  }
0x271: {  	v18 =	vadd.f32 v18, v33;
	v19 =	vsub.f32 v19, v28;
	v22 =	vld.idx.msk [tilespmem:v22+s21+$0x0], $0xffff  }
0x272: {  	v11 =	vmul.f32 v11, v29;
	v17 =	vsub.f32 v17, v10;
	v31 =	vld.idx.msk [tilespmem:v34+s21+$0x0], $0xffff  }
0x273: {  	v18 =	vmul.f32 v18, v13;
	v19 =	vmul.f32 v19, v5;
	v12 =	vld.idx.msk [tilespmem:v12+s21+$0x0], $0xffff  }
0x274: {  	v8 =	vmul.f32 v15, v8;
	v17 =	vmul.f32 v17, v5;
	v32 =	vsub.f32 v32, v24;
	v7 =	vld.idx.msk [tilespmem:v7+s21+$0x0], $0xffff  }
0x275: {  	v15 =	vadd.f32 v19, v28;
	v19 =	vsub.f32 v26, v30;
	v26 =	vld.idx.msk [tilespmem:v27+s21+$0x0], $0xffff  }
0x276: {  	v10 =	vadd.f32 v17, v10;
	v17 =	vsub.f32 v20, v23;
	v9 =	vld.idx.msk [tilespmem:v9+s21+$0x0], $0xffff  }
0x277: {  	v11 =	vadd.f32 v18, v11;
	v18 =	vmul.f32 v32, v5;
	v19 =	vmul.f32 v19, v5;
	v16 =	vld.idx.msk [tilespmem:v16+s21+$0x0], $0xffff  }
0x278: {  	v15 =	vmul.f32 v15, v29;
	v17 =	vmul.f32 v17, v5  }
0x279: {  	v18 =	vadd.f32 v18, v24;
	v19 =	vadd.f32 v19, v30;
	v20 =	vld.idx.msk [tilespmem:v25+s21+$0x0], $0xffff  }
0x27a: {  	v10 =	vmul.f32 v10, v13;
	v7 =	vsub.f32 v7, v22;
	v17 =	vadd.f32 v17, v23  }
0x27b: {  	v14 =	vsub.f32 v14, v31;
	v13 =	vmul.f32 v18, v13;
	v18 =	vmul.f32 v19, v8  }
0x27c: {  	v12 =	vsub.f32 v12, v26;
	v7 =	vmul.f32 v7, v5;
	v17 =	vmul.f32 v17, v8  }
0x27d: {  	v14 =	vmul.f32 v14, v5;
	v9 =	vsub.f32 v9, v16  }
0x27e: {  	v13 =	vadd.f32 v13, v15;
	v12 =	vmul.f32 v12, v5;
	v7 =	vadd.f32 v7, v22  }
0x27f: {  	v14 =	vadd.f32 v14, v31;
	v9 =	vmul.f32 v9, v5;
	v6 =	vsub.f32 v6, v20  }
0x280: {  	v13 =	vadd.f32 v17, v13;
	v12 =	vadd.f32 v12, v26;
	v7 =	vmul.f32 v7, v29  }
0x281: {  	v11 =	vadd.f32 v18, v11;
	v14 =	vmul.f32 v14, v21;
	v5 =	vmul.f32 v6, v5  }
0x282: {  	v6 =	vadd.f32 v10, v7;
	v7 =	vadd.f32 v9, v16;
	v9 =	vmul.f32 v12, v21  }
0x283: {  	v10 =	vadd.f32 v14, v11;
	v5 =	vadd.f32 v5, v20  }
0x284: {  	v7 =	vmul.f32 v7, v8  }
0x285: {  	s9 =	sadd.s32 $0xFFFFEA00, s18;
	s23 =	sadd.s32 $0xFFFFEC00, s18;
	s24 =	sadd.s32 $0xFFFFFC00, s18;
	v8 =	vmov s18;
	v9 =	vadd.f32 v9, v13;
	v5 =	vmul.f32 v5, v21;
	[tilespmem:s12+$0x0] =	vst v10  }
0x286: {  	v11 =	vmov s23;
	v10 =	vmov s9;
	s9 =	sadd.s32 $0xFFFFF800, s18;
	v6 =	vadd.f32 v7, v6;
	s12 =	smov.u32 s15  }
0x287: {  	s25 =	sadd.s32 $0xFFFFF000, s18;
	s23 =	sadd.s32 $0xFFFFEE00, s18;
	v7 =	vshll.u32 v10, $0x3;
	v10 =	vshll.u32 v11, $0x3;
	v11 =	vmov s24  }
0x288: {  	v12 =	vmov s23;
	v13 =	vmov s25;
	v5 =	vadd.f32 v5, v6  }
0x289: {  	v6 =	vor.u32 v4, v7;
	v14 =	vor.u32 v4, v10;
	v11 =	vshll.u32 v11, $0x3  }
0x28a: {  	s23 =	sadd.s32 $0xFFFFF400, s18;
	s25 =	sadd.s32 $0xFFFFFE00, s18;
	v8 =	vshll.u32 v8, $0x3;
	s24 =	sadd.s32 $0xFFFFF600, s18;
	v15 =	vor.u32 v1, v11;
	v16 =	vor.u32 v4, v11;
	[tilespmem:s4+$0x0] =	vst v5  }
0x28b: {  	v19 =	vor.u32 v1, v10;
	v5 =	vshll.u32 v13, $0x3;
	s4 =	smov.u32 s1;
	[tilespmem:s0+$0x0] =	vst v9;
	s0 =	smov.u32 s2  }
0x28c: {  	v10 =	vor.u32 v1, v5;
	v13 =	vor.u32 v4, v5;
	v5 =	vmov s9  }
0x28d: {  	v17 =	vshll.u32 v12, $0x3;
	s9 =	sadd.s32 $0xFFFFF200, s18;
	v9 =	vmov s25;
	v20 =	vshll.u32 v5, $0x3  }
0x28e: {  	v5 =	vmov s24;
	v34 =	vshll.u32 v9, $0x3;
	v18 =	vld [tilespmem:s11+$0x0]  }
0x28f: {  	v9 =	vmov s23;
	v26 =	vshll.u32 v5, $0x3  }
0x290: {  	v21 =	vor.u32 v1, v7  }
0x291: {  	v12 =	vor.u32 v4, v8;
	v5 =	vld [tilespmem:s13+$0xFFFFFE00]  }
0x292: {  	v7 =	vor.u32 v4, v17;
	v22 =	vmov s9;
	v29 =	vshll.u32 v9, $0x3  }
0x293: {  	v11 =	vand.u32 $0xFFFFFFF8, v18;
	v9 =	vand.u32 $0x7, v18;
	v18 =	vshll.u32 v22, $0x3  }
0x294: {  	v24 =	vor.u32 v1, v29;
	v22 =	vld [tilespmem:s11+$0xFFFFFF00];
	v7 =	vadd.s32 v7, v11;
	v16 =	vadd.s32 v16, v11  }
0x295: {  	v23 =	vor.u32 v1, v18;
	v7 =	vor.u32 v9, v7;
	v25 =	vor.u32 v9, v16  }
0x296: {  	v27 =	vor.u32 v1, v8;
	v30 =	vor.u32 v1, v34;
	v16 =	vor.u32 v4, v18  }
0x297: {  	v17 =	vor.u32 v1, v17;
	v13 =	vadd.s32 v13, v11;
	v16 =	vadd.s32 v16, v11;
	v8 =	vld [tilespmem:s13+$0x0]  }
0x298: {  	v37 =	vor.u32 v1, v20;
	v31 =	vor.u32 v9, v13;
	v32 =	vor.u32 v9, v16  }
0x299: {  	s9 =	sadd.s32 $0xFFFFFA00, s18;
	v6 =	vadd.s32 v6, v11;
	v14 =	vadd.s32 v14, v11;
	v13 =	vld [tilespmem:s13+$0xFFFFFF00];
	v16 =	vand.u32 $0x7, v22  }
0x29a: {  	v33 =	vor.u32 v9, v6;
	v35 =	vor.u32 v9, v14;
	v18 =	vand.u32 $0xFFFFFFF8, v22;
	v6 =	vld.idx.msk [tilespmem:v25+s21+$0x0], $0xffff  }
0x29b: {  	v20 =	vor.u32 v4, v20;
	v14 =	vadd.s32 v21, v18;
	v21 =	vmov s9  }
0x29c: {  	v20 =	vadd.s32 v20, v11;
	v28 =	vadd.s32 v23, v18;
	v14 =	vor.u32 v16, v14  }
0x29d: {  	v36 =	vor.u32 v9, v20;
	v22 =	vadd.s32 v17, v18;
	v25 =	vadd.s32 v15, v18;
	v17 =	vld.idx.msk [tilespmem:v31+s21+$0x0], $0xffff  }
0x29e: {  	v20 =	vadd.s32 v19, v18;
	v27 =	vadd.s32 v27, v18;
	v23 =	vshll.u32 v21, $0x3  }
0x29f: {  	v31 =	vadd.s32 v24, v18;
	v24 =	vor.u32 v1, v23;
	v15 =	vsub.f32 $1.000000000e+00, v13;
	v21 =	vld.idx.msk [tilespmem:v33+s21+$0x0], $0xffff  }
.Ltmp5:
0x2a0: {  	v29 =	vor.u32 v4, v29;
	v33 =	vor.u32 v16, v20;
	v19 =	vld.idx.msk [tilespmem:v32+s21+$0x0], $0xffff;
	v32 =	vor.u32 v1, v26;
	(pc) =	sbr.rel @p0 .LBB2_13-.Ltmp5, $4  }
0x2a1: {  	v26 =	vor.u32 v4, v26;
	v20 =	vld.idx.msk [tilespmem:v14+s21+$0x0], $0xffff;
	v14 =	vadd.s32 v29, v11;
	v38 =	vadd.s32 v32, v18  }
0x2a2: {  	v39 =	vadd.s32 v30, v18;
	v26 =	vadd.s32 v26, v11;
	v32 =	vor.u32 v9, v14;
	v14 =	vld.idx.msk [tilespmem:v36+s21+$0x0], $0xffff  }
0x2a3: {  	v34 =	vor.u32 v4, v34;
	v30 =	vor.u32 v16, v38;
	v26 =	vor.u32 v9, v26;
	v29 =	vld.idx.msk [tilespmem:v35+s21+$0x0], $0xffff  }
0x2a4: {  	s1 =	sadd.s32 $0x10, s1;
	s2 =	sadd.s32 $0x10, s2;
	v36 =	vadd.s32 v34, v11;
	v34 =	vadd.s32 v37, v18;
	v35 =	vor.u32 v16, v39  }
0x2a5: {  	_ =	sdelay $0x3  }
0x2a6: {  	v33 =	vld.idx.msk [tilespmem:v33+s21+$0x0], $0xffff  }
0x2a7: {  	v28 =	vor.u32 v16, v28;
	v32 =	vld.idx.msk [tilespmem:v32+s21+$0x0], $0xffff  }
0x2a8: {  	v31 =	vor.u32 v16, v31;
	v35 =	vld.idx.msk [tilespmem:v35+s21+$0x0], $0xffff  }
0x2a9: {  	v36 =	vor.u32 v9, v36;
	v30 =	vld.idx.msk [tilespmem:v30+s21+$0x0], $0xffff  }
0x2aa: {  	v22 =	vor.u32 v16, v22;
	v43 =	vld.idx.msk [tilespmem:v26+s21+$0x0], $0xffff  }
0x2ab: {  	v34 =	vor.u32 v16, v34;
	v7 =	vld.idx.msk [tilespmem:v7+s21+$0x0], $0xffff  }
0x2ac: {  	v25 =	vor.u32 v16, v25;
	v28 =	vld.idx.msk [tilespmem:v28+s21+$0x0], $0xffff  }
0x2ad: {  	v10 =	vadd.s32 v10, v18;
	v27 =	vor.u32 v16, v27;
	v39 =	vld.idx.msk [tilespmem:v31+s21+$0x0], $0xffff  }
0x2ae: {  	v40 =	vadd.s32 v24, v18;
	v10 =	vor.u32 v16, v10;
	v47 =	vld.idx.msk [tilespmem:v36+s21+$0x0], $0xffff  }
0x2af: {  	v12 =	vadd.s32 v12, v11;
	v23 =	vor.u32 v4, v23;
	v45 =	vor.u32 v16, v40;
	v22 =	vld.idx.msk [tilespmem:v22+s21+$0x0], $0xffff  }
0x2b0: {  	v12 =	vor.u32 v9, v12;
	v38 =	vadd.s32 v23, v11;
	v50 =	vld.idx.msk [tilespmem:v34+s21+$0x0], $0xffff  }
0x2b1: {  	v21 =	vsub.f32 v21, v20;
	v41 =	vor.u32 v9, v38;
	v57 =	vld.idx.msk [tilespmem:v25+s21+$0x0], $0xffff  }
0x2b2: {  	v42 =	vsub.f32 v29, v33;
	v58 =	vld.idx.msk [tilespmem:v27+s21+$0x0], $0xffff  }
0x2b3: {  	v44 =	vsub.f32 $1.000000000e+00, v8;
	v48 =	vmul.f32 v8, v13;
	v46 =	vmul.f32 v21, v5;
	v10 =	vld.idx.msk [tilespmem:v10+s21+$0x0], $0xffff  }
0x2b4: {  	v53 =	vmul.f32 v15, v8;
	v16 =	vld.idx.msk [tilespmem:v45+s21+$0x0], $0xffff;
	v11 =	vmul.f32 v42, v5  }
0x2b5: {  	v49 =	vmul.f32 v44, v15;
	v18 =	vadd.f32 v46, v20;
	v24 =	vsub.f32 v43, v30;
	v12 =	vld.idx.msk [tilespmem:v12+s21+$0x0], $0xffff  }
0x2b6: {  	v51 =	vmul.f32 v44, v13;
	v9 =	vld.idx.msk [tilespmem:v41+s21+$0x0], $0xffff;
	v11 =	vadd.f32 v11, v33;
	v19 =	vsub.f32 v19, v28  }
0x2b7: {  	v18 =	vmul.f32 v18, v49;
	v52 =	vsub.f32 v32, v39;
	v54 =	vsub.f32 v47, v35  }
0x2b8: {  	v56 =	vmul.f32 v24, v5;
	v7 =	vsub.f32 v7, v22;
	v14 =	vsub.f32 v14, v50  }
0x2b9: {  	v6 =	vsub.f32 v6, v57;
	v17 =	vsub.f32 v17, v10;
	v11 =	vmul.f32 v11, v51  }
0x2ba: {  	v12 =	vsub.f32 v12, v58;
	v19 =	vmul.f32 v19, v5;
	v55 =	vmul.f32 v52, v5  }
0x2bb: {  	v15 =	vmul.f32 v54, v5;
	v7 =	vmul.f32 v7, v5;
	v9 =	vsub.f32 v9, v16  }
0x2bc: {  	v14 =	vmul.f32 v14, v5;
	v6 =	vmul.f32 v6, v5;
	v11 =	vadd.f32 v11, v18  }
0x2bd: {  	v17 =	vmul.f32 v17, v5;
	v18 =	vadd.f32 v56, v30;
	v19 =	vadd.f32 v19, v28  }
0x2be: {  	v15 =	vadd.f32 v15, v35;
	v7 =	vadd.f32 v7, v22;
	v9 =	vmul.f32 v9, v5  }
0x2bf: {  	v5 =	vmul.f32 v12, v5;
	v60 =	vadd.f32 v14, v50;
	v10 =	vadd.f32 v17, v10  }
0x2c0: {  	v17 =	vadd.f32 v55, v39;
	v59 =	vmul.f32 v18, v53;
	v19 =	vmul.f32 v19, v49  }
0x2c1: {  	v7 =	vmul.f32 v7, v49;
	v9 =	vadd.f32 v9, v16;
	v10 =	vmul.f32 v10, v51  }
0x2c2: {  	v6 =	vadd.f32 v6, v57;
	v15 =	vmul.f32 v15, v53;
	v13 =	vmul.f32 v17, v51  }
0x2c3: {  	v5 =	vadd.f32 v5, v58;
	v8 =	vmul.f32 v9, v53;
	v7 =	vadd.f32 v10, v7  }
0x2c4: {  	v62 =	vmul.f32 v60, v48;
	v61 =	vadd.f32 v59, v11;
	v13 =	vadd.f32 v13, v19  }
0x2c5: {  	v6 =	vmul.f32 v6, v48;
	v7 =	vadd.f32 v8, v7  }
0x2c6: {  	v5 =	vmul.f32 v5, v48;
	v9 =	vadd.f32 v62, v61;
	v63 =	vadd.f32 v15, v13  }
0x2c7: {  	v6 =	vadd.f32 v6, v7  }
0x2c8: {  	[tilespmem:s12+$0x0] =	vst v9;
	v5 =	vadd.f32 v5, v63  }
0x2c9: {  	[tilespmem:s4+$0x0] =	vst v6  }
0x2ca: {  	s25 =	sadd.s32 s7, s30;
	[tilespmem:s0+$0x0] =	vst v5  }
0x2cb: {  	[hbm4b:s25+s3] =	stream.linear.scatter [tilespmem:s28], [sflag:$0x3], $0x100, $0x38;
	[tilespmem:$0x1C300] =	vst v63  }
0x2cc: {  	_ =	swait.ge [sflag:s16], $0x100  }
0x2cd: {  	[sflag:s16] =	ssyncset.done $0x0  }
0x2ce: {  	s1 =	simm.s32 $0x1C100;
	s28 =	sadd.s32 s8, s30;
	[sflag:s16] =	ssyncadd.s32 $0xFFFFFF00  }
0x2cf: {  	[hbm4b:s28+s3] =	stream.linear.scatter [tilespmem:s1], [sflag:$0x3], $0x100, $0x38;
	[tilespmem:$0x1C300] =	vst v63  }
0x2d0: {  	s29 =	sadd.s32 $0x1, s29;
	_ =	swait.ge [sflag:s16], $0x100  }
0x2d1: {  	s31 =	simm.s32 $0x1C200;
	p0 =	sne.s32 s29, $0x40;
	[sflag:s16] =	ssyncset.done $0x0  }
.Ltmp6:
0x2d2: {  	s30 =	sadd.s32 s10, s30;
	[sflag:s16] =	ssyncadd.s32 $0xFFFFFF00;
	(pc) =	sbr.rel @p0 .LBB2_4-.Ltmp6, $4  }
0x2d3: {  	[hbm4b:s30+s3] =	stream.linear.scatter [tilespmem:s31], [sflag:$0x3], $0x100, $0x38;
	[tilespmem:$0x1C300] =	vst v63  }
0x2d4: {  	_ =	swait.ge [sflag:s16], $0x100  }
0x2d5: {  	[sflag:s16] =	ssyncset.done $0x0  }
0x2d6: {  	[sflag:s16] =	ssyncadd.s32 $0xFFFFFF00  }
0x2d7: {  	s1 =	rddreg [dreg:$0xa]  }
0x2d8: {  	s0 =	rddreg [dreg:$0x9];
	s1 =	sadd.s32 $0x1, s1  }
0x2d9: {  	p0 =	sne.s32 s1, s0  }
.Ltmp7:
0x2da: {  	_ = 	snop;
	(pc) =	sbr.rel @p0 .LBB2_1-.Ltmp7, $1  }
0x2db: {  	_ =	sdelay $0x3  }
0x2dc: {  	_ =	sfence.sel $0x180000  }
0x2dd: {  	[bflag:$0x0] =	sbarrier.arrive $0xFFFF  }
0x2de: {  	_ =	strace $0x90000047  }
0x2df: {  	s0 =	stileid.u32;
	[bflag:$0x2] =	sbarrier.arrive $0xFFFF  }
0x2e0: {  	p0 =	sne.s32 s0, $0x0;
	s0 =	rddreg [dreg:$0x3]  }
0x2e1: {  	s0 =	sadd.s32 @!p0 $0x100000, s0  }
0x2e2: {  	[sflag:s0] =	ssyncadd.tile.s32 @!p0 $0x1;
	_ =	shalt  }
.Lfunc_end2:
_tile_overlayer_lowered:
.L_overlay_start_2:
0x2e3: {  	(tag) =	ssettag $0x2  }
0x2e4: {  	s0 =	rddreg [dreg:$0x0];
	s2 =	stileid.u32  }
0x2e5: {  	s1 =	rddreg [dreg:$0x1];
	p0 =	sne.s32 s2, $0x0  }
0x2e6: {  	s3 =	rddreg [dreg:$0x2];
	[bflag:$0x3] =	sbarrier.arrive $0xFFFF;
	s2 =	simm.s32 @!p0 $0x1C03  }
0x2e7: {  	[timem:s3], [sflag:s2] =	dma.local @!p0 [hbm:s0], s1  }
0x2e8: {  	s0 =	simm.s32 @!p0 $0x3  }
0x2e9: {  	_ =	swait.ge @!p0 [sflag:s0], s1  }
0x2ea: {  	s1 =	ssub.s32 @!p0 $0x0, s1;
	[sflag:s0] =	ssyncset.done @!p0 $0x0  }
0x2eb: {  	[sflag:s0] =	ssyncadd.s32 @!p0 s1  }
0x2ec: {  	[bflag:$0x3] =	sbarrier.arrive $0xFFFF  }
0x2ed: {  	_ =	shalt  }

</sc_bundles>
